<compile_context>
chip_gen: v7x
topology: tpu7x:2x2x1
jax: 0.10.2.dev20260603
libtpu: 0.0.44.dev20260713+nightly
codegen_flags: <defaults>
</compile_context>

<pallas_src>
import functools

import jax
import jax.numpy as jnp
from jax import lax
from jax.experimental import pallas as pl
from jax.experimental.pallas import tpu as pltpu
from jax.experimental.pallas import tpu_sc as plsc

_INFO = plsc.get_sparse_core_info()
_NC, _NS = _INFO.num_cores, _INFO.num_subcores
_NW = _NC * _NS

_NBUF = 16


def _make_kernel(batch, maxlen, embed):
    rows_w = batch // _NW

    mesh = plsc.VectorSubcoreMesh(core_axis_name="c", subcore_axis_name="s")

    @functools.partial(
        pl.kernel,
        out_type=jax.ShapeDtypeStruct((batch, maxlen, embed), jnp.float32),
        mesh=mesh,
        scratch_types=[
            pltpu.VMEM((rows_w, maxlen), jnp.int32),
            pltpu.VMEM((1, maxlen), jnp.int32),
            pltpu.VMEM((_NBUF, maxlen, embed), jnp.float32),
        ]
        + [pltpu.SemaphoreType.DMA] * _NBUF,
        compiler_params=pltpu.CompilerParams(use_tc_tiling_on_sc=False),
    )
    def k(x_hbm, tok_hbm, pos_hbm, pidx_hbm, out_hbm, idx_v, pidx_v, rows_v,
          *sems):
        wid = lax.axis_index("s") * _NC + lax.axis_index("c")
        base = wid * rows_w
        pltpu.sync_copy(x_hbm.at[pl.ds(base, rows_w)], idx_v)
        pltpu.sync_copy(pidx_hbm, pidx_v)

        @pl.loop(0, rows_w, step=_NBUF)
        def group(g):
            toks = []
            for b in range(_NBUF):
                toks.append(pltpu.async_copy(
                    tok_hbm.at[idx_v.at[g + b]], rows_v.at[b], sems[b]))
            poss = []
            for b in range(_NBUF):
                toks[b].wait()
                poss.append(pltpu.async_copy(
                    pos_hbm.at[pidx_v.at[0]], rows_v.at[b], sems[b],
                    add=True))
            outs = []
            for b in range(_NBUF):
                poss[b].wait()
                outs.append(pltpu.async_copy(
                    rows_v.at[b], out_hbm.at[base + g + b], sems[b]))
            for b in range(_NBUF):
                outs[b].wait()

    return k


def kernel(x, token_table, pos_table):
    batch, maxlen = x.shape
    embed = token_table.shape[-1]
    pidx = jnp.arange(maxlen, dtype=jnp.int32).reshape(1, maxlen)
    k = _make_kernel(batch, maxlen, embed)
    return k(x.astype(jnp.int32), token_table, pos_table, pidx)

# --- scband reference (transcript-rebuilt; emitter-appended) ---
"""Pipeline reference for scband-token-and-position-embedding-45921790329654 (READ-ONLY COPY).

The authoritative reference and input builder live on the scoring server;
editing this copy changes nothing except your own understanding.
"""

import jax, jax.numpy as jnp
import numpy as np

MAXLEN = 200
VOCAB_SIZE = 1000000
EMBED_DIM = 32
BATCH = 4096

def setup_inputs(seed: int = 0) -> dict:
    key = jax.random.key(seed)
    k_idx, k_tok, k_pos = jax.random.split(key, 3)
    x = jax.random.randint(k_idx, (BATCH, MAXLEN), 0, VOCAB_SIZE, dtype=jnp.int64 if jax.config.jax_enable_x64 else jnp.int32)
    # Learned parameters (Keras Embedding default: uniform init)
    token_table = jax.random.uniform(k_tok, (VOCAB_SIZE, EMBED_DIM), dtype=jnp.float32, minval=-0.05, maxval=0.05)
    pos_table = jax.random.uniform(k_pos, (MAXLEN, EMBED_DIM), dtype=jnp.float32, minval=-0.05, maxval=0.05)
    return {"x": x, "token_table": token_table, "pos_table": pos_table}

def reference(x, token_table, pos_table):
    # positions = range(0, maxlen)
    maxlen = x.shape[-1]
    positions = jnp.arange(maxlen)
    pos_embed = jnp.take(pos_table, positions, axis=0)      # [maxlen, embed_dim]
    tok_embed = jnp.take(token_table, x, axis=0)            # [batch, maxlen, embed_dim]
    return tok_embed + pos_embed[None, :, :]

if __name__ == "__main__":
    import jax
    _d = setup_inputs()
    print(jax.jit(kernel)(*tuple(_d.values())))

</pallas_src>

<mosaic_0001>
#map = affine_map<(d0, d1) -> (0, 0)>
#map1 = affine_map<(d0, d1) -> (0, 0, 0)>
module attributes {stable_mosaic.version = 14 : i64} {
  func.func @k(%arg0: i32, %arg1: i32, %arg2: memref<4096x200xi32, #tpu.memory_space<hbm>>, %arg3: memref<1000000x32xf32, #tpu.memory_space<hbm>>, %arg4: memref<200x32xf32, #tpu.memory_space<hbm>>, %arg5: memref<1x200xi32, #tpu.memory_space<hbm>>, %arg6: memref<4096x200x32xf32, #tpu.memory_space<hbm>>, %arg7: memref<128x200xi32, #tpu.memory_space<vmem>>, %arg8: memref<1x200xi32, #tpu.memory_space<vmem>>, %arg9: memref<16x200x32xf32, #tpu.memory_space<vmem>>, %arg10: memref<!tpu.dma_semaphore, #tpu.memory_space<semaphore_mem>>, %arg11: memref<!tpu.dma_semaphore, #tpu.memory_space<semaphore_mem>>, %arg12: memref<!tpu.dma_semaphore, #tpu.memory_space<semaphore_mem>>, %arg13: memref<!tpu.dma_semaphore, #tpu.memory_space<semaphore_mem>>, %arg14: memref<!tpu.dma_semaphore, #tpu.memory_space<semaphore_mem>>, %arg15: memref<!tpu.dma_semaphore, #tpu.memory_space<semaphore_mem>>, %arg16: memref<!tpu.dma_semaphore, #tpu.memory_space<semaphore_mem>>, %arg17: memref<!tpu.dma_semaphore, #tpu.memory_space<semaphore_mem>>, %arg18: memref<!tpu.dma_semaphore, #tpu.memory_space<semaphore_mem>>, %arg19: memref<!tpu.dma_semaphore, #tpu.memory_space<semaphore_mem>>, %arg20: memref<!tpu.dma_semaphore, #tpu.memory_space<semaphore_mem>>, %arg21: memref<!tpu.dma_semaphore, #tpu.memory_space<semaphore_mem>>, %arg22: memref<!tpu.dma_semaphore, #tpu.memory_space<semaphore_mem>>, %arg23: memref<!tpu.dma_semaphore, #tpu.memory_space<semaphore_mem>>, %arg24: memref<!tpu.dma_semaphore, #tpu.memory_space<semaphore_mem>>, %arg25: memref<!tpu.dma_semaphore, #tpu.memory_space<semaphore_mem>>) attributes {dimension_semantics = [#tpu.dimension_semantics<core_parallel>, #tpu.dimension_semantics<subcore_parallel>], iteration_bounds = array<i64: 2, 16>, scalar_prefetch = 0 : i64, scratch_operands = 19 : i64, tpu.core_type = #tpu.core_type<sc_vector_subcore>, window_params = [{transform_indices = #map}, {transform_indices = #map}, {transform_indices = #map}, {transform_indices = #map}, {transform_indices = #map1}]} {
    %mul3A = arith.constant 2 : i32
    %mul3A_0 = arith.muli %arg1, %mul3A : i32
    %add3A = arith.addi %mul3A_0, %arg0 : i32
    %mul3A_1 = arith.constant 128 : i32
    %mul3A_2 = arith.muli %add3A, %mul3A_1 : i32
    "tpu.region"() ({
      %run_scoped3A = tpu.sem_alloc : memref<!tpu.dma_semaphore, #tpu.memory_space<semaphore_mem>>
      %dma_start3A = arith.constant 0 : i32
      %dma_start3A_7 = tpu.memref_slice %arg2[%mul3A_2, %dma_start3A] : memref<4096x200xi32, #tpu.memory_space<hbm>> -> memref<128x200xi32, #tpu.memory_space<hbm>>
      %dma_start3A_8 = arith.constant 0 : i32
      %dma_start3A_9 = tpu.memref_slice %arg2[%mul3A_2, %dma_start3A_8] : memref<4096x200xi32, #tpu.memory_space<hbm>> -> memref<128x200xi32, #tpu.memory_space<hbm>>
      tpu.enqueue_dma source(%dma_start3A_9 : memref<128x200xi32, #tpu.memory_space<hbm>>) target(%arg7 : memref<128x200xi32, #tpu.memory_space<vmem>>) target_semaphore(%run_scoped3A : memref<!tpu.dma_semaphore, #tpu.memory_space<semaphore_mem>>)
      %dma_wait3A = arith.constant 0 : i32
      %dma_wait3A_10 = tpu.memref_slice %arg2[%mul3A_2, %dma_wait3A] : memref<4096x200xi32, #tpu.memory_space<hbm>> -> memref<128x200xi32, #tpu.memory_space<hbm>>
      %dma_wait3A_11 = arith.constant 0 : i32
      %dma_wait3A_12 = tpu.memref_slice %arg2[%mul3A_2, %dma_wait3A_11] : memref<4096x200xi32, #tpu.memory_space<hbm>> -> memref<128x200xi32, #tpu.memory_space<hbm>>
      tpu.wait_dma2 semaphore(%run_scoped3A : memref<!tpu.dma_semaphore, #tpu.memory_space<semaphore_mem>>) src(%dma_wait3A_12 : memref<128x200xi32, #tpu.memory_space<hbm>>) dst(%arg7 : memref<128x200xi32, #tpu.memory_space<vmem>>)
      tpu.yield
    }) : () -> ()
    "tpu.region"() ({
      %run_scoped3A = tpu.sem_alloc : memref<!tpu.dma_semaphore, #tpu.memory_space<semaphore_mem>>
      tpu.enqueue_dma source(%arg5 : memref<1x200xi32, #tpu.memory_space<hbm>>) target(%arg8 : memref<1x200xi32, #tpu.memory_space<vmem>>) target_semaphore(%run_scoped3A : memref<!tpu.dma_semaphore, #tpu.memory_space<semaphore_mem>>)
      tpu.wait_dma2 semaphore(%run_scoped3A : memref<!tpu.dma_semaphore, #tpu.memory_space<semaphore_mem>>) src(%arg5 : memref<1x200xi32, #tpu.memory_space<hbm>>) dst(%arg8 : memref<1x200xi32, #tpu.memory_space<vmem>>)
      tpu.yield
    }) : () -> ()
    %scan3A = arith.constant 0 : i32
    %scan3A_3 = arith.constant 8 : i32
    %scan3A_4 = arith.addi %scan3A, %scan3A_3 : i32
    %scan3A_5 = arith.constant 1 : i32
    scf.for %scan3A_7 = %scan3A to %scan3A_4 step %scan3A_5  : i32 {
      %mul3A_8 = arith.constant 16 : i32
      %mul3A_9 = arith.muli %scan3A_7, %mul3A_8 : i32
      %add3A_10 = arith.constant 0 : i32
      %add3A_11 = arith.addi %add3A_10, %mul3A_9 : i32
      %add3A_12 = arith.constant 0 : i32
      %add3A_13 = arith.addi %add3A_11, %add3A_12 : i32
      %dma_start3A = arith.constant 0 : i32
      %dma_start3A_14 = arith.constant 0 : i32
      %dma_start3A_15 = arith.constant 0 : i32
      %dma_start3A_16 = tpu.memref_slice %arg9[%dma_start3A, %dma_start3A_14, %dma_start3A_15] : memref<16x200x32xf32, #tpu.memory_space<vmem>> -> memref<1x200x32xf32, #tpu.memory_space<vmem>>
      %dma_start3A_17 = tpu.memref_squeeze %dma_start3A_16 : memref<1x200x32xf32, #tpu.memory_space<vmem>> -> memref<200x32xf32, #tpu.memory_space<vmem>>
      %dma_start3A_18 = arith.constant 0 : i32
      %dma_start3A_19 = tpu.memref_slice %arg7[%add3A_13, %dma_start3A_18] : memref<128x200xi32, #tpu.memory_space<vmem>> -> memref<1x200xi32, #tpu.memory_space<vmem>>
      %dma_start3A_20 = tpu.memref_squeeze %dma_start3A_19 : memref<1x200xi32, #tpu.memory_space<vmem>> -> memref<200xi32, #tpu.memory_space<vmem>>
      %dma_start3A_21 = arith.constant 0 : i32
      %dma_start3A_22 = arith.constant 0 : i32
      %dma_start3A_23 = tpu.memref_slice %arg3[%dma_start3A_21, %dma_start3A_22] : memref<1000000x32xf32, #tpu.memory_space<hbm>> -> memref<1000000x32xf32, #tpu.memory_space<hbm>>
      tpu.enqueue_indirect_dma source(%dma_start3A_23 : memref<1000000x32xf32, #tpu.memory_space<hbm>>) target(%dma_start3A_17 : memref<200x32xf32, #tpu.memory_space<vmem>>) offsets(%dma_start3A_20 : memref<200xi32, #tpu.memory_space<vmem>>) semaphore(%arg10 : memref<!tpu.dma_semaphore, #tpu.memory_space<semaphore_mem>>)
      %add3A_24 = arith.constant 1 : i32
      %add3A_25 = arith.addi %add3A_11, %add3A_24 : i32
      %dma_start3A_26 = arith.constant 1 : i32
      %dma_start3A_27 = arith.constant 0 : i32
      %dma_start3A_28 = arith.constant 0 : i32
      %dma_start3A_29 = tpu.memref_slice %arg9[%dma_start3A_26, %dma_start3A_27, %dma_start3A_28] : memref<16x200x32xf32, #tpu.memory_space<vmem>> -> memref<1x200x32xf32, #tpu.memory_space<vmem>>
      %dma_start3A_30 = tpu.memref_squeeze %dma_start3A_29 : memref<1x200x32xf32, #tpu.memory_space<vmem>> -> memref<200x32xf32, #tpu.memory_space<vmem>>
      %dma_start3A_31 = arith.constant 0 : i32
      %dma_start3A_32 = tpu.memref_slice %arg7[%add3A_25, %dma_start3A_31] : memref<128x200xi32, #tpu.memory_space<vmem>> -> memref<1x200xi32, #tpu.memory_space<vmem>>
      %dma_start3A_33 = tpu.memref_squeeze %dma_start3A_32 : memref<1x200xi32, #tpu.memory_space<vmem>> -> memref<200xi32, #tpu.memory_space<vmem>>
      %dma_start3A_34 = arith.constant 0 : i32
      %dma_start3A_35 = arith.constant 0 : i32
      %dma_start3A_36 = tpu.memref_slice %arg3[%dma_start3A_34, %dma_start3A_35] : memref<1000000x32xf32, #tpu.memory_space<hbm>> -> memref<1000000x32xf32, #tpu.memory_space<hbm>>
      tpu.enqueue_indirect_dma source(%dma_start3A_36 : memref<1000000x32xf32, #tpu.memory_space<hbm>>) target(%dma_start3A_30 : memref<200x32xf32, #tpu.memory_space<vmem>>) offsets(%dma_start3A_33 : memref<200xi32, #tpu.memory_space<vmem>>) semaphore(%arg11 : memref<!tpu.dma_semaphore, #tpu.memory_space<semaphore_mem>>)
      %add3A_37 = arith.constant 2 : i32
      %add3A_38 = arith.addi %add3A_11, %add3A_37 : i32
      %dma_start3A_39 = arith.constant 2 : i32
      %dma_start3A_40 = arith.constant 0 : i32
      %dma_start3A_41 = arith.constant 0 : i32
      %dma_start3A_42 = tpu.memref_slice %arg9[%dma_start3A_39, %dma_start3A_40, %dma_start3A_41] : memref<16x200x32xf32, #tpu.memory_space<vmem>> -> memref<1x200x32xf32, #tpu.memory_space<vmem>>
      %dma_start3A_43 = tpu.memref_squeeze %dma_start3A_42 : memref<1x200x32xf32, #tpu.memory_space<vmem>> -> memref<200x32xf32, #tpu.memory_space<vmem>>
      %dma_start3A_44 = arith.constant 0 : i32
      %dma_start3A_45 = tpu.memref_slice %arg7[%add3A_38, %dma_start3A_44] : memref<128x200xi32, #tpu.memory_space<vmem>> -> memref<1x200xi32, #tpu.memory_space<vmem>>
      %dma_start3A_46 = tpu.memref_squeeze %dma_start3A_45 : memref<1x200xi32, #tpu.memory_space<vmem>> -> memref<200xi32, #tpu.memory_space<vmem>>
      %dma_start3A_47 = arith.constant 0 : i32
      %dma_start3A_48 = arith.constant 0 : i32
      %dma_start3A_49 = tpu.memref_slice %arg3[%dma_start3A_47, %dma_start3A_48] : memref<1000000x32xf32, #tpu.memory_space<hbm>> -> memref<1000000x32xf32, #tpu.memory_space<hbm>>
      tpu.enqueue_indirect_dma source(%dma_start3A_49 : memref<1000000x32xf32, #tpu.memory_space<hbm>>) target(%dma_start3A_43 : memref<200x32xf32, #tpu.memory_space<vmem>>) offsets(%dma_start3A_46 : memref<200xi32, #tpu.memory_space<vmem>>) semaphore(%arg12 : memref<!tpu.dma_semaphore, #tpu.memory_space<semaphore_mem>>)
      %add3A_50 = arith.constant 3 : i32
      %add3A_51 = arith.addi %add3A_11, %add3A_50 : i32
      %dma_start3A_52 = arith.constant 3 : i32
      %dma_start3A_53 = arith.constant 0 : i32
      %dma_start3A_54 = arith.constant 0 : i32
      %dma_start3A_55 = tpu.memref_slice %arg9[%dma_start3A_52, %dma_start3A_53, %dma_start3A_54] : memref<16x200x32xf32, #tpu.memory_space<vmem>> -> memref<1x200x32xf32, #tpu.memory_space<vmem>>
      %dma_start3A_56 = tpu.memref_squeeze %dma_start3A_55 : memref<1x200x32xf32, #tpu.memory_space<vmem>> -> memref<200x32xf32, #tpu.memory_space<vmem>>
      %dma_start3A_57 = arith.constant 0 : i32
      %dma_start3A_58 = tpu.memref_slice %arg7[%add3A_51, %dma_start3A_57] : memref<128x200xi32, #tpu.memory_space<vmem>> -> memref<1x200xi32, #tpu.memory_space<vmem>>
      %dma_start3A_59 = tpu.memref_squeeze %dma_start3A_58 : memref<1x200xi32, #tpu.memory_space<vmem>> -> memref<200xi32, #tpu.memory_space<vmem>>
      %dma_start3A_60 = arith.constant 0 : i32
      %dma_start3A_61 = arith.constant 0 : i32
      %dma_start3A_62 = tpu.memref_slice %arg3[%dma_start3A_60, %dma_start3A_61] : memref<1000000x32xf32, #tpu.memory_space<hbm>> -> memref<1000000x32xf32, #tpu.memory_space<hbm>>
      tpu.enqueue_indirect_dma source(%dma_start3A_62 : memref<1000000x32xf32, #tpu.memory_space<hbm>>) target(%dma_start3A_56 : memref<200x32xf32, #tpu.memory_space<vmem>>) offsets(%dma_start3A_59 : memref<200xi32, #tpu.memory_space<vmem>>) semaphore(%arg13 : memref<!tpu.dma_semaphore, #tpu.memory_space<semaphore_mem>>)
      %add3A_63 = arith.constant 4 : i32
      %add3A_64 = arith.addi %add3A_11, %add3A_63 : i32
      %dma_start3A_65 = arith.constant 4 : i32
      %dma_start3A_66 = arith.constant 0 : i32
      %dma_start3A_67 = arith.constant 0 : i32
      %dma_start3A_68 = tpu.memref_slice %arg9[%dma_start3A_65, %dma_start3A_66, %dma_start3A_67] : memref<16x200x32xf32, #tpu.memory_space<vmem>> -> memref<1x200x32xf32, #tpu.memory_space<vmem>>
      %dma_start3A_69 = tpu.memref_squeeze %dma_start3A_68 : memref<1x200x32xf32, #tpu.memory_space<vmem>> -> memref<200x32xf32, #tpu.memory_space<vmem>>
      %dma_start3A_70 = arith.constant 0 : i32
      %dma_start3A_71 = tpu.memref_slice %arg7[%add3A_64, %dma_start3A_70] : memref<128x200xi32, #tpu.memory_space<vmem>> -> memref<1x200xi32, #tpu.memory_space<vmem>>
      %dma_start3A_72 = tpu.memref_squeeze %dma_start3A_71 : memref<1x200xi32, #tpu.memory_space<vmem>> -> memref<200xi32, #tpu.memory_space<vmem>>
      %dma_start3A_73 = arith.constant 0 : i32
      %dma_start3A_74 = arith.constant 0 : i32
      %dma_start3A_75 = tpu.memref_slice %arg3[%dma_start3A_73, %dma_start3A_74] : memref<1000000x32xf32, #tpu.memory_space<hbm>> -> memref<1000000x32xf32, #tpu.memory_space<hbm>>
      tpu.enqueue_indirect_dma source(%dma_start3A_75 : memref<1000000x32xf32, #tpu.memory_space<hbm>>) target(%dma_start3A_69 : memref<200x32xf32, #tpu.memory_space<vmem>>) offsets(%dma_start3A_72 : memref<200xi32, #tpu.memory_space<vmem>>) semaphore(%arg14 : memref<!tpu.dma_semaphore, #tpu.memory_space<semaphore_mem>>)
      %add3A_76 = arith.constant 5 : i32
      %add3A_77 = arith.addi %add3A_11, %add3A_76 : i32
      %dma_start3A_78 = arith.constant 5 : i32
      %dma_start3A_79 = arith.constant 0 : i32
      %dma_start3A_80 = arith.constant 0 : i32
      %dma_start3A_81 = tpu.memref_slice %arg9[%dma_start3A_78, %dma_start3A_79, %dma_start3A_80] : memref<16x200x32xf32, #tpu.memory_space<vmem>> -> memref<1x200x32xf32, #tpu.memory_space<vmem>>
      %dma_start3A_82 = tpu.memref_squeeze %dma_start3A_81 : memref<1x200x32xf32, #tpu.memory_space<vmem>> -> memref<200x32xf32, #tpu.memory_space<vmem>>
      %dma_start3A_83 = arith.constant 0 : i32
      %dma_start3A_84 = tpu.memref_slice %arg7[%add3A_77, %dma_start3A_83] : memref<128x200xi32, #tpu.memory_space<vmem>> -> memref<1x200xi32, #tpu.memory_space<vmem>>
      %dma_start3A_85 = tpu.memref_squeeze %dma_start3A_84 : memref<1x200xi32, #tpu.memory_space<vmem>> -> memref<200xi32, #tpu.memory_space<vmem>>
      %dma_start3A_86 = arith.constant 0 : i32
      %dma_start3A_87 = arith.constant 0 : i32
      %dma_start3A_88 = tpu.memref_slice %arg3[%dma_start3A_86, %dma_start3A_87] : memref<1000000x32xf32, #tpu.memory_space<hbm>> -> memref<1000000x32xf32, #tpu.memory_space<hbm>>
      tpu.enqueue_indirect_dma source(%dma_start3A_88 : memref<1000000x32xf32, #tpu.memory_space<hbm>>) target(%dma_start3A_82 : memref<200x32xf32, #tpu.memory_space<vmem>>) offsets(%dma_start3A_85 : memref<200xi32, #tpu.memory_space<vmem>>) semaphore(%arg15 : memref<!tpu.dma_semaphore, #tpu.memory_space<semaphore_mem>>)
      %add3A_89 = arith.constant 6 : i32
      %add3A_90 = arith.addi %add3A_11, %add3A_89 : i32
      %dma_start3A_91 = arith.constant 6 : i32
      %dma_start3A_92 = arith.constant 0 : i32
      %dma_start3A_93 = arith.constant 0 : i32
      %dma_start3A_94 = tpu.memref_slice %arg9[%dma_start3A_91, %dma_start3A_92, %dma_start3A_93] : memref<16x200x32xf32, #tpu.memory_space<vmem>> -> memref<1x200x32xf32, #tpu.memory_space<vmem>>
      %dma_start3A_95 = tpu.memref_squeeze %dma_start3A_94 : memref<1x200x32xf32, #tpu.memory_space<vmem>> -> memref<200x32xf32, #tpu.memory_space<vmem>>
      %dma_start3A_96 = arith.constant 0 : i32
      %dma_start3A_97 = tpu.memref_slice %arg7[%add3A_90, %dma_start3A_96] : memref<128x200xi32, #tpu.memory_space<vmem>> -> memref<1x200xi32, #tpu.memory_space<vmem>>
      %dma_start3A_98 = tpu.memref_squeeze %dma_start3A_97 : memref<1x200xi32, #tpu.memory_space<vmem>> -> memref<200xi32, #tpu.memory_space<vmem>>
      %dma_start3A_99 = arith.constant 0 : i32
      %dma_start3A_100 = arith.constant 0 : i32
      %dma_start3A_101 = tpu.memref_slice %arg3[%dma_start3A_99, %dma_start3A_100] : memref<1000000x32xf32, #tpu.memory_space<hbm>> -> memref<1000000x32xf32, #tpu.memory_space<hbm>>
      tpu.enqueue_indirect_dma source(%dma_start3A_101 : memref<1000000x32xf32, #tpu.memory_space<hbm>>) target(%dma_start3A_95 : memref<200x32xf32, #tpu.memory_space<vmem>>) offsets(%dma_start3A_98 : memref<200xi32, #tpu.memory_space<vmem>>) semaphore(%arg16 : memref<!tpu.dma_semaphore, #tpu.memory_space<semaphore_mem>>)
      %add3A_102 = arith.constant 7 : i32
      %add3A_103 = arith.addi %add3A_11, %add3A_102 : i32
      %dma_start3A_104 = arith.constant 7 : i32
      %dma_start3A_105 = arith.constant 0 : i32
      %dma_start3A_106 = arith.constant 0 : i32
      %dma_start3A_107 = tpu.memref_slice %arg9[%dma_start3A_104, %dma_start3A_105, %dma_start3A_106] : memref<16x200x32xf32, #tpu.memory_space<vmem>> -> memref<1x200x32xf32, #tpu.memory_space<vmem>>
      %dma_start3A_108 = tpu.memref_squeeze %dma_start3A_107 : memref<1x200x32xf32, #tpu.memory_space<vmem>> -> memref<200x32xf32, #tpu.memory_space<vmem>>
      %dma_start3A_109 = arith.constant 0 : i32
      %dma_start3A_110 = tpu.memref_slice %arg7[%add3A_103, %dma_start3A_109] : memref<128x200xi32, #tpu.memory_space<vmem>> -> memref<1x200xi32, #tpu.memory_space<vmem>>
      %dma_start3A_111 = tpu.memref_squeeze %dma_start3A_110 : memref<1x200xi32, #tpu.memory_space<vmem>> -> memref<200xi32, #tpu.memory_space<vmem>>
      %dma_start3A_112 = arith.constant 0 : i32
      %dma_start3A_113 = arith.constant 0 : i32
      %dma_start3A_114 = tpu.memref_slice %arg3[%dma_start3A_112, %dma_start3A_113] : memref<1000000x32xf32, #tpu.memory_space<hbm>> -> memref<1000000x32xf32, #tpu.memory_space<hbm>>
      tpu.enqueue_indirect_dma source(%dma_start3A_114 : memref<1000000x32xf32, #tpu.memory_space<hbm>>) target(%dma_start3A_108 : memref<200x32xf32, #tpu.memory_space<vmem>>) offsets(%dma_start3A_111 : memref<200xi32, #tpu.memory_space<vmem>>) semaphore(%arg17 : memref<!tpu.dma_semaphore, #tpu.memory_space<semaphore_mem>>)
      %add3A_115 = arith.constant 8 : i32
      %add3A_116 = arith.addi %add3A_11, %add3A_115 : i32
      %dma_start3A_117 = arith.constant 8 : i32
      %dma_start3A_118 = arith.constant 0 : i32
      %dma_start3A_119 = arith.constant 0 : i32
      %dma_start3A_120 = tpu.memref_slice %arg9[%dma_start3A_117, %dma_start3A_118, %dma_start3A_119] : memref<16x200x32xf32, #tpu.memory_space<vmem>> -> memref<1x200x32xf32, #tpu.memory_space<vmem>>
      %dma_start3A_121 = tpu.memref_squeeze %dma_start3A_120 : memref<1x200x32xf32, #tpu.memory_space<vmem>> -> memref<200x32xf32, #tpu.memory_space<vmem>>
      %dma_start3A_122 = arith.constant 0 : i32
      %dma_start3A_123 = tpu.memref_slice %arg7[%add3A_116, %dma_start3A_122] : memref<128x200xi32, #tpu.memory_space<vmem>> -> memref<1x200xi32, #tpu.memory_space<vmem>>
      %dma_start3A_124 = tpu.memref_squeeze %dma_start3A_123 : memref<1x200xi32, #tpu.memory_space<vmem>> -> memref<200xi32, #tpu.memory_space<vmem>>
      %dma_start3A_125 = arith.constant 0 : i32
      %dma_start3A_126 = arith.constant 0 : i32
      %dma_start3A_127 = tpu.memref_slice %arg3[%dma_start3A_125, %dma_start3A_126] : memref<1000000x32xf32, #tpu.memory_space<hbm>> -> memref<1000000x32xf32, #tpu.memory_space<hbm>>
      tpu.enqueue_indirect_dma source(%dma_start3A_127 : memref<1000000x32xf32, #tpu.memory_space<hbm>>) target(%dma_start3A_121 : memref<200x32xf32, #tpu.memory_space<vmem>>) offsets(%dma_start3A_124 : memref<200xi32, #tpu.memory_space<vmem>>) semaphore(%arg18 : memref<!tpu.dma_semaphore, #tpu.memory_space<semaphore_mem>>)
      %add3A_128 = arith.constant 9 : i32
      %add3A_129 = arith.addi %add3A_11, %add3A_128 : i32
      %dma_start3A_130 = arith.constant 9 : i32
      %dma_start3A_131 = arith.constant 0 : i32
      %dma_start3A_132 = arith.constant 0 : i32
      %dma_start3A_133 = tpu.memref_slice %arg9[%dma_start3A_130, %dma_start3A_131, %dma_start3A_132] : memref<16x200x32xf32, #tpu.memory_space<vmem>> -> memref<1x200x32xf32, #tpu.memory_space<vmem>>
      %dma_start3A_134 = tpu.memref_squeeze %dma_start3A_133 : memref<1x200x32xf32, #tpu.memory_space<vmem>> -> memref<200x32xf32, #tpu.memory_space<vmem>>
      %dma_start3A_135 = arith.constant 0 : i32
      %dma_start3A_136 = tpu.memref_slice %arg7[%add3A_129, %dma_start3A_135] : memref<128x200xi32, #tpu.memory_space<vmem>> -> memref<1x200xi32, #tpu.memory_space<vmem>>
      %dma_start3A_137 = tpu.memref_squeeze %dma_start3A_136 : memref<1x200xi32, #tpu.memory_space<vmem>> -> memref<200xi32, #tpu.memory_space<vmem>>
      %dma_start3A_138 = arith.constant 0 : i32
      %dma_start3A_139 = arith.constant 0 : i32
      %dma_start3A_140 = tpu.memref_slice %arg3[%dma_start3A_138, %dma_start3A_139] : memref<1000000x32xf32, #tpu.memory_space<hbm>> -> memref<1000000x32xf32, #tpu.memory_space<hbm>>
      tpu.enqueue_indirect_dma source(%dma_start3A_140 : memref<1000000x32xf32, #tpu.memory_space<hbm>>) target(%dma_start3A_134 : memref<200x32xf32, #tpu.memory_space<vmem>>) offsets(%dma_start3A_137 : memref<200xi32, #tpu.memory_space<vmem>>) semaphore(%arg19 : memref<!tpu.dma_semaphore, #tpu.memory_space<semaphore_mem>>)
      %add3A_141 = arith.constant 10 : i32
      %add3A_142 = arith.addi %add3A_11, %add3A_141 : i32
      %dma_start3A_143 = arith.constant 10 : i32
      %dma_start3A_144 = arith.constant 0 : i32
      %dma_start3A_145 = arith.constant 0 : i32
      %dma_start3A_146 = tpu.memref_slice %arg9[%dma_start3A_143, %dma_start3A_144, %dma_start3A_145] : memref<16x200x32xf32, #tpu.memory_space<vmem>> -> memref<1x200x32xf32, #tpu.memory_space<vmem>>
      %dma_start3A_147 = tpu.memref_squeeze %dma_start3A_146 : memref<1x200x32xf32, #tpu.memory_space<vmem>> -> memref<200x32xf32, #tpu.memory_space<vmem>>
      %dma_start3A_148 = arith.constant 0 : i32
      %dma_start3A_149 = tpu.memref_slice %arg7[%add3A_142, %dma_start3A_148] : memref<128x200xi32, #tpu.memory_space<vmem>> -> memref<1x200xi32, #tpu.memory_space<vmem>>
      %dma_start3A_150 = tpu.memref_squeeze %dma_start3A_149 : memref<1x200xi32, #tpu.memory_space<vmem>> -> memref<200xi32, #tpu.memory_space<vmem>>
      %dma_start3A_151 = arith.constant 0 : i32
      %dma_start3A_152 = arith.constant 0 : i32
      %dma_start3A_153 = tpu.memref_slice %arg3[%dma_start3A_151, %dma_start3A_152] : memref<1000000x32xf32, #tpu.memory_space<hbm>> -> memref<1000000x32xf32, #tpu.memory_space<hbm>>
      tpu.enqueue_indirect_dma source(%dma_start3A_153 : memref<1000000x32xf32, #tpu.memory_space<hbm>>) target(%dma_start3A_147 : memref<200x32xf32, #tpu.memory_space<vmem>>) offsets(%dma_start3A_150 : memref<200xi32, #tpu.memory_space<vmem>>) semaphore(%arg20 : memref<!tpu.dma_semaphore, #tpu.memory_space<semaphore_mem>>)
      %add3A_154 = arith.constant 11 : i32
      %add3A_155 = arith.addi %add3A_11, %add3A_154 : i32
      %dma_start3A_156 = arith.constant 11 : i32
      %dma_start3A_157 = arith.constant 0 : i32
      %dma_start3A_158 = arith.constant 0 : i32
      %dma_start3A_159 = tpu.memref_slice %arg9[%dma_start3A_156, %dma_start3A_157, %dma_start3A_158] : memref<16x200x32xf32, #tpu.memory_space<vmem>> -> memref<1x200x32xf32, #tpu.memory_space<vmem>>
      %dma_start3A_160 = tpu.memref_squeeze %dma_start3A_159 : memref<1x200x32xf32, #tpu.memory_space<vmem>> -> memref<200x32xf32, #tpu.memory_space<vmem>>
      %dma_start3A_161 = arith.constant 0 : i32
      %dma_start3A_162 = tpu.memref_slice %arg7[%add3A_155, %dma_start3A_161] : memref<128x200xi32, #tpu.memory_space<vmem>> -> memref<1x200xi32, #tpu.memory_space<vmem>>
      %dma_start3A_163 = tpu.memref_squeeze %dma_start3A_162 : memref<1x200xi32, #tpu.memory_space<vmem>> -> memref<200xi32, #tpu.memory_space<vmem>>
      %dma_start3A_164 = arith.constant 0 : i32
      %dma_start3A_165 = arith.constant 0 : i32
      %dma_start3A_166 = tpu.memref_slice %arg3[%dma_start3A_164, %dma_start3A_165] : memref<1000000x32xf32, #tpu.memory_space<hbm>> -> memref<1000000x32xf32, #tpu.memory_space<hbm>>
      tpu.enqueue_indirect_dma source(%dma_start3A_166 : memref<1000000x32xf32, #tpu.memory_space<hbm>>) target(%dma_start3A_160 : memref<200x32xf32, #tpu.memory_space<vmem>>) offsets(%dma_start3A_163 : memref<200xi32, #tpu.memory_space<vmem>>) semaphore(%arg21 : memref<!tpu.dma_semaphore, #tpu.memory_space<semaphore_mem>>)
      %add3A_167 = arith.constant 12 : i32
      %add3A_168 = arith.addi %add3A_11, %add3A_167 : i32
      %dma_start3A_169 = arith.constant 12 : i32
      %dma_start3A_170 = arith.constant 0 : i32
      %dma_start3A_171 = arith.constant 0 : i32
      %dma_start3A_172 = tpu.memref_slice %arg9[%dma_start3A_169, %dma_start3A_170, %dma_start3A_171] : memref<16x200x32xf32, #tpu.memory_space<vmem>> -> memref<1x200x32xf32, #tpu.memory_space<vmem>>
      %dma_start3A_173 = tpu.memref_squeeze %dma_start3A_172 : memref<1x200x32xf32, #tpu.memory_space<vmem>> -> memref<200x32xf32, #tpu.memory_space<vmem>>
      %dma_start3A_174 = arith.constant 0 : i32
      %dma_start3A_175 = tpu.memref_slice %arg7[%add3A_168, %dma_start3A_174] : memref<128x200xi32, #tpu.memory_space<vmem>> -> memref<1x200xi32, #tpu.memory_space<vmem>>
      %dma_start3A_176 = tpu.memref_squeeze %dma_start3A_175 : memref<1x200xi32, #tpu.memory_space<vmem>> -> memref<200xi32, #tpu.memory_space<vmem>>
      %dma_start3A_177 = arith.constant 0 : i32
      %dma_start3A_178 = arith.constant 0 : i32
      %dma_start3A_179 = tpu.memref_slice %arg3[%dma_start3A_177, %dma_start3A_178] : memref<1000000x32xf32, #tpu.memory_space<hbm>> -> memref<1000000x32xf32, #tpu.memory_space<hbm>>
      tpu.enqueue_indirect_dma source(%dma_start3A_179 : memref<1000000x32xf32, #tpu.memory_space<hbm>>) target(%dma_start3A_173 : memref<200x32xf32, #tpu.memory_space<vmem>>) offsets(%dma_start3A_176 : memref<200xi32, #tpu.memory_space<vmem>>) semaphore(%arg22 : memref<!tpu.dma_semaphore, #tpu.memory_space<semaphore_mem>>)
      %add3A_180 = arith.constant 13 : i32
      %add3A_181 = arith.addi %add3A_11, %add3A_180 : i32
      %dma_start3A_182 = arith.constant 13 : i32
      %dma_start3A_183 = arith.constant 0 : i32
      %dma_start3A_184 = arith.constant 0 : i32
      %dma_start3A_185 = tpu.memref_slice %arg9[%dma_start3A_182, %dma_start3A_183, %dma_start3A_184] : memref<16x200x32xf32, #tpu.memory_space<vmem>> -> memref<1x200x32xf32, #tpu.memory_space<vmem>>
      %dma_start3A_186 = tpu.memref_squeeze %dma_start3A_185 : memref<1x200x32xf32, #tpu.memory_space<vmem>> -> memref<200x32xf32, #tpu.memory_space<vmem>>
      %dma_start3A_187 = arith.constant 0 : i32
      %dma_start3A_188 = tpu.memref_slice %arg7[%add3A_181, %dma_start3A_187] : memref<128x200xi32, #tpu.memory_space<vmem>> -> memref<1x200xi32, #tpu.memory_space<vmem>>
      %dma_start3A_189 = tpu.memref_squeeze %dma_start3A_188 : memref<1x200xi32, #tpu.memory_space<vmem>> -> memref<200xi32, #tpu.memory_space<vmem>>
      %dma_start3A_190 = arith.constant 0 : i32
      %dma_start3A_191 = arith.constant 0 : i32
      %dma_start3A_192 = tpu.memref_slice %arg3[%dma_start3A_190, %dma_start3A_191] : memref<1000000x32xf32, #tpu.memory_space<hbm>> -> memref<1000000x32xf32, #tpu.memory_space<hbm>>
      tpu.enqueue_indirect_dma source(%dma_start3A_192 : memref<1000000x32xf32, #tpu.memory_space<hbm>>) target(%dma_start3A_186 : memref<200x32xf32, #tpu.memory_space<vmem>>) offsets(%dma_start3A_189 : memref<200xi32, #tpu.memory_space<vmem>>) semaphore(%arg23 : memref<!tpu.dma_semaphore, #tpu.memory_space<semaphore_mem>>)
      %add3A_193 = arith.constant 14 : i32
      %add3A_194 = arith.addi %add3A_11, %add3A_193 : i32
      %dma_start3A_195 = arith.constant 14 : i32
      %dma_start3A_196 = arith.constant 0 : i32
      %dma_start3A_197 = arith.constant 0 : i32
      %dma_start3A_198 = tpu.memref_slice %arg9[%dma_start3A_195, %dma_start3A_196, %dma_start3A_197] : memref<16x200x32xf32, #tpu.memory_space<vmem>> -> memref<1x200x32xf32, #tpu.memory_space<vmem>>
      %dma_start3A_199 = tpu.memref_squeeze %dma_start3A_198 : memref<1x200x32xf32, #tpu.memory_space<vmem>> -> memref<200x32xf32, #tpu.memory_space<vmem>>
      %dma_start3A_200 = arith.constant 0 : i32
      %dma_start3A_201 = tpu.memref_slice %arg7[%add3A_194, %dma_start3A_200] : memref<128x200xi32, #tpu.memory_space<vmem>> -> memref<1x200xi32, #tpu.memory_space<vmem>>
      %dma_start3A_202 = tpu.memref_squeeze %dma_start3A_201 : memref<1x200xi32, #tpu.memory_space<vmem>> -> memref<200xi32, #tpu.memory_space<vmem>>
      %dma_start3A_203 = arith.constant 0 : i32
      %dma_start3A_204 = arith.constant 0 : i32
      %dma_start3A_205 = tpu.memref_slice %arg3[%dma_start3A_203, %dma_start3A_204] : memref<1000000x32xf32, #tpu.memory_space<hbm>> -> memref<1000000x32xf32, #tpu.memory_space<hbm>>
      tpu.enqueue_indirect_dma source(%dma_start3A_205 : memref<1000000x32xf32, #tpu.memory_space<hbm>>) target(%dma_start3A_199 : memref<200x32xf32, #tpu.memory_space<vmem>>) offsets(%dma_start3A_202 : memref<200xi32, #tpu.memory_space<vmem>>) semaphore(%arg24 : memref<!tpu.dma_semaphore, #tpu.memory_space<semaphore_mem>>)
      %add3A_206 = arith.constant 15 : i32
      %add3A_207 = arith.addi %add3A_11, %add3A_206 : i32
      %dma_start3A_208 = arith.constant 15 : i32
      %dma_start3A_209 = arith.constant 0 : i32
      %dma_start3A_210 = arith.constant 0 : i32
      %dma_start3A_211 = tpu.memref_slice %arg9[%dma_start3A_208, %dma_start3A_209, %dma_start3A_210] : memref<16x200x32xf32, #tpu.memory_space<vmem>> -> memref<1x200x32xf32, #tpu.memory_space<vmem>>
      %dma_start3A_212 = tpu.memref_squeeze %dma_start3A_211 : memref<1x200x32xf32, #tpu.memory_space<vmem>> -> memref<200x32xf32, #tpu.memory_space<vmem>>
      %dma_start3A_213 = arith.constant 0 : i32
      %dma_start3A_214 = tpu.memref_slice %arg7[%add3A_207, %dma_start3A_213] : memref<128x200xi32, #tpu.memory_space<vmem>> -> memref<1x200xi32, #tpu.memory_space<vmem>>
      %dma_start3A_215 = tpu.memref_squeeze %dma_start3A_214 : memref<1x200xi32, #tpu.memory_space<vmem>> -> memref<200xi32, #tpu.memory_space<vmem>>
      %dma_start3A_216 = arith.constant 0 : i32
      %dma_start3A_217 = arith.constant 0 : i32
      %dma_start3A_218 = tpu.memref_slice %arg3[%dma_start3A_216, %dma_start3A_217] : memref<1000000x32xf32, #tpu.memory_space<hbm>> -> memref<1000000x32xf32, #tpu.memory_space<hbm>>
      tpu.enqueue_indirect_dma source(%dma_start3A_218 : memref<1000000x32xf32, #tpu.memory_space<hbm>>) target(%dma_start3A_212 : memref<200x32xf32, #tpu.memory_space<vmem>>) offsets(%dma_start3A_215 : memref<200xi32, #tpu.memory_space<vmem>>) semaphore(%arg25 : memref<!tpu.dma_semaphore, #tpu.memory_space<semaphore_mem>>)
      %dma_wait3A = arith.constant 0 : i32
      %dma_wait3A_219 = arith.constant 0 : i32
      %dma_wait3A_220 = arith.constant 0 : i32
      %dma_wait3A_221 = tpu.memref_slice %arg9[%dma_wait3A, %dma_wait3A_219, %dma_wait3A_220] : memref<16x200x32xf32, #tpu.memory_space<vmem>> -> memref<1x200x32xf32, #tpu.memory_space<vmem>>
      %dma_wait3A_222 = tpu.memref_squeeze %dma_wait3A_221 : memref<1x200x32xf32, #tpu.memory_space<vmem>> -> memref<200x32xf32, #tpu.memory_space<vmem>>
      %dma_wait3A_223 = arith.constant 0 : i32
      %dma_wait3A_224 = tpu.memref_slice %arg7[%add3A_13, %dma_wait3A_223] : memref<128x200xi32, #tpu.memory_space<vmem>> -> memref<1x200xi32, #tpu.memory_space<vmem>>
      %dma_wait3A_225 = tpu.memref_squeeze %dma_wait3A_224 : memref<1x200xi32, #tpu.memory_space<vmem>> -> memref<200xi32, #tpu.memory_space<vmem>>
      %dma_wait3A_226 = arith.constant 0 : i32
      %dma_wait3A_227 = arith.constant 0 : i32
      %dma_wait3A_228 = tpu.memref_slice %arg3[%dma_wait3A_226, %dma_wait3A_227] : memref<1000000x32xf32, #tpu.memory_space<hbm>> -> memref<1000000x32xf32, #tpu.memory_space<hbm>>
      tpu.wait_indirect_dma semaphore(%arg10 : memref<!tpu.dma_semaphore, #tpu.memory_space<semaphore_mem>>) src(%dma_wait3A_228 : memref<1000000x32xf32, #tpu.memory_space<hbm>>) dst(%dma_wait3A_222 : memref<200x32xf32, #tpu.memory_space<vmem>>)
      %dma_start3A_229 = arith.constant 0 : i32
      %dma_start3A_230 = arith.constant 0 : i32
      %dma_start3A_231 = arith.constant 0 : i32
      %dma_start3A_232 = arith.constant 0 : i32
      %dma_start3A_233 = tpu.memref_slice %arg9[%dma_start3A_230, %dma_start3A_231, %dma_start3A_232] : memref<16x200x32xf32, #tpu.memory_space<vmem>> -> memref<1x200x32xf32, #tpu.memory_space<vmem>>
      %dma_start3A_234 = tpu.memref_squeeze %dma_start3A_233 : memref<1x200x32xf32, #tpu.memory_space<vmem>> -> memref<200x32xf32, #tpu.memory_space<vmem>>
      %dma_start3A_235 = arith.constant 0 : i32
      %dma_start3A_236 = tpu.memref_slice %arg8[%dma_start3A_229, %dma_start3A_235] : memref<1x200xi32, #tpu.memory_space<vmem>> -> memref<1x200xi32, #tpu.memory_space<vmem>>
      %dma_start3A_237 = tpu.memref_squeeze %dma_start3A_236 : memref<1x200xi32, #tpu.memory_space<vmem>> -> memref<200xi32, #tpu.memory_space<vmem>>
      %dma_start3A_238 = arith.constant 0 : i32
      %dma_start3A_239 = arith.constant 0 : i32
      %dma_start3A_240 = tpu.memref_slice %arg4[%dma_start3A_238, %dma_start3A_239] : memref<200x32xf32, #tpu.memory_space<hbm>> -> memref<200x32xf32, #tpu.memory_space<hbm>>
      tpu.enqueue_indirect_dma source(%dma_start3A_240 : memref<200x32xf32, #tpu.memory_space<hbm>>) target(%dma_start3A_234 : memref<200x32xf32, #tpu.memory_space<vmem>>) offsets(%dma_start3A_237 : memref<200xi32, #tpu.memory_space<vmem>>) semaphore(%arg10 : memref<!tpu.dma_semaphore, #tpu.memory_space<semaphore_mem>>) {add = true}
      %dma_wait3A_241 = arith.constant 1 : i32
      %dma_wait3A_242 = arith.constant 0 : i32
      %dma_wait3A_243 = arith.constant 0 : i32
      %dma_wait3A_244 = tpu.memref_slice %arg9[%dma_wait3A_241, %dma_wait3A_242, %dma_wait3A_243] : memref<16x200x32xf32, #tpu.memory_space<vmem>> -> memref<1x200x32xf32, #tpu.memory_space<vmem>>
      %dma_wait3A_245 = tpu.memref_squeeze %dma_wait3A_244 : memref<1x200x32xf32, #tpu.memory_space<vmem>> -> memref<200x32xf32, #tpu.memory_space<vmem>>
      %dma_wait3A_246 = arith.constant 0 : i32
      %dma_wait3A_247 = tpu.memref_slice %arg7[%add3A_25, %dma_wait3A_246] : memref<128x200xi32, #tpu.memory_space<vmem>> -> memref<1x200xi32, #tpu.memory_space<vmem>>
      %dma_wait3A_248 = tpu.memref_squeeze %dma_wait3A_247 : memref<1x200xi32, #tpu.memory_space<vmem>> -> memref<200xi32, #tpu.memory_space<vmem>>
      %dma_wait3A_249 = arith.constant 0 : i32
      %dma_wait3A_250 = arith.constant 0 : i32
      %dma_wait3A_251 = tpu.memref_slice %arg3[%dma_wait3A_249, %dma_wait3A_250] : memref<1000000x32xf32, #tpu.memory_space<hbm>> -> memref<1000000x32xf32, #tpu.memory_space<hbm>>
      tpu.wait_indirect_dma semaphore(%arg11 : memref<!tpu.dma_semaphore, #tpu.memory_space<semaphore_mem>>) src(%dma_wait3A_251 : memref<1000000x32xf32, #tpu.memory_space<hbm>>) dst(%dma_wait3A_245 : memref<200x32xf32, #tpu.memory_space<vmem>>)
      %dma_start3A_252 = arith.constant 0 : i32
      %dma_start3A_253 = arith.constant 1 : i32
      %dma_start3A_254 = arith.constant 0 : i32
      %dma_start3A_255 = arith.constant 0 : i32
      %dma_start3A_256 = tpu.memref_slice %arg9[%dma_start3A_253, %dma_start3A_254, %dma_start3A_255] : memref<16x200x32xf32, #tpu.memory_space<vmem>> -> memref<1x200x32xf32, #tpu.memory_space<vmem>>
      %dma_start3A_257 = tpu.memref_squeeze %dma_start3A_256 : memref<1x200x32xf32, #tpu.memory_space<vmem>> -> memref<200x32xf32, #tpu.memory_space<vmem>>
      %dma_start3A_258 = arith.constant 0 : i32
      %dma_start3A_259 = tpu.memref_slice %arg8[%dma_start3A_252, %dma_start3A_258] : memref<1x200xi32, #tpu.memory_space<vmem>> -> memref<1x200xi32, #tpu.memory_space<vmem>>
      %dma_start3A_260 = tpu.memref_squeeze %dma_start3A_259 : memref<1x200xi32, #tpu.memory_space<vmem>> -> memref<200xi32, #tpu.memory_space<vmem>>
      %dma_start3A_261 = arith.constant 0 : i32
      %dma_start3A_262 = arith.constant 0 : i32
      %dma_start3A_263 = tpu.memref_slice %arg4[%dma_start3A_261, %dma_start3A_262] : memref<200x32xf32, #tpu.memory_space<hbm>> -> memref<200x32xf32, #tpu.memory_space<hbm>>
      tpu.enqueue_indirect_dma source(%dma_start3A_263 : memref<200x32xf32, #tpu.memory_space<hbm>>) target(%dma_start3A_257 : memref<200x32xf32, #tpu.memory_space<vmem>>) offsets(%dma_start3A_260 : memref<200xi32, #tpu.memory_space<vmem>>) semaphore(%arg11 : memref<!tpu.dma_semaphore, #tpu.memory_space<semaphore_mem>>) {add = true}
      %dma_wait3A_264 = arith.constant 2 : i32
      %dma_wait3A_265 = arith.constant 0 : i32
      %dma_wait3A_266 = arith.constant 0 : i32
      %dma_wait3A_267 = tpu.memref_slice %arg9[%dma_wait3A_264, %dma_wait3A_265, %dma_wait3A_266] : memref<16x200x32xf32, #tpu.memory_space<vmem>> -> memref<1x200x32xf32, #tpu.memory_space<vmem>>
      %dma_wait3A_268 = tpu.memref_squeeze %dma_wait3A_267 : memref<1x200x32xf32, #tpu.memory_space<vmem>> -> memref<200x32xf32, #tpu.memory_space<vmem>>
      %dma_wait3A_269 = arith.constant 0 : i32
      %dma_wait3A_270 = tpu.memref_slice %arg7[%add3A_38, %dma_wait3A_269] : memref<128x200xi32, #tpu.memory_space<vmem>> -> memref<1x200xi32, #tpu.memory_space<vmem>>
      %dma_wait3A_271 = tpu.memref_squeeze %dma_wait3A_270 : memref<1x200xi32, #tpu.memory_space<vmem>> -> memref<200xi32, #tpu.memory_space<vmem>>
      %dma_wait3A_272 = arith.constant 0 : i32
      %dma_wait3A_273 = arith.constant 0 : i32
      %dma_wait3A_274 = tpu.memref_slice %arg3[%dma_wait3A_272, %dma_wait3A_273] : memref<1000000x32xf32, #tpu.memory_space<hbm>> -> memref<1000000x32xf32, #tpu.memory_space<hbm>>
      tpu.wait_indirect_dma semaphore(%arg12 : memref<!tpu.dma_semaphore, #tpu.memory_space<semaphore_mem>>) src(%dma_wait3A_274 : memref<1000000x32xf32, #tpu.memory_space<hbm>>) dst(%dma_wait3A_268 : memref<200x32xf32, #tpu.memory_space<vmem>>)
      %dma_start3A_275 = arith.constant 0 : i32
      %dma_start3A_276 = arith.constant 2 : i32
      %dma_start3A_277 = arith.constant 0 : i32
      %dma_start3A_278 = arith.constant 0 : i32
      %dma_start3A_279 = tpu.memref_slice %arg9[%dma_start3A_276, %dma_start3A_277, %dma_start3A_278] : memref<16x200x32xf32, #tpu.memory_space<vmem>> -> memref<1x200x32xf32, #tpu.memory_space<vmem>>
      %dma_start3A_280 = tpu.memref_squeeze %dma_start3A_279 : memref<1x200x32xf32, #tpu.memory_space<vmem>> -> memref<200x32xf32, #tpu.memory_space<vmem>>
      %dma_start3A_281 = arith.constant 0 : i32
      %dma_start3A_282 = tpu.memref_slice %arg8[%dma_start3A_275, %dma_start3A_281] : memref<1x200xi32, #tpu.memory_space<vmem>> -> memref<1x200xi32, #tpu.memory_space<vmem>>
      %dma_start3A_283 = tpu.memref_squeeze %dma_start3A_282 : memref<1x200xi32, #tpu.memory_space<vmem>> -> memref<200xi32, #tpu.memory_space<vmem>>
      %dma_start3A_284 = arith.constant 0 : i32
      %dma_start3A_285 = arith.constant 0 : i32
      %dma_start3A_286 = tpu.memref_slice %arg4[%dma_start3A_284, %dma_start3A_285] : memref<200x32xf32, #tpu.memory_space<hbm>> -> memref<200x32xf32, #tpu.memory_space<hbm>>
      tpu.enqueue_indirect_dma source(%dma_start3A_286 : memref<200x32xf32, #tpu.memory_space<hbm>>) target(%dma_start3A_280 : memref<200x32xf32, #tpu.memory_space<vmem>>) offsets(%dma_start3A_283 : memref<200xi32, #tpu.memory_space<vmem>>) semaphore(%arg12 : memref<!tpu.dma_semaphore, #tpu.memory_space<semaphore_mem>>) {add = true}
      %dma_wait3A_287 = arith.constant 3 : i32
      %dma_wait3A_288 = arith.constant 0 : i32
      %dma_wait3A_289 = arith.constant 0 : i32
      %dma_wait3A_290 = tpu.memref_slice %arg9[%dma_wait3A_287, %dma_wait3A_288, %dma_wait3A_289] : memref<16x200x32xf32, #tpu.memory_space<vmem>> -> memref<1x200x32xf32, #tpu.memory_space<vmem>>
      %dma_wait3A_291 = tpu.memref_squeeze %dma_wait3A_290 : memref<1x200x32xf32, #tpu.memory_space<vmem>> -> memref<200x32xf32, #tpu.memory_space<vmem>>
      %dma_wait3A_292 = arith.constant 0 : i32
      %dma_wait3A_293 = tpu.memref_slice %arg7[%add3A_51, %dma_wait3A_292] : memref<128x200xi32, #tpu.memory_space<vmem>> -> memref<1x200xi32, #tpu.memory_space<vmem>>
      %dma_wait3A_294 = tpu.memref_squeeze %dma_wait3A_293 : memref<1x200xi32, #tpu.memory_space<vmem>> -> memref<200xi32, #tpu.memory_space<vmem>>
      %dma_wait3A_295 = arith.constant 0 : i32
      %dma_wait3A_296 = arith.constant 0 : i32
      %dma_wait3A_297 = tpu.memref_slice %arg3[%dma_wait3A_295, %dma_wait3A_296] : memref<1000000x32xf32, #tpu.memory_space<hbm>> -> memref<1000000x32xf32, #tpu.memory_space<hbm>>
      tpu.wait_indirect_dma semaphore(%arg13 : memref<!tpu.dma_semaphore, #tpu.memory_space<semaphore_mem>>) src(%dma_wait3A_297 : memref<1000000x32xf32, #tpu.memory_space<hbm>>) dst(%dma_wait3A_291 : memref<200x32xf32, #tpu.memory_space<vmem>>)
      %dma_start3A_298 = arith.constant 0 : i32
      %dma_start3A_299 = arith.constant 3 : i32
      %dma_start3A_300 = arith.constant 0 : i32
      %dma_start3A_301 = arith.constant 0 : i32
      %dma_start3A_302 = tpu.memref_slice %arg9[%dma_start3A_299, %dma_start3A_300, %dma_start3A_301] : memref<16x200x32xf32, #tpu.memory_space<vmem>> -> memref<1x200x32xf32, #tpu.memory_space<vmem>>
      %dma_start3A_303 = tpu.memref_squeeze %dma_start3A_302 : memref<1x200x32xf32, #tpu.memory_space<vmem>> -> memref<200x32xf32, #tpu.memory_space<vmem>>
      %dma_start3A_304 = arith.constant 0 : i32
      %dma_start3A_305 = tpu.memref_slice %arg8[%dma_start3A_298, %dma_start3A_304] : memref<1x200xi32, #tpu.memory_space<vmem>> -> memref<1x200xi32, #tpu.memory_space<vmem>>
      %dma_start3A_306 = tpu.memref_squeeze %dma_start3A_305 : memref<1x200xi32, #tpu.memory_space<vmem>> -> memref<200xi32, #tpu.memory_space<vmem>>
      %dma_start3A_307 = arith.constant 0 : i32
      %dma_start3A_308 = arith.constant 0 : i32
      %dma_start3A_309 = tpu.memref_slice %arg4[%dma_start3A_307, %dma_start3A_308] : memref<200x32xf32, #tpu.memory_space<hbm>> -> memref<200x32xf32, #tpu.memory_space<hbm>>
      tpu.enqueue_indirect_dma source(%dma_start3A_309 : memref<200x32xf32, #tpu.memory_space<hbm>>) target(%dma_start3A_303 : memref<200x32xf32, #tpu.memory_space<vmem>>) offsets(%dma_start3A_306 : memref<200xi32, #tpu.memory_space<vmem>>) semaphore(%arg13 : memref<!tpu.dma_semaphore, #tpu.memory_space<semaphore_mem>>) {add = true}
      %dma_wait3A_310 = arith.constant 4 : i32
      %dma_wait3A_311 = arith.constant 0 : i32
      %dma_wait3A_312 = arith.constant 0 : i32
      %dma_wait3A_313 = tpu.memref_slice %arg9[%dma_wait3A_310, %dma_wait3A_311, %dma_wait3A_312] : memref<16x200x32xf32, #tpu.memory_space<vmem>> -> memref<1x200x32xf32, #tpu.memory_space<vmem>>
      %dma_wait3A_314 = tpu.memref_squeeze %dma_wait3A_313 : memref<1x200x32xf32, #tpu.memory_space<vmem>> -> memref<200x32xf32, #tpu.memory_space<vmem>>
      %dma_wait3A_315 = arith.constant 0 : i32
      %dma_wait3A_316 = tpu.memref_slice %arg7[%add3A_64, %dma_wait3A_315] : memref<128x200xi32, #tpu.memory_space<vmem>> -> memref<1x200xi32, #tpu.memory_space<vmem>>
      %dma_wait3A_317 = tpu.memref_squeeze %dma_wait3A_316 : memref<1x200xi32, #tpu.memory_space<vmem>> -> memref<200xi32, #tpu.memory_space<vmem>>
      %dma_wait3A_318 = arith.constant 0 : i32
      %dma_wait3A_319 = arith.constant 0 : i32
      %dma_wait3A_320 = tpu.memref_slice %arg3[%dma_wait3A_318, %dma_wait3A_319] : memref<1000000x32xf32, #tpu.memory_space<hbm>> -> memref<1000000x32xf32, #tpu.memory_space<hbm>>
      tpu.wait_indirect_dma semaphore(%arg14 : memref<!tpu.dma_semaphore, #tpu.memory_space<semaphore_mem>>) src(%dma_wait3A_320 : memref<1000000x32xf32, #tpu.memory_space<hbm>>) dst(%dma_wait3A_314 : memref<200x32xf32, #tpu.memory_space<vmem>>)
      %dma_start3A_321 = arith.constant 0 : i32
      %dma_start3A_322 = arith.constant 4 : i32
      %dma_start3A_323 = arith.constant 0 : i32
      %dma_start3A_324 = arith.constant 0 : i32
      %dma_start3A_325 = tpu.memref_slice %arg9[%dma_start3A_322, %dma_start3A_323, %dma_start3A_324] : memref<16x200x32xf32, #tpu.memory_space<vmem>> -> memref<1x200x32xf32, #tpu.memory_space<vmem>>
      %dma_start3A_326 = tpu.memref_squeeze %dma_start3A_325 : memref<1x200x32xf32, #tpu.memory_space<vmem>> -> memref<200x32xf32, #tpu.memory_space<vmem>>
      %dma_start3A_327 = arith.constant 0 : i32
      %dma_start3A_328 = tpu.memref_slice %arg8[%dma_start3A_321, %dma_start3A_327] : memref<1x200xi32, #tpu.memory_space<vmem>> -> memref<1x200xi32, #tpu.memory_space<vmem>>
      %dma_start3A_329 = tpu.memref_squeeze %dma_start3A_328 : memref<1x200xi32, #tpu.memory_space<vmem>> -> memref<200xi32, #tpu.memory_space<vmem>>
      %dma_start3A_330 = arith.constant 0 : i32
      %dma_start3A_331 = arith.constant 0 : i32
      %dma_start3A_332 = tpu.memref_slice %arg4[%dma_start3A_330, %dma_start3A_331] : memref<200x32xf32, #tpu.memory_space<hbm>> -> memref<200x32xf32, #tpu.memory_space<hbm>>
      tpu.enqueue_indirect_dma source(%dma_start3A_332 : memref<200x32xf32, #tpu.memory_space<hbm>>) target(%dma_start3A_326 : memref<200x32xf32, #tpu.memory_space<vmem>>) offsets(%dma_start3A_329 : memref<200xi32, #tpu.memory_space<vmem>>) semaphore(%arg14 : memref<!tpu.dma_semaphore, #tpu.memory_space<semaphore_mem>>) {add = true}
      %dma_wait3A_333 = arith.constant 5 : i32
      %dma_wait3A_334 = arith.constant 0 : i32
      %dma_wait3A_335 = arith.constant 0 : i32
      %dma_wait3A_336 = tpu.memref_slice %arg9[%dma_wait3A_333, %dma_wait3A_334, %dma_wait3A_335] : memref<16x200x32xf32, #tpu.memory_space<vmem>> -> memref<1x200x32xf32, #tpu.memory_space<vmem>>
      %dma_wait3A_337 = tpu.memref_squeeze %dma_wait3A_336 : memref<1x200x32xf32, #tpu.memory_space<vmem>> -> memref<200x32xf32, #tpu.memory_space<vmem>>
      %dma_wait3A_338 = arith.constant 0 : i32
      %dma_wait3A_339 = tpu.memref_slice %arg7[%add3A_77, %dma_wait3A_338] : memref<128x200xi32, #tpu.memory_space<vmem>> -> memref<1x200xi32, #tpu.memory_space<vmem>>
      %dma_wait3A_340 = tpu.memref_squeeze %dma_wait3A_339 : memref<1x200xi32, #tpu.memory_space<vmem>> -> memref<200xi32, #tpu.memory_space<vmem>>
      %dma_wait3A_341 = arith.constant 0 : i32
      %dma_wait3A_342 = arith.constant 0 : i32
      %dma_wait3A_343 = tpu.memref_slice %arg3[%dma_wait3A_341, %dma_wait3A_342] : memref<1000000x32xf32, #tpu.memory_space<hbm>> -> memref<1000000x32xf32, #tpu.memory_space<hbm>>
      tpu.wait_indirect_dma semaphore(%arg15 : memref<!tpu.dma_semaphore, #tpu.memory_space<semaphore_mem>>) src(%dma_wait3A_343 : memref<1000000x32xf32, #tpu.memory_space<hbm>>) dst(%dma_wait3A_337 : memref<200x32xf32, #tpu.memory_space<vmem>>)
      %dma_start3A_344 = arith.constant 0 : i32
      %dma_start3A_345 = arith.constant 5 : i32
      %dma_start3A_346 = arith.constant 0 : i32
      %dma_start3A_347 = arith.constant 0 : i32
      %dma_start3A_348 = tpu.memref_slice %arg9[%dma_start3A_345, %dma_start3A_346, %dma_start3A_347] : memref<16x200x32xf32, #tpu.memory_space<vmem>> -> memref<1x200x32xf32, #tpu.memory_space<vmem>>
      %dma_start3A_349 = tpu.memref_squeeze %dma_start3A_348 : memref<1x200x32xf32, #tpu.memory_space<vmem>> -> memref<200x32xf32, #tpu.memory_space<vmem>>
      %dma_start3A_350 = arith.constant 0 : i32
      %dma_start3A_351 = tpu.memref_slice %arg8[%dma_start3A_344, %dma_start3A_350] : memref<1x200xi32, #tpu.memory_space<vmem>> -> memref<1x200xi32, #tpu.memory_space<vmem>>
      %dma_start3A_352 = tpu.memref_squeeze %dma_start3A_351 : memref<1x200xi32, #tpu.memory_space<vmem>> -> memref<200xi32, #tpu.memory_space<vmem>>
      %dma_start3A_353 = arith.constant 0 : i32
      %dma_start3A_354 = arith.constant 0 : i32
      %dma_start3A_355 = tpu.memref_slice %arg4[%dma_start3A_353, %dma_start3A_354] : memref<200x32xf32, #tpu.memory_space<hbm>> -> memref<200x32xf32, #tpu.memory_space<hbm>>
      tpu.enqueue_indirect_dma source(%dma_start3A_355 : memref<200x32xf32, #tpu.memory_space<hbm>>) target(%dma_start3A_349 : memref<200x32xf32, #tpu.memory_space<vmem>>) offsets(%dma_start3A_352 : memref<200xi32, #tpu.memory_space<vmem>>) semaphore(%arg15 : memref<!tpu.dma_semaphore, #tpu.memory_space<semaphore_mem>>) {add = true}
      %dma_wait3A_356 = arith.constant 6 : i32
      %dma_wait3A_357 = arith.constant 0 : i32
      %dma_wait3A_358 = arith.constant 0 : i32
      %dma_wait3A_359 = tpu.memref_slice %arg9[%dma_wait3A_356, %dma_wait3A_357, %dma_wait3A_358] : memref<16x200x32xf32, #tpu.memory_space<vmem>> -> memref<1x200x32xf32, #tpu.memory_space<vmem>>
      %dma_wait3A_360 = tpu.memref_squeeze %dma_wait3A_359 : memref<1x200x32xf32, #tpu.memory_space<vmem>> -> memref<200x32xf32, #tpu.memory_space<vmem>>
      %dma_wait3A_361 = arith.constant 0 : i32
      %dma_wait3A_362 = tpu.memref_slice %arg7[%add3A_90, %dma_wait3A_361] : memref<128x200xi32, #tpu.memory_space<vmem>> -> memref<1x200xi32, #tpu.memory_space<vmem>>
      %dma_wait3A_363 = tpu.memref_squeeze %dma_wait3A_362 : memref<1x200xi32, #tpu.memory_space<vmem>> -> memref<200xi32, #tpu.memory_space<vmem>>
      %dma_wait3A_364 = arith.constant 0 : i32
      %dma_wait3A_365 = arith.constant 0 : i32
      %dma_wait3A_366 = tpu.memref_slice %arg3[%dma_wait3A_364, %dma_wait3A_365] : memref<1000000x32xf32, #tpu.memory_space<hbm>> -> memref<1000000x32xf32, #tpu.memory_space<hbm>>
      tpu.wait_indirect_dma semaphore(%arg16 : memref<!tpu.dma_semaphore, #tpu.memory_space<semaphore_mem>>) src(%dma_wait3A_366 : memref<1000000x32xf32, #tpu.memory_space<hbm>>) dst(%dma_wait3A_360 : memref<200x32xf32, #tpu.memory_space<vmem>>)
      %dma_start3A_367 = arith.constant 0 : i32
      %dma_start3A_368 = arith.constant 6 : i32
      %dma_start3A_369 = arith.constant 0 : i32
      %dma_start3A_370 = arith.constant 0 : i32
      %dma_start3A_371 = tpu.memref_slice %arg9[%dma_start3A_368, %dma_start3A_369, %dma_start3A_370] : memref<16x200x32xf32, #tpu.memory_space<vmem>> -> memref<1x200x32xf32, #tpu.memory_space<vmem>>
      %dma_start3A_372 = tpu.memref_squeeze %dma_start3A_371 : memref<1x200x32xf32, #tpu.memory_space<vmem>> -> memref<200x32xf32, #tpu.memory_space<vmem>>
      %dma_start3A_373 = arith.constant 0 : i32
      %dma_start3A_374 = tpu.memref_slice %arg8[%dma_start3A_367, %dma_start3A_373] : memref<1x200xi32, #tpu.memory_space<vmem>> -> memref<1x200xi32, #tpu.memory_space<vmem>>
      %dma_start3A_375 = tpu.memref_squeeze %dma_start3A_374 : memref<1x200xi32, #tpu.memory_space<vmem>> -> memref<200xi32, #tpu.memory_space<vmem>>
      %dma_start3A_376 = arith.constant 0 : i32
      %dma_start3A_377 = arith.constant 0 : i32
      %dma_start3A_378 = tpu.memref_slice %arg4[%dma_start3A_376, %dma_start3A_377] : memref<200x32xf32, #tpu.memory_space<hbm>> -> memref<200x32xf32, #tpu.memory_space<hbm>>
      tpu.enqueue_indirect_dma source(%dma_start3A_378 : memref<200x32xf32, #tpu.memory_space<hbm>>) target(%dma_start3A_372 : memref<200x32xf32, #tpu.memory_space<vmem>>) offsets(%dma_start3A_375 : memref<200xi32, #tpu.memory_space<vmem>>) semaphore(%arg16 : memref<!tpu.dma_semaphore, #tpu.memory_space<semaphore_mem>>) {add = true}
      %dma_wait3A_379 = arith.constant 7 : i32
      %dma_wait3A_380 = arith.constant 0 : i32
      %dma_wait3A_381 = arith.constant 0 : i32
      %dma_wait3A_382 = tpu.memref_slice %arg9[%dma_wait3A_379, %dma_wait3A_380, %dma_wait3A_381] : memref<16x200x32xf32, #tpu.memory_space<vmem>> -> memref<1x200x32xf32, #tpu.memory_space<vmem>>
      %dma_wait3A_383 = tpu.memref_squeeze %dma_wait3A_382 : memref<1x200x32xf32, #tpu.memory_space<vmem>> -> memref<200x32xf32, #tpu.memory_space<vmem>>
      %dma_wait3A_384 = arith.constant 0 : i32
      %dma_wait3A_385 = tpu.memref_slice %arg7[%add3A_103, %dma_wait3A_384] : memref<128x200xi32, #tpu.memory_space<vmem>> -> memref<1x200xi32, #tpu.memory_space<vmem>>
      %dma_wait3A_386 = tpu.memref_squeeze %dma_wait3A_385 : memref<1x200xi32, #tpu.memory_space<vmem>> -> memref<200xi32, #tpu.memory_space<vmem>>
      %dma_wait3A_387 = arith.constant 0 : i32
      %dma_wait3A_388 = arith.constant 0 : i32
      %dma_wait3A_389 = tpu.memref_slice %arg3[%dma_wait3A_387, %dma_wait3A_388] : memref<1000000x32xf32, #tpu.memory_space<hbm>> -> memref<1000000x32xf32, #tpu.memory_space<hbm>>
      tpu.wait_indirect_dma semaphore(%arg17 : memref<!tpu.dma_semaphore, #tpu.memory_space<semaphore_mem>>) src(%dma_wait3A_389 : memref<1000000x32xf32, #tpu.memory_space<hbm>>) dst(%dma_wait3A_383 : memref<200x32xf32, #tpu.memory_space<vmem>>)
      %dma_start3A_390 = arith.constant 0 : i32
      %dma_start3A_391 = arith.constant 7 : i32
      %dma_start3A_392 = arith.constant 0 : i32
      %dma_start3A_393 = arith.constant 0 : i32
      %dma_start3A_394 = tpu.memref_slice %arg9[%dma_start3A_391, %dma_start3A_392, %dma_start3A_393] : memref<16x200x32xf32, #tpu.memory_space<vmem>> -> memref<1x200x32xf32, #tpu.memory_space<vmem>>
      %dma_start3A_395 = tpu.memref_squeeze %dma_start3A_394 : memref<1x200x32xf32, #tpu.memory_space<vmem>> -> memref<200x32xf32, #tpu.memory_space<vmem>>
      %dma_start3A_396 = arith.constant 0 : i32
      %dma_start3A_397 = tpu.memref_slice %arg8[%dma_start3A_390, %dma_start3A_396] : memref<1x200xi32, #tpu.memory_space<vmem>> -> memref<1x200xi32, #tpu.memory_space<vmem>>
      %dma_start3A_398 = tpu.memref_squeeze %dma_start3A_397 : memref<1x200xi32, #tpu.memory_space<vmem>> -> memref<200xi32, #tpu.memory_space<vmem>>
      %dma_start3A_399 = arith.constant 0 : i32
      %dma_start3A_400 = arith.constant 0 : i32
      %dma_start3A_401 = tpu.memref_slice %arg4[%dma_start3A_399, %dma_start3A_400] : memref<200x32xf32, #tpu.memory_space<hbm>> -> memref<200x32xf32, #tpu.memory_space<hbm>>
      tpu.enqueue_indirect_dma source(%dma_start3A_401 : memref<200x32xf32, #tpu.memory_space<hbm>>) target(%dma_start3A_395 : memref<200x32xf32, #tpu.memory_space<vmem>>) offsets(%dma_start3A_398 : memref<200xi32, #tpu.memory_space<vmem>>) semaphore(%arg17 : memref<!tpu.dma_semaphore, #tpu.memory_space<semaphore_mem>>) {add = true}
      %dma_wait3A_402 = arith.constant 8 : i32
      %dma_wait3A_403 = arith.constant 0 : i32
      %dma_wait3A_404 = arith.constant 0 : i32
      %dma_wait3A_405 = tpu.memref_slice %arg9[%dma_wait3A_402, %dma_wait3A_403, %dma_wait3A_404] : memref<16x200x32xf32, #tpu.memory_space<vmem>> -> memref<1x200x32xf32, #tpu.memory_space<vmem>>
      %dma_wait3A_406 = tpu.memref_squeeze %dma_wait3A_405 : memref<1x200x32xf32, #tpu.memory_space<vmem>> -> memref<200x32xf32, #tpu.memory_space<vmem>>
      %dma_wait3A_407 = arith.constant 0 : i32
      %dma_wait3A_408 = tpu.memref_slice %arg7[%add3A_116, %dma_wait3A_407] : memref<128x200xi32, #tpu.memory_space<vmem>> -> memref<1x200xi32, #tpu.memory_space<vmem>>
      %dma_wait3A_409 = tpu.memref_squeeze %dma_wait3A_408 : memref<1x200xi32, #tpu.memory_space<vmem>> -> memref<200xi32, #tpu.memory_space<vmem>>
      %dma_wait3A_410 = arith.constant 0 : i32
      %dma_wait3A_411 = arith.constant 0 : i32
      %dma_wait3A_412 = tpu.memref_slice %arg3[%dma_wait3A_410, %dma_wait3A_411] : memref<1000000x32xf32, #tpu.memory_space<hbm>> -> memref<1000000x32xf32, #tpu.memory_space<hbm>>
      tpu.wait_indirect_dma semaphore(%arg18 : memref<!tpu.dma_semaphore, #tpu.memory_space<semaphore_mem>>) src(%dma_wait3A_412 : memref<1000000x32xf32, #tpu.memory_space<hbm>>) dst(%dma_wait3A_406 : memref<200x32xf32, #tpu.memory_space<vmem>>)
      %dma_start3A_413 = arith.constant 0 : i32
      %dma_start3A_414 = arith.constant 8 : i32
      %dma_start3A_415 = arith.constant 0 : i32
      %dma_start3A_416 = arith.constant 0 : i32
      %dma_start3A_417 = tpu.memref_slice %arg9[%dma_start3A_414, %dma_start3A_415, %dma_start3A_416] : memref<16x200x32xf32, #tpu.memory_space<vmem>> -> memref<1x200x32xf32, #tpu.memory_space<vmem>>
      %dma_start3A_418 = tpu.memref_squeeze %dma_start3A_417 : memref<1x200x32xf32, #tpu.memory_space<vmem>> -> memref<200x32xf32, #tpu.memory_space<vmem>>
      %dma_start3A_419 = arith.constant 0 : i32
      %dma_start3A_420 = tpu.memref_slice %arg8[%dma_start3A_413, %dma_start3A_419] : memref<1x200xi32, #tpu.memory_space<vmem>> -> memref<1x200xi32, #tpu.memory_space<vmem>>
      %dma_start3A_421 = tpu.memref_squeeze %dma_start3A_420 : memref<1x200xi32, #tpu.memory_space<vmem>> -> memref<200xi32, #tpu.memory_space<vmem>>
      %dma_start3A_422 = arith.constant 0 : i32
      %dma_start3A_423 = arith.constant 0 : i32
      %dma_start3A_424 = tpu.memref_slice %arg4[%dma_start3A_422, %dma_start3A_423] : memref<200x32xf32, #tpu.memory_space<hbm>> -> memref<200x32xf32, #tpu.memory_space<hbm>>
      tpu.enqueue_indirect_dma source(%dma_start3A_424 : memref<200x32xf32, #tpu.memory_space<hbm>>) target(%dma_start3A_418 : memref<200x32xf32, #tpu.memory_space<vmem>>) offsets(%dma_start3A_421 : memref<200xi32, #tpu.memory_space<vmem>>) semaphore(%arg18 : memref<!tpu.dma_semaphore, #tpu.memory_space<semaphore_mem>>) {add = true}
      %dma_wait3A_425 = arith.constant 9 : i32
      %dma_wait3A_426 = arith.constant 0 : i32
      %dma_wait3A_427 = arith.constant 0 : i32
      %dma_wait3A_428 = tpu.memref_slice %arg9[%dma_wait3A_425, %dma_wait3A_426, %dma_wait3A_427] : memref<16x200x32xf32, #tpu.memory_space<vmem>> -> memref<1x200x32xf32, #tpu.memory_space<vmem>>
      %dma_wait3A_429 = tpu.memref_squeeze %dma_wait3A_428 : memref<1x200x32xf32, #tpu.memory_space<vmem>> -> memref<200x32xf32, #tpu.memory_space<vmem>>
      %dma_wait3A_430 = arith.constant 0 : i32
      %dma_wait3A_431 = tpu.memref_slice %arg7[%add3A_129, %dma_wait3A_430] : memref<128x200xi32, #tpu.memory_space<vmem>> -> memref<1x200xi32, #tpu.memory_space<vmem>>
      %dma_wait3A_432 = tpu.memref_squeeze %dma_wait3A_431 : memref<1x200xi32, #tpu.memory_space<vmem>> -> memref<200xi32, #tpu.memory_space<vmem>>
      %dma_wait3A_433 = arith.constant 0 : i32
      %dma_wait3A_434 = arith.constant 0 : i32
      %dma_wait3A_435 = tpu.memref_slice %arg3[%dma_wait3A_433, %dma_wait3A_434] : memref<1000000x32xf32, #tpu.memory_space<hbm>> -> memref<1000000x32xf32, #tpu.memory_space<hbm>>
      tpu.wait_indirect_dma semaphore(%arg19 : memref<!tpu.dma_semaphore, #tpu.memory_space<semaphore_mem>>) src(%dma_wait3A_435 : memref<1000000x32xf32, #tpu.memory_space<hbm>>) dst(%dma_wait3A_429 : memref<200x32xf32, #tpu.memory_space<vmem>>)
      %dma_start3A_436 = arith.constant 0 : i32
      %dma_start3A_437 = arith.constant 9 : i32
      %dma_start3A_438 = arith.constant 0 : i32
      %dma_start3A_439 = arith.constant 0 : i32
      %dma_start3A_440 = tpu.memref_slice %arg9[%dma_start3A_437, %dma_start3A_438, %dma_start3A_439] : memref<16x200x32xf32, #tpu.memory_space<vmem>> -> memref<1x200x32xf32, #tpu.memory_space<vmem>>
      %dma_start3A_441 = tpu.memref_squeeze %dma_start3A_440 : memref<1x200x32xf32, #tpu.memory_space<vmem>> -> memref<200x32xf32, #tpu.memory_space<vmem>>
      %dma_start3A_442 = arith.constant 0 : i32
      %dma_start3A_443 = tpu.memref_slice %arg8[%dma_start3A_436, %dma_start3A_442] : memref<1x200xi32, #tpu.memory_space<vmem>> -> memref<1x200xi32, #tpu.memory_space<vmem>>
      %dma_start3A_444 = tpu.memref_squeeze %dma_start3A_443 : memref<1x200xi32, #tpu.memory_space<vmem>> -> memref<200xi32, #tpu.memory_space<vmem>>
      %dma_start3A_445 = arith.constant 0 : i32
      %dma_start3A_446 = arith.constant 0 : i32
      %dma_start3A_447 = tpu.memref_slice %arg4[%dma_start3A_445, %dma_start3A_446] : memref<200x32xf32, #tpu.memory_space<hbm>> -> memref<200x32xf32, #tpu.memory_space<hbm>>
      tpu.enqueue_indirect_dma source(%dma_start3A_447 : memref<200x32xf32, #tpu.memory_space<hbm>>) target(%dma_start3A_441 : memref<200x32xf32, #tpu.memory_space<vmem>>) offsets(%dma_start3A_444 : memref<200xi32, #tpu.memory_space<vmem>>) semaphore(%arg19 : memref<!tpu.dma_semaphore, #tpu.memory_space<semaphore_mem>>) {add = true}
      %dma_wait3A_448 = arith.constant 10 : i32
      %dma_wait3A_449 = arith.constant 0 : i32
      %dma_wait3A_450 = arith.constant 0 : i32
      %dma_wait3A_451 = tpu.memref_slice %arg9[%dma_wait3A_448, %dma_wait3A_449, %dma_wait3A_450] : memref<16x200x32xf32, #tpu.memory_space<vmem>> -> memref<1x200x32xf32, #tpu.memory_space<vmem>>
      %dma_wait3A_452 = tpu.memref_squeeze %dma_wait3A_451 : memref<1x200x32xf32, #tpu.memory_space<vmem>> -> memref<200x32xf32, #tpu.memory_space<vmem>>
      %dma_wait3A_453 = arith.constant 0 : i32
      %dma_wait3A_454 = tpu.memref_slice %arg7[%add3A_142, %dma_wait3A_453] : memref<128x200xi32, #tpu.memory_space<vmem>> -> memref<1x200xi32, #tpu.memory_space<vmem>>
      %dma_wait3A_455 = tpu.memref_squeeze %dma_wait3A_454 : memref<1x200xi32, #tpu.memory_space<vmem>> -> memref<200xi32, #tpu.memory_space<vmem>>
      %dma_wait3A_456 = arith.constant 0 : i32
      %dma_wait3A_457 = arith.constant 0 : i32
      %dma_wait3A_458 = tpu.memref_slice %arg3[%dma_wait3A_456, %dma_wait3A_457] : memref<1000000x32xf32, #tpu.memory_space<hbm>> -> memref<1000000x32xf32, #tpu.memory_space<hbm>>
      tpu.wait_indirect_dma semaphore(%arg20 : memref<!tpu.dma_semaphore, #tpu.memory_space<semaphore_mem>>) src(%dma_wait3A_458 : memref<1000000x32xf32, #tpu.memory_space<hbm>>) dst(%dma_wait3A_452 : memref<200x32xf32, #tpu.memory_space<vmem>>)
      %dma_start3A_459 = arith.constant 0 : i32
      %dma_start3A_460 = arith.constant 10 : i32
      %dma_start3A_461 = arith.constant 0 : i32
      %dma_start3A_462 = arith.constant 0 : i32
      %dma_start3A_463 = tpu.memref_slice %arg9[%dma_start3A_460, %dma_start3A_461, %dma_start3A_462] : memref<16x200x32xf32, #tpu.memory_space<vmem>> -> memref<1x200x32xf32, #tpu.memory_space<vmem>>
      %dma_start3A_464 = tpu.memref_squeeze %dma_start3A_463 : memref<1x200x32xf32, #tpu.memory_space<vmem>> -> memref<200x32xf32, #tpu.memory_space<vmem>>
      %dma_start3A_465 = arith.constant 0 : i32
      %dma_start3A_466 = tpu.memref_slice %arg8[%dma_start3A_459, %dma_start3A_465] : memref<1x200xi32, #tpu.memory_space<vmem>> -> memref<1x200xi32, #tpu.memory_space<vmem>>
      %dma_start3A_467 = tpu.memref_squeeze %dma_start3A_466 : memref<1x200xi32, #tpu.memory_space<vmem>> -> memref<200xi32, #tpu.memory_space<vmem>>
      %dma_start3A_468 = arith.constant 0 : i32
      %dma_start3A_469 = arith.constant 0 : i32
      %dma_start3A_470 = tpu.memref_slice %arg4[%dma_start3A_468, %dma_start3A_469] : memref<200x32xf32, #tpu.memory_space<hbm>> -> memref<200x32xf32, #tpu.memory_space<hbm>>
      tpu.enqueue_indirect_dma source(%dma_start3A_470 : memref<200x32xf32, #tpu.memory_space<hbm>>) target(%dma_start3A_464 : memref<200x32xf32, #tpu.memory_space<vmem>>) offsets(%dma_start3A_467 : memref<200xi32, #tpu.memory_space<vmem>>) semaphore(%arg20 : memref<!tpu.dma_semaphore, #tpu.memory_space<semaphore_mem>>) {add = true}
      %dma_wait3A_471 = arith.constant 11 : i32
      %dma_wait3A_472 = arith.constant 0 : i32
      %dma_wait3A_473 = arith.constant 0 : i32
      %dma_wait3A_474 = tpu.memref_slice %arg9[%dma_wait3A_471, %dma_wait3A_472, %dma_wait3A_473] : memref<16x200x32xf32, #tpu.memory_space<vmem>> -> memref<1x200x32xf32, #tpu.memory_space<vmem>>
      %dma_wait3A_475 = tpu.memref_squeeze %dma_wait3A_474 : memref<1x200x32xf32, #tpu.memory_space<vmem>> -> memref<200x32xf32, #tpu.memory_space<vmem>>
      %dma_wait3A_476 = arith.constant 0 : i32
      %dma_wait3A_477 = tpu.memref_slice %arg7[%add3A_155, %dma_wait3A_476] : memref<128x200xi32, #tpu.memory_space<vmem>> -> memref<1x200xi32, #tpu.memory_space<vmem>>
      %dma_wait3A_478 = tpu.memref_squeeze %dma_wait3A_477 : memref<1x200xi32, #tpu.memory_space<vmem>> -> memref<200xi32, #tpu.memory_space<vmem>>
      %dma_wait3A_479 = arith.constant 0 : i32
      %dma_wait3A_480 = arith.constant 0 : i32
      %dma_wait3A_481 = tpu.memref_slice %arg3[%dma_wait3A_479, %dma_wait3A_480] : memref<1000000x32xf32, #tpu.memory_space<hbm>> -> memref<1000000x32xf32, #tpu.memory_space<hbm>>
      tpu.wait_indirect_dma semaphore(%arg21 : memref<!tpu.dma_semaphore, #tpu.memory_space<semaphore_mem>>) src(%dma_wait3A_481 : memref<1000000x32xf32, #tpu.memory_space<hbm>>) dst(%dma_wait3A_475 : memref<200x32xf32, #tpu.memory_space<vmem>>)
      %dma_start3A_482 = arith.constant 0 : i32
      %dma_start3A_483 = arith.constant 11 : i32
      %dma_start3A_484 = arith.constant 0 : i32
      %dma_start3A_485 = arith.constant 0 : i32
      %dma_start3A_486 = tpu.memref_slice %arg9[%dma_start3A_483, %dma_start3A_484, %dma_start3A_485] : memref<16x200x32xf32, #tpu.memory_space<vmem>> -> memref<1x200x32xf32, #tpu.memory_space<vmem>>
      %dma_start3A_487 = tpu.memref_squeeze %dma_start3A_486 : memref<1x200x32xf32, #tpu.memory_space<vmem>> -> memref<200x32xf32, #tpu.memory_space<vmem>>
      %dma_start3A_488 = arith.constant 0 : i32
      %dma_start3A_489 = tpu.memref_slice %arg8[%dma_start3A_482, %dma_start3A_488] : memref<1x200xi32, #tpu.memory_space<vmem>> -> memref<1x200xi32, #tpu.memory_space<vmem>>
      %dma_start3A_490 = tpu.memref_squeeze %dma_start3A_489 : memref<1x200xi32, #tpu.memory_space<vmem>> -> memref<200xi32, #tpu.memory_space<vmem>>
      %dma_start3A_491 = arith.constant 0 : i32
      %dma_start3A_492 = arith.constant 0 : i32
      %dma_start3A_493 = tpu.memref_slice %arg4[%dma_start3A_491, %dma_start3A_492] : memref<200x32xf32, #tpu.memory_space<hbm>> -> memref<200x32xf32, #tpu.memory_space<hbm>>
      tpu.enqueue_indirect_dma source(%dma_start3A_493 : memref<200x32xf32, #tpu.memory_space<hbm>>) target(%dma_start3A_487 : memref<200x32xf32, #tpu.memory_space<vmem>>) offsets(%dma_start3A_490 : memref<200xi32, #tpu.memory_space<vmem>>) semaphore(%arg21 : memref<!tpu.dma_semaphore, #tpu.memory_space<semaphore_mem>>) {add = true}
      %dma_wait3A_494 = arith.constant 12 : i32
      %dma_wait3A_495 = arith.constant 0 : i32
      %dma_wait3A_496 = arith.constant 0 : i32
      %dma_wait3A_497 = tpu.memref_slice %arg9[%dma_wait3A_494, %dma_wait3A_495, %dma_wait3A_496] : memref<16x200x32xf32, #tpu.memory_space<vmem>> -> memref<1x200x32xf32, #tpu.memory_space<vmem>>
      %dma_wait3A_498 = tpu.memref_squeeze %dma_wait3A_497 : memref<1x200x32xf32, #tpu.memory_space<vmem>> -> memref<200x32xf32, #tpu.memory_space<vmem>>
      %dma_wait3A_499 = arith.constant 0 : i32
      %dma_wait3A_500 = tpu.memref_slice %arg7[%add3A_168, %dma_wait3A_499] : memref<128x200xi32, #tpu.memory_space<vmem>> -> memref<1x200xi32, #tpu.memory_space<vmem>>
      %dma_wait3A_501 = tpu.memref_squeeze %dma_wait3A_500 : memref<1x200xi32, #tpu.memory_space<vmem>> -> memref<200xi32, #tpu.memory_space<vmem>>
      %dma_wait3A_502 = arith.constant 0 : i32
      %dma_wait3A_503 = arith.constant 0 : i32
      %dma_wait3A_504 = tpu.memref_slice %arg3[%dma_wait3A_502, %dma_wait3A_503] : memref<1000000x32xf32, #tpu.memory_space<hbm>> -> memref<1000000x32xf32, #tpu.memory_space<hbm>>
      tpu.wait_indirect_dma semaphore(%arg22 : memref<!tpu.dma_semaphore, #tpu.memory_space<semaphore_mem>>) src(%dma_wait3A_504 : memref<1000000x32xf32, #tpu.memory_space<hbm>>) dst(%dma_wait3A_498 : memref<200x32xf32, #tpu.memory_space<vmem>>)
      %dma_start3A_505 = arith.constant 0 : i32
      %dma_start3A_506 = arith.constant 12 : i32
      %dma_start3A_507 = arith.constant 0 : i32
      %dma_start3A_508 = arith.constant 0 : i32
      %dma_start3A_509 = tpu.memref_slice %arg9[%dma_start3A_506, %dma_start3A_507, %dma_start3A_508] : memref<16x200x32xf32, #tpu.memory_space<vmem>> -> memref<1x200x32xf32, #tpu.memory_space<vmem>>
      %dma_start3A_510 = tpu.memref_squeeze %dma_start3A_509 : memref<1x200x32xf32, #tpu.memory_space<vmem>> -> memref<200x32xf32, #tpu.memory_space<vmem>>
      %dma_start3A_511 = arith.constant 0 : i32
      %dma_start3A_512 = tpu.memref_slice %arg8[%dma_start3A_505, %dma_start3A_511] : memref<1x200xi32, #tpu.memory_space<vmem>> -> memref<1x200xi32, #tpu.memory_space<vmem>>
      %dma_start3A_513 = tpu.memref_squeeze %dma_start3A_512 : memref<1x200xi32, #tpu.memory_space<vmem>> -> memref<200xi32, #tpu.memory_space<vmem>>
      %dma_start3A_514 = arith.constant 0 : i32
      %dma_start3A_515 = arith.constant 0 : i32
      %dma_start3A_516 = tpu.memref_slice %arg4[%dma_start3A_514, %dma_start3A_515] : memref<200x32xf32, #tpu.memory_space<hbm>> -> memref<200x32xf32, #tpu.memory_space<hbm>>
      tpu.enqueue_indirect_dma source(%dma_start3A_516 : memref<200x32xf32, #tpu.memory_space<hbm>>) target(%dma_start3A_510 : memref<200x32xf32, #tpu.memory_space<vmem>>) offsets(%dma_start3A_513 : memref<200xi32, #tpu.memory_space<vmem>>) semaphore(%arg22 : memref<!tpu.dma_semaphore, #tpu.memory_space<semaphore_mem>>) {add = true}
      %dma_wait3A_517 = arith.constant 13 : i32
      %dma_wait3A_518 = arith.constant 0 : i32
      %dma_wait3A_519 = arith.constant 0 : i32
      %dma_wait3A_520 = tpu.memref_slice %arg9[%dma_wait3A_517, %dma_wait3A_518, %dma_wait3A_519] : memref<16x200x32xf32, #tpu.memory_space<vmem>> -> memref<1x200x32xf32, #tpu.memory_space<vmem>>
      %dma_wait3A_521 = tpu.memref_squeeze %dma_wait3A_520 : memref<1x200x32xf32, #tpu.memory_space<vmem>> -> memref<200x32xf32, #tpu.memory_space<vmem>>
      %dma_wait3A_522 = arith.constant 0 : i32
      %dma_wait3A_523 = tpu.memref_slice %arg7[%add3A_181, %dma_wait3A_522] : memref<128x200xi32, #tpu.memory_space<vmem>> -> memref<1x200xi32, #tpu.memory_space<vmem>>
      %dma_wait3A_524 = tpu.memref_squeeze %dma_wait3A_523 : memref<1x200xi32, #tpu.memory_space<vmem>> -> memref<200xi32, #tpu.memory_space<vmem>>
      %dma_wait3A_525 = arith.constant 0 : i32
      %dma_wait3A_526 = arith.constant 0 : i32
      %dma_wait3A_527 = tpu.memref_slice %arg3[%dma_wait3A_525, %dma_wait3A_526] : memref<1000000x32xf32, #tpu.memory_space<hbm>> -> memref<1000000x32xf32, #tpu.memory_space<hbm>>
      tpu.wait_indirect_dma semaphore(%arg23 : memref<!tpu.dma_semaphore, #tpu.memory_space<semaphore_mem>>) src(%dma_wait3A_527 : memref<1000000x32xf32, #tpu.memory_space<hbm>>) dst(%dma_wait3A_521 : memref<200x32xf32, #tpu.memory_space<vmem>>)
      %dma_start3A_528 = arith.constant 0 : i32
      %dma_start3A_529 = arith.constant 13 : i32
      %dma_start3A_530 = arith.constant 0 : i32
      %dma_start3A_531 = arith.constant 0 : i32
      %dma_start3A_532 = tpu.memref_slice %arg9[%dma_start3A_529, %dma_start3A_530, %dma_start3A_531] : memref<16x200x32xf32, #tpu.memory_space<vmem>> -> memref<1x200x32xf32, #tpu.memory_space<vmem>>
      %dma_start3A_533 = tpu.memref_squeeze %dma_start3A_532 : memref<1x200x32xf32, #tpu.memory_space<vmem>> -> memref<200x32xf32, #tpu.memory_space<vmem>>
      %dma_start3A_534 = arith.constant 0 : i32
      %dma_start3A_535 = tpu.memref_slice %arg8[%dma_start3A_528, %dma_start3A_534] : memref<1x200xi32, #tpu.memory_space<vmem>> -> memref<1x200xi32, #tpu.memory_space<vmem>>
      %dma_start3A_536 = tpu.memref_squeeze %dma_start3A_535 : memref<1x200xi32, #tpu.memory_space<vmem>> -> memref<200xi32, #tpu.memory_space<vmem>>
      %dma_start3A_537 = arith.constant 0 : i32
      %dma_start3A_538 = arith.constant 0 : i32
      %dma_start3A_539 = tpu.memref_slice %arg4[%dma_start3A_537, %dma_start3A_538] : memref<200x32xf32, #tpu.memory_space<hbm>> -> memref<200x32xf32, #tpu.memory_space<hbm>>
      tpu.enqueue_indirect_dma source(%dma_start3A_539 : memref<200x32xf32, #tpu.memory_space<hbm>>) target(%dma_start3A_533 : memref<200x32xf32, #tpu.memory_space<vmem>>) offsets(%dma_start3A_536 : memref<200xi32, #tpu.memory_space<vmem>>) semaphore(%arg23 : memref<!tpu.dma_semaphore, #tpu.memory_space<semaphore_mem>>) {add = true}
      %dma_wait3A_540 = arith.constant 14 : i32
      %dma_wait3A_541 = arith.constant 0 : i32
      %dma_wait3A_542 = arith.constant 0 : i32
      %dma_wait3A_543 = tpu.memref_slice %arg9[%dma_wait3A_540, %dma_wait3A_541, %dma_wait3A_542] : memref<16x200x32xf32, #tpu.memory_space<vmem>> -> memref<1x200x32xf32, #tpu.memory_space<vmem>>
      %dma_wait3A_544 = tpu.memref_squeeze %dma_wait3A_543 : memref<1x200x32xf32, #tpu.memory_space<vmem>> -> memref<200x32xf32, #tpu.memory_space<vmem>>
      %dma_wait3A_545 = arith.constant 0 : i32
      %dma_wait3A_546 = tpu.memref_slice %arg7[%add3A_194, %dma_wait3A_545] : memref<128x200xi32, #tpu.memory_space<vmem>> -> memref<1x200xi32, #tpu.memory_space<vmem>>
      %dma_wait3A_547 = tpu.memref_squeeze %dma_wait3A_546 : memref<1x200xi32, #tpu.memory_space<vmem>> -> memref<200xi32, #tpu.memory_space<vmem>>
      %dma_wait3A_548 = arith.constant 0 : i32
      %dma_wait3A_549 = arith.constant 0 : i32
      %dma_wait3A_550 = tpu.memref_slice %arg3[%dma_wait3A_548, %dma_wait3A_549] : memref<1000000x32xf32, #tpu.memory_space<hbm>> -> memref<1000000x32xf32, #tpu.memory_space<hbm>>
      tpu.wait_indirect_dma semaphore(%arg24 : memref<!tpu.dma_semaphore, #tpu.memory_space<semaphore_mem>>) src(%dma_wait3A_550 : memref<1000000x32xf32, #tpu.memory_space<hbm>>) dst(%dma_wait3A_544 : memref<200x32xf32, #tpu.memory_space<vmem>>)
      %dma_start3A_551 = arith.constant 0 : i32
      %dma_start3A_552 = arith.constant 14 : i32
      %dma_start3A_553 = arith.constant 0 : i32
      %dma_start3A_554 = arith.constant 0 : i32
      %dma_start3A_555 = tpu.memref_slice %arg9[%dma_start3A_552, %dma_start3A_553, %dma_start3A_554] : memref<16x200x32xf32, #tpu.memory_space<vmem>> -> memref<1x200x32xf32, #tpu.memory_space<vmem>>
      %dma_start3A_556 = tpu.memref_squeeze %dma_start3A_555 : memref<1x200x32xf32, #tpu.memory_space<vmem>> -> memref<200x32xf32, #tpu.memory_space<vmem>>
      %dma_start3A_557 = arith.constant 0 : i32
      %dma_start3A_558 = tpu.memref_slice %arg8[%dma_start3A_551, %dma_start3A_557] : memref<1x200xi32, #tpu.memory_space<vmem>> -> memref<1x200xi32, #tpu.memory_space<vmem>>
      %dma_start3A_559 = tpu.memref_squeeze %dma_start3A_558 : memref<1x200xi32, #tpu.memory_space<vmem>> -> memref<200xi32, #tpu.memory_space<vmem>>
      %dma_start3A_560 = arith.constant 0 : i32
      %dma_start3A_561 = arith.constant 0 : i32
      %dma_start3A_562 = tpu.memref_slice %arg4[%dma_start3A_560, %dma_start3A_561] : memref<200x32xf32, #tpu.memory_space<hbm>> -> memref<200x32xf32, #tpu.memory_space<hbm>>
      tpu.enqueue_indirect_dma source(%dma_start3A_562 : memref<200x32xf32, #tpu.memory_space<hbm>>) target(%dma_start3A_556 : memref<200x32xf32, #tpu.memory_space<vmem>>) offsets(%dma_start3A_559 : memref<200xi32, #tpu.memory_space<vmem>>) semaphore(%arg24 : memref<!tpu.dma_semaphore, #tpu.memory_space<semaphore_mem>>) {add = true}
      %dma_wait3A_563 = arith.constant 15 : i32
      %dma_wait3A_564 = arith.constant 0 : i32
      %dma_wait3A_565 = arith.constant 0 : i32
      %dma_wait3A_566 = tpu.memref_slice %arg9[%dma_wait3A_563, %dma_wait3A_564, %dma_wait3A_565] : memref<16x200x32xf32, #tpu.memory_space<vmem>> -> memref<1x200x32xf32, #tpu.memory_space<vmem>>
      %dma_wait3A_567 = tpu.memref_squeeze %dma_wait3A_566 : memref<1x200x32xf32, #tpu.memory_space<vmem>> -> memref<200x32xf32, #tpu.memory_space<vmem>>
      %dma_wait3A_568 = arith.constant 0 : i32
      %dma_wait3A_569 = tpu.memref_slice %arg7[%add3A_207, %dma_wait3A_568] : memref<128x200xi32, #tpu.memory_space<vmem>> -> memref<1x200xi32, #tpu.memory_space<vmem>>
      %dma_wait3A_570 = tpu.memref_squeeze %dma_wait3A_569 : memref<1x200xi32, #tpu.memory_space<vmem>> -> memref<200xi32, #tpu.memory_space<vmem>>
      %dma_wait3A_571 = arith.constant 0 : i32
      %dma_wait3A_572 = arith.constant 0 : i32
      %dma_wait3A_573 = tpu.memref_slice %arg3[%dma_wait3A_571, %dma_wait3A_572] : memref<1000000x32xf32, #tpu.memory_space<hbm>> -> memref<1000000x32xf32, #tpu.memory_space<hbm>>
      tpu.wait_indirect_dma semaphore(%arg25 : memref<!tpu.dma_semaphore, #tpu.memory_space<semaphore_mem>>) src(%dma_wait3A_573 : memref<1000000x32xf32, #tpu.memory_space<hbm>>) dst(%dma_wait3A_567 : memref<200x32xf32, #tpu.memory_space<vmem>>)
      %dma_start3A_574 = arith.constant 0 : i32
      %dma_start3A_575 = arith.constant 15 : i32
      %dma_start3A_576 = arith.constant 0 : i32
      %dma_start3A_577 = arith.constant 0 : i32
      %dma_start3A_578 = tpu.memref_slice %arg9[%dma_start3A_575, %dma_start3A_576, %dma_start3A_577] : memref<16x200x32xf32, #tpu.memory_space<vmem>> -> memref<1x200x32xf32, #tpu.memory_space<vmem>>
      %dma_start3A_579 = tpu.memref_squeeze %dma_start3A_578 : memref<1x200x32xf32, #tpu.memory_space<vmem>> -> memref<200x32xf32, #tpu.memory_space<vmem>>
      %dma_start3A_580 = arith.constant 0 : i32
      %dma_start3A_581 = tpu.memref_slice %arg8[%dma_start3A_574, %dma_start3A_580] : memref<1x200xi32, #tpu.memory_space<vmem>> -> memref<1x200xi32, #tpu.memory_space<vmem>>
      %dma_start3A_582 = tpu.memref_squeeze %dma_start3A_581 : memref<1x200xi32, #tpu.memory_space<vmem>> -> memref<200xi32, #tpu.memory_space<vmem>>
      %dma_start3A_583 = arith.constant 0 : i32
      %dma_start3A_584 = arith.constant 0 : i32
      %dma_start3A_585 = tpu.memref_slice %arg4[%dma_start3A_583, %dma_start3A_584] : memref<200x32xf32, #tpu.memory_space<hbm>> -> memref<200x32xf32, #tpu.memory_space<hbm>>
      tpu.enqueue_indirect_dma source(%dma_start3A_585 : memref<200x32xf32, #tpu.memory_space<hbm>>) target(%dma_start3A_579 : memref<200x32xf32, #tpu.memory_space<vmem>>) offsets(%dma_start3A_582 : memref<200xi32, #tpu.memory_space<vmem>>) semaphore(%arg25 : memref<!tpu.dma_semaphore, #tpu.memory_space<semaphore_mem>>) {add = true}
      %dma_wait3A_586 = arith.constant 0 : i32
      %dma_wait3A_587 = arith.constant 0 : i32
      %dma_wait3A_588 = arith.constant 0 : i32
      %dma_wait3A_589 = arith.constant 0 : i32
      %dma_wait3A_590 = tpu.memref_slice %arg9[%dma_wait3A_587, %dma_wait3A_588, %dma_wait3A_589] : memref<16x200x32xf32, #tpu.memory_space<vmem>> -> memref<1x200x32xf32, #tpu.memory_space<vmem>>
      %dma_wait3A_591 = tpu.memref_squeeze %dma_wait3A_590 : memref<1x200x32xf32, #tpu.memory_space<vmem>> -> memref<200x32xf32, #tpu.memory_space<vmem>>
      %dma_wait3A_592 = arith.constant 0 : i32
      %dma_wait3A_593 = tpu.memref_slice %arg8[%dma_wait3A_586, %dma_wait3A_592] : memref<1x200xi32, #tpu.memory_space<vmem>> -> memref<1x200xi32, #tpu.memory_space<vmem>>
      %dma_wait3A_594 = tpu.memref_squeeze %dma_wait3A_593 : memref<1x200xi32, #tpu.memory_space<vmem>> -> memref<200xi32, #tpu.memory_space<vmem>>
      %dma_wait3A_595 = arith.constant 0 : i32
      %dma_wait3A_596 = arith.constant 0 : i32
      %dma_wait3A_597 = tpu.memref_slice %arg4[%dma_wait3A_595, %dma_wait3A_596] : memref<200x32xf32, #tpu.memory_space<hbm>> -> memref<200x32xf32, #tpu.memory_space<hbm>>
      tpu.wait_indirect_dma semaphore(%arg10 : memref<!tpu.dma_semaphore, #tpu.memory_space<semaphore_mem>>) src(%dma_wait3A_597 : memref<200x32xf32, #tpu.memory_space<hbm>>) dst(%dma_wait3A_591 : memref<200x32xf32, #tpu.memory_space<vmem>>)
      %add3A_598 = arith.addi %mul3A_2, %add3A_11 : i32
      %add3A_599 = arith.constant 0 : i32
      %add3A_600 = arith.addi %add3A_598, %add3A_599 : i32
      %dma_start3A_601 = arith.constant 0 : i32
      %dma_start3A_602 = arith.constant 0 : i32
      %dma_start3A_603 = arith.constant 0 : i32
      %dma_start3A_604 = tpu.memref_slice %arg9[%dma_start3A_601, %dma_start3A_602, %dma_start3A_603] : memref<16x200x32xf32, #tpu.memory_space<vmem>> -> memref<1x200x32xf32, #tpu.memory_space<vmem>>
      %dma_start3A_605 = tpu.memref_squeeze %dma_start3A_604 : memref<1x200x32xf32, #tpu.memory_space<vmem>> -> memref<200x32xf32, #tpu.memory_space<vmem>>
      %dma_start3A_606 = arith.constant 0 : i32
      %dma_start3A_607 = arith.constant 0 : i32
      %dma_start3A_608 = tpu.memref_slice %arg6[%add3A_600, %dma_start3A_606, %dma_start3A_607] : memref<4096x200x32xf32, #tpu.memory_space<hbm>> -> memref<1x200x32xf32, #tpu.memory_space<hbm>>
      %dma_start3A_609 = tpu.memref_squeeze %dma_start3A_608 : memref<1x200x32xf32, #tpu.memory_space<hbm>> -> memref<200x32xf32, #tpu.memory_space<hbm>>
      %dma_start3A_610 = arith.constant 0 : i32
      %dma_start3A_611 = arith.constant 0 : i32
      %dma_start3A_612 = tpu.memref_slice %arg6[%add3A_600, %dma_start3A_610, %dma_start3A_611] : memref<4096x200x32xf32, #tpu.memory_space<hbm>> -> memref<1x200x32xf32, #tpu.memory_space<hbm>>
      %dma_start3A_613 = tpu.memref_squeeze %dma_start3A_612 : memref<1x200x32xf32, #tpu.memory_space<hbm>> -> memref<200x32xf32, #tpu.memory_space<hbm>>
      %dma_start3A_614 = arith.constant 0 : i32
      %dma_start3A_615 = arith.constant 0 : i32
      %dma_start3A_616 = tpu.memref_slice %arg9[%dma_start3A_601, %dma_start3A_614, %dma_start3A_615] : memref<16x200x32xf32, #tpu.memory_space<vmem>> -> memref<1x200x32xf32, #tpu.memory_space<vmem>>
      %dma_start3A_617 = tpu.memref_squeeze %dma_start3A_616 : memref<1x200x32xf32, #tpu.memory_space<vmem>> -> memref<200x32xf32, #tpu.memory_space<vmem>>
      tpu.enqueue_dma source(%dma_start3A_617 : memref<200x32xf32, #tpu.memory_space<vmem>>) target(%dma_start3A_613 : memref<200x32xf32, #tpu.memory_space<hbm>>) target_semaphore(%arg10 : memref<!tpu.dma_semaphore, #tpu.memory_space<semaphore_mem>>)
      %dma_wait3A_618 = arith.constant 0 : i32
      %dma_wait3A_619 = arith.constant 1 : i32
      %dma_wait3A_620 = arith.constant 0 : i32
      %dma_wait3A_621 = arith.constant 0 : i32
      %dma_wait3A_622 = tpu.memref_slice %arg9[%dma_wait3A_619, %dma_wait3A_620, %dma_wait3A_621] : memref<16x200x32xf32, #tpu.memory_space<vmem>> -> memref<1x200x32xf32, #tpu.memory_space<vmem>>
      %dma_wait3A_623 = tpu.memref_squeeze %dma_wait3A_622 : memref<1x200x32xf32, #tpu.memory_space<vmem>> -> memref<200x32xf32, #tpu.memory_space<vmem>>
      %dma_wait3A_624 = arith.constant 0 : i32
      %dma_wait3A_625 = tpu.memref_slice %arg8[%dma_wait3A_618, %dma_wait3A_624] : memref<1x200xi32, #tpu.memory_space<vmem>> -> memref<1x200xi32, #tpu.memory_space<vmem>>
      %dma_wait3A_626 = tpu.memref_squeeze %dma_wait3A_625 : memref<1x200xi32, #tpu.memory_space<vmem>> -> memref<200xi32, #tpu.memory_space<vmem>>
      %dma_wait3A_627 = arith.constant 0 : i32
      %dma_wait3A_628 = arith.constant 0 : i32
      %dma_wait3A_629 = tpu.memref_slice %arg4[%dma_wait3A_627, %dma_wait3A_628] : memref<200x32xf32, #tpu.memory_space<hbm>> -> memref<200x32xf32, #tpu.memory_space<hbm>>
      tpu.wait_indirect_dma semaphore(%arg11 : memref<!tpu.dma_semaphore, #tpu.memory_space<semaphore_mem>>) src(%dma_wait3A_629 : memref<200x32xf32, #tpu.memory_space<hbm>>) dst(%dma_wait3A_623 : memref<200x32xf32, #tpu.memory_space<vmem>>)
      %add3A_630 = arith.addi %mul3A_2, %add3A_11 : i32
      %add3A_631 = arith.constant 1 : i32
      %add3A_632 = arith.addi %add3A_630, %add3A_631 : i32
      %dma_start3A_633 = arith.constant 1 : i32
      %dma_start3A_634 = arith.constant 0 : i32
      %dma_start3A_635 = arith.constant 0 : i32
      %dma_start3A_636 = tpu.memref_slice %arg9[%dma_start3A_633, %dma_start3A_634, %dma_start3A_635] : memref<16x200x32xf32, #tpu.memory_space<vmem>> -> memref<1x200x32xf32, #tpu.memory_space<vmem>>
      %dma_start3A_637 = tpu.memref_squeeze %dma_start3A_636 : memref<1x200x32xf32, #tpu.memory_space<vmem>> -> memref<200x32xf32, #tpu.memory_space<vmem>>
      %dma_start3A_638 = arith.constant 0 : i32
      %dma_start3A_639 = arith.constant 0 : i32
      %dma_start3A_640 = tpu.memref_slice %arg6[%add3A_632, %dma_start3A_638, %dma_start3A_639] : memref<4096x200x32xf32, #tpu.memory_space<hbm>> -> memref<1x200x32xf32, #tpu.memory_space<hbm>>
      %dma_start3A_641 = tpu.memref_squeeze %dma_start3A_640 : memref<1x200x32xf32, #tpu.memory_space<hbm>> -> memref<200x32xf32, #tpu.memory_space<hbm>>
      %dma_start3A_642 = arith.constant 0 : i32
      %dma_start3A_643 = arith.constant 0 : i32
      %dma_start3A_644 = tpu.memref_slice %arg6[%add3A_632, %dma_start3A_642, %dma_start3A_643] : memref<4096x200x32xf32, #tpu.memory_space<hbm>> -> memref<1x200x32xf32, #tpu.memory_space<hbm>>
      %dma_start3A_645 = tpu.memref_squeeze %dma_start3A_644 : memref<1x200x32xf32, #tpu.memory_space<hbm>> -> memref<200x32xf32, #tpu.memory_space<hbm>>
      %dma_start3A_646 = arith.constant 0 : i32
      %dma_start3A_647 = arith.constant 0 : i32
      %dma_start3A_648 = tpu.memref_slice %arg9[%dma_start3A_633, %dma_start3A_646, %dma_start3A_647] : memref<16x200x32xf32, #tpu.memory_space<vmem>> -> memref<1x200x32xf32, #tpu.memory_space<vmem>>
      %dma_start3A_649 = tpu.memref_squeeze %dma_start3A_648 : memref<1x200x32xf32, #tpu.memory_space<vmem>> -> memref<200x32xf32, #tpu.memory_space<vmem>>
      tpu.enqueue_dma source(%dma_start3A_649 : memref<200x32xf32, #tpu.memory_space<vmem>>) target(%dma_start3A_645 : memref<200x32xf32, #tpu.memory_space<hbm>>) target_semaphore(%arg11 : memref<!tpu.dma_semaphore, #tpu.memory_space<semaphore_mem>>)
      %dma_wait3A_650 = arith.constant 0 : i32
      %dma_wait3A_651 = arith.constant 2 : i32
      %dma_wait3A_652 = arith.constant 0 : i32
      %dma_wait3A_653 = arith.constant 0 : i32
      %dma_wait3A_654 = tpu.memref_slice %arg9[%dma_wait3A_651, %dma_wait3A_652, %dma_wait3A_653] : memref<16x200x32xf32, #tpu.memory_space<vmem>> -> memref<1x200x32xf32, #tpu.memory_space<vmem>>
      %dma_wait3A_655 = tpu.memref_squeeze %dma_wait3A_654 : memref<1x200x32xf32, #tpu.memory_space<vmem>> -> memref<200x32xf32, #tpu.memory_space<vmem>>
      %dma_wait3A_656 = arith.constant 0 : i32
      %dma_wait3A_657 = tpu.memref_slice %arg8[%dma_wait3A_650, %dma_wait3A_656] : memref<1x200xi32, #tpu.memory_space<vmem>> -> memref<1x200xi32, #tpu.memory_space<vmem>>
      %dma_wait3A_658 = tpu.memref_squeeze %dma_wait3A_657 : memref<1x200xi32, #tpu.memory_space<vmem>> -> memref<200xi32, #tpu.memory_space<vmem>>
      %dma_wait3A_659 = arith.constant 0 : i32
      %dma_wait3A_660 = arith.constant 0 : i32
      %dma_wait3A_661 = tpu.memref_slice %arg4[%dma_wait3A_659, %dma_wait3A_660] : memref<200x32xf32, #tpu.memory_space<hbm>> -> memref<200x32xf32, #tpu.memory_space<hbm>>
      tpu.wait_indirect_dma semaphore(%arg12 : memref<!tpu.dma_semaphore, #tpu.memory_space<semaphore_mem>>) src(%dma_wait3A_661 : memref<200x32xf32, #tpu.memory_space<hbm>>) dst(%dma_wait3A_655 : memref<200x32xf32, #tpu.memory_space<vmem>>)
      %add3A_662 = arith.addi %mul3A_2, %add3A_11 : i32
      %add3A_663 = arith.constant 2 : i32
      %add3A_664 = arith.addi %add3A_662, %add3A_663 : i32
      %dma_start3A_665 = arith.constant 2 : i32
      %dma_start3A_666 = arith.constant 0 : i32
      %dma_start3A_667 = arith.constant 0 : i32
      %dma_start3A_668 = tpu.memref_slice %arg9[%dma_start3A_665, %dma_start3A_666, %dma_start3A_667] : memref<16x200x32xf32, #tpu.memory_space<vmem>> -> memref<1x200x32xf32, #tpu.memory_space<vmem>>
      %dma_start3A_669 = tpu.memref_squeeze %dma_start3A_668 : memref<1x200x32xf32, #tpu.memory_space<vmem>> -> memref<200x32xf32, #tpu.memory_space<vmem>>
      %dma_start3A_670 = arith.constant 0 : i32
      %dma_start3A_671 = arith.constant 0 : i32
      %dma_start3A_672 = tpu.memref_slice %arg6[%add3A_664, %dma_start3A_670, %dma_start3A_671] : memref<4096x200x32xf32, #tpu.memory_space<hbm>> -> memref<1x200x32xf32, #tpu.memory_space<hbm>>
      %dma_start3A_673 = tpu.memref_squeeze %dma_start3A_672 : memref<1x200x32xf32, #tpu.memory_space<hbm>> -> memref<200x32xf32, #tpu.memory_space<hbm>>
      %dma_start3A_674 = arith.constant 0 : i32
      %dma_start3A_675 = arith.constant 0 : i32
      %dma_start3A_676 = tpu.memref_slice %arg6[%add3A_664, %dma_start3A_674, %dma_start3A_675] : memref<4096x200x32xf32, #tpu.memory_space<hbm>> -> memref<1x200x32xf32, #tpu.memory_space<hbm>>
      %dma_start3A_677 = tpu.memref_squeeze %dma_start3A_676 : memref<1x200x32xf32, #tpu.memory_space<hbm>> -> memref<200x32xf32, #tpu.memory_space<hbm>>
      %dma_start3A_678 = arith.constant 0 : i32
      %dma_start3A_679 = arith.constant 0 : i32
      %dma_start3A_680 = tpu.memref_slice %arg9[%dma_start3A_665, %dma_start3A_678, %dma_start3A_679] : memref<16x200x32xf32, #tpu.memory_space<vmem>> -> memref<1x200x32xf32, #tpu.memory_space<vmem>>
      %dma_start3A_681 = tpu.memref_squeeze %dma_start3A_680 : memref<1x200x32xf32, #tpu.memory_space<vmem>> -> memref<200x32xf32, #tpu.memory_space<vmem>>
      tpu.enqueue_dma source(%dma_start3A_681 : memref<200x32xf32, #tpu.memory_space<vmem>>) target(%dma_start3A_677 : memref<200x32xf32, #tpu.memory_space<hbm>>) target_semaphore(%arg12 : memref<!tpu.dma_semaphore, #tpu.memory_space<semaphore_mem>>)
      %dma_wait3A_682 = arith.constant 0 : i32
      %dma_wait3A_683 = arith.constant 3 : i32
      %dma_wait3A_684 = arith.constant 0 : i32
      %dma_wait3A_685 = arith.constant 0 : i32
      %dma_wait3A_686 = tpu.memref_slice %arg9[%dma_wait3A_683, %dma_wait3A_684, %dma_wait3A_685] : memref<16x200x32xf32, #tpu.memory_space<vmem>> -> memref<1x200x32xf32, #tpu.memory_space<vmem>>
      %dma_wait3A_687 = tpu.memref_squeeze %dma_wait3A_686 : memref<1x200x32xf32, #tpu.memory_space<vmem>> -> memref<200x32xf32, #tpu.memory_space<vmem>>
      %dma_wait3A_688 = arith.constant 0 : i32
      %dma_wait3A_689 = tpu.memref_slice %arg8[%dma_wait3A_682, %dma_wait3A_688] : memref<1x200xi32, #tpu.memory_space<vmem>> -> memref<1x200xi32, #tpu.memory_space<vmem>>
      %dma_wait3A_690 = tpu.memref_squeeze %dma_wait3A_689 : memref<1x200xi32, #tpu.memory_space<vmem>> -> memref<200xi32, #tpu.memory_space<vmem>>
      %dma_wait3A_691 = arith.constant 0 : i32
      %dma_wait3A_692 = arith.constant 0 : i32
      %dma_wait3A_693 = tpu.memref_slice %arg4[%dma_wait3A_691, %dma_wait3A_692] : memref<200x32xf32, #tpu.memory_space<hbm>> -> memref<200x32xf32, #tpu.memory_space<hbm>>
      tpu.wait_indirect_dma semaphore(%arg13 : memref<!tpu.dma_semaphore, #tpu.memory_space<semaphore_mem>>) src(%dma_wait3A_693 : memref<200x32xf32, #tpu.memory_space<hbm>>) dst(%dma_wait3A_687 : memref<200x32xf32, #tpu.memory_space<vmem>>)
      %add3A_694 = arith.addi %mul3A_2, %add3A_11 : i32
      %add3A_695 = arith.constant 3 : i32
      %add3A_696 = arith.addi %add3A_694, %add3A_695 : i32
      %dma_start3A_697 = arith.constant 3 : i32
      %dma_start3A_698 = arith.constant 0 : i32
      %dma_start3A_699 = arith.constant 0 : i32
      %dma_start3A_700 = tpu.memref_slice %arg9[%dma_start3A_697, %dma_start3A_698, %dma_start3A_699] : memref<16x200x32xf32, #tpu.memory_space<vmem>> -> memref<1x200x32xf32, #tpu.memory_space<vmem>>
      %dma_start3A_701 = tpu.memref_squeeze %dma_start3A_700 : memref<1x200x32xf32, #tpu.memory_space<vmem>> -> memref<200x32xf32, #tpu.memory_space<vmem>>
      %dma_start3A_702 = arith.constant 0 : i32
      %dma_start3A_703 = arith.constant 0 : i32
      %dma_start3A_704 = tpu.memref_slice %arg6[%add3A_696, %dma_start3A_702, %dma_start3A_703] : memref<4096x200x32xf32, #tpu.memory_space<hbm>> -> memref<1x200x32xf32, #tpu.memory_space<hbm>>
      %dma_start3A_705 = tpu.memref_squeeze %dma_start3A_704 : memref<1x200x32xf32, #tpu.memory_space<hbm>> -> memref<200x32xf32, #tpu.memory_space<hbm>>
      %dma_start3A_706 = arith.constant 0 : i32
      %dma_start3A_707 = arith.constant 0 : i32
      %dma_start3A_708 = tpu.memref_slice %arg6[%add3A_696, %dma_start3A_706, %dma_start3A_707] : memref<4096x200x32xf32, #tpu.memory_space<hbm>> -> memref<1x200x32xf32, #tpu.memory_space<hbm>>
      %dma_start3A_709 = tpu.memref_squeeze %dma_start3A_708 : memref<1x200x32xf32, #tpu.memory_space<hbm>> -> memref<200x32xf32, #tpu.memory_space<hbm>>
      %dma_start3A_710 = arith.constant 0 : i32
      %dma_start3A_711 = arith.constant 0 : i32
      %dma_start3A_712 = tpu.memref_slice %arg9[%dma_start3A_697, %dma_start3A_710, %dma_start3A_711] : memref<16x200x32xf32, #tpu.memory_space<vmem>> -> memref<1x200x32xf32, #tpu.memory_space<vmem>>
      %dma_start3A_713 = tpu.memref_squeeze %dma_start3A_712 : memref<1x200x32xf32, #tpu.memory_space<vmem>> -> memref<200x32xf32, #tpu.memory_space<vmem>>
      tpu.enqueue_dma source(%dma_start3A_713 : memref<200x32xf32, #tpu.memory_space<vmem>>) target(%dma_start3A_709 : memref<200x32xf32, #tpu.memory_space<hbm>>) target_semaphore(%arg13 : memref<!tpu.dma_semaphore, #tpu.memory_space<semaphore_mem>>)
      %dma_wait3A_714 = arith.constant 0 : i32
      %dma_wait3A_715 = arith.constant 4 : i32
      %dma_wait3A_716 = arith.constant 0 : i32
      %dma_wait3A_717 = arith.constant 0 : i32
      %dma_wait3A_718 = tpu.memref_slice %arg9[%dma_wait3A_715, %dma_wait3A_716, %dma_wait3A_717] : memref<16x200x32xf32, #tpu.memory_space<vmem>> -> memref<1x200x32xf32, #tpu.memory_space<vmem>>
      %dma_wait3A_719 = tpu.memref_squeeze %dma_wait3A_718 : memref<1x200x32xf32, #tpu.memory_space<vmem>> -> memref<200x32xf32, #tpu.memory_space<vmem>>
      %dma_wait3A_720 = arith.constant 0 : i32
      %dma_wait3A_721 = tpu.memref_slice %arg8[%dma_wait3A_714, %dma_wait3A_720] : memref<1x200xi32, #tpu.memory_space<vmem>> -> memref<1x200xi32, #tpu.memory_space<vmem>>
      %dma_wait3A_722 = tpu.memref_squeeze %dma_wait3A_721 : memref<1x200xi32, #tpu.memory_space<vmem>> -> memref<200xi32, #tpu.memory_space<vmem>>
      %dma_wait3A_723 = arith.constant 0 : i32
      %dma_wait3A_724 = arith.constant 0 : i32
      %dma_wait3A_725 = tpu.memref_slice %arg4[%dma_wait3A_723, %dma_wait3A_724] : memref<200x32xf32, #tpu.memory_space<hbm>> -> memref<200x32xf32, #tpu.memory_space<hbm>>
      tpu.wait_indirect_dma semaphore(%arg14 : memref<!tpu.dma_semaphore, #tpu.memory_space<semaphore_mem>>) src(%dma_wait3A_725 : memref<200x32xf32, #tpu.memory_space<hbm>>) dst(%dma_wait3A_719 : memref<200x32xf32, #tpu.memory_space<vmem>>)
      %add3A_726 = arith.addi %mul3A_2, %add3A_11 : i32
      %add3A_727 = arith.constant 4 : i32
      %add3A_728 = arith.addi %add3A_726, %add3A_727 : i32
      %dma_start3A_729 = arith.constant 4 : i32
      %dma_start3A_730 = arith.constant 0 : i32
      %dma_start3A_731 = arith.constant 0 : i32
      %dma_start3A_732 = tpu.memref_slice %arg9[%dma_start3A_729, %dma_start3A_730, %dma_start3A_731] : memref<16x200x32xf32, #tpu.memory_space<vmem>> -> memref<1x200x32xf32, #tpu.memory_space<vmem>>
      %dma_start3A_733 = tpu.memref_squeeze %dma_start3A_732 : memref<1x200x32xf32, #tpu.memory_space<vmem>> -> memref<200x32xf32, #tpu.memory_space<vmem>>
      %dma_start3A_734 = arith.constant 0 : i32
      %dma_start3A_735 = arith.constant 0 : i32
      %dma_start3A_736 = tpu.memref_slice %arg6[%add3A_728, %dma_start3A_734, %dma_start3A_735] : memref<4096x200x32xf32, #tpu.memory_space<hbm>> -> memref<1x200x32xf32, #tpu.memory_space<hbm>>
      %dma_start3A_737 = tpu.memref_squeeze %dma_start3A_736 : memref<1x200x32xf32, #tpu.memory_space<hbm>> -> memref<200x32xf32, #tpu.memory_space<hbm>>
      %dma_start3A_738 = arith.constant 0 : i32
      %dma_start3A_739 = arith.constant 0 : i32
      %dma_start3A_740 = tpu.memref_slice %arg6[%add3A_728, %dma_start3A_738, %dma_start3A_739] : memref<4096x200x32xf32, #tpu.memory_space<hbm>> -> memref<1x200x32xf32, #tpu.memory_space<hbm>>
      %dma_start3A_741 = tpu.memref_squeeze %dma_start3A_740 : memref<1x200x32xf32, #tpu.memory_space<hbm>> -> memref<200x32xf32, #tpu.memory_space<hbm>>
      %dma_start3A_742 = arith.constant 0 : i32
      %dma_start3A_743 = arith.constant 0 : i32
      %dma_start3A_744 = tpu.memref_slice %arg9[%dma_start3A_729, %dma_start3A_742, %dma_start3A_743] : memref<16x200x32xf32, #tpu.memory_space<vmem>> -> memref<1x200x32xf32, #tpu.memory_space<vmem>>
      %dma_start3A_745 = tpu.memref_squeeze %dma_start3A_744 : memref<1x200x32xf32, #tpu.memory_space<vmem>> -> memref<200x32xf32, #tpu.memory_space<vmem>>
      tpu.enqueue_dma source(%dma_start3A_745 : memref<200x32xf32, #tpu.memory_space<vmem>>) target(%dma_start3A_741 : memref<200x32xf32, #tpu.memory_space<hbm>>) target_semaphore(%arg14 : memref<!tpu.dma_semaphore, #tpu.memory_space<semaphore_mem>>)
      %dma_wait3A_746 = arith.constant 0 : i32
      %dma_wait3A_747 = arith.constant 5 : i32
      %dma_wait3A_748 = arith.constant 0 : i32
      %dma_wait3A_749 = arith.constant 0 : i32
      %dma_wait3A_750 = tpu.memref_slice %arg9[%dma_wait3A_747, %dma_wait3A_748, %dma_wait3A_749] : memref<16x200x32xf32, #tpu.memory_space<vmem>> -> memref<1x200x32xf32, #tpu.memory_space<vmem>>
      %dma_wait3A_751 = tpu.memref_squeeze %dma_wait3A_750 : memref<1x200x32xf32, #tpu.memory_space<vmem>> -> memref<200x32xf32, #tpu.memory_space<vmem>>
      %dma_wait3A_752 = arith.constant 0 : i32
      %dma_wait3A_753 = tpu.memref_slice %arg8[%dma_wait3A_746, %dma_wait3A_752] : memref<1x200xi32, #tpu.memory_space<vmem>> -> memref<1x200xi32, #tpu.memory_space<vmem>>
      %dma_wait3A_754 = tpu.memref_squeeze %dma_wait3A_753 : memref<1x200xi32, #tpu.memory_space<vmem>> -> memref<200xi32, #tpu.memory_space<vmem>>
      %dma_wait3A_755 = arith.constant 0 : i32
      %dma_wait3A_756 = arith.constant 0 : i32
      %dma_wait3A_757 = tpu.memref_slice %arg4[%dma_wait3A_755, %dma_wait3A_756] : memref<200x32xf32, #tpu.memory_space<hbm>> -> memref<200x32xf32, #tpu.memory_space<hbm>>
      tpu.wait_indirect_dma semaphore(%arg15 : memref<!tpu.dma_semaphore, #tpu.memory_space<semaphore_mem>>) src(%dma_wait3A_757 : memref<200x32xf32, #tpu.memory_space<hbm>>) dst(%dma_wait3A_751 : memref<200x32xf32, #tpu.memory_space<vmem>>)
      %add3A_758 = arith.addi %mul3A_2, %add3A_11 : i32
      %add3A_759 = arith.constant 5 : i32
      %add3A_760 = arith.addi %add3A_758, %add3A_759 : i32
      %dma_start3A_761 = arith.constant 5 : i32
      %dma_start3A_762 = arith.constant 0 : i32
      %dma_start3A_763 = arith.constant 0 : i32
      %dma_start3A_764 = tpu.memref_slice %arg9[%dma_start3A_761, %dma_start3A_762, %dma_start3A_763] : memref<16x200x32xf32, #tpu.memory_space<vmem>> -> memref<1x200x32xf32, #tpu.memory_space<vmem>>
      %dma_start3A_765 = tpu.memref_squeeze %dma_start3A_764 : memref<1x200x32xf32, #tpu.memory_space<vmem>> -> memref<200x32xf32, #tpu.memory_space<vmem>>
      %dma_start3A_766 = arith.constant 0 : i32
      %dma_start3A_767 = arith.constant 0 : i32
      %dma_start3A_768 = tpu.memref_slice %arg6[%add3A_760, %dma_start3A_766, %dma_start3A_767] : memref<4096x200x32xf32, #tpu.memory_space<hbm>> -> memref<1x200x32xf32, #tpu.memory_space<hbm>>
      %dma_start3A_769 = tpu.memref_squeeze %dma_start3A_768 : memref<1x200x32xf32, #tpu.memory_space<hbm>> -> memref<200x32xf32, #tpu.memory_space<hbm>>
      %dma_start3A_770 = arith.constant 0 : i32
      %dma_start3A_771 = arith.constant 0 : i32
      %dma_start3A_772 = tpu.memref_slice %arg6[%add3A_760, %dma_start3A_770, %dma_start3A_771] : memref<4096x200x32xf32, #tpu.memory_space<hbm>> -> memref<1x200x32xf32, #tpu.memory_space<hbm>>
      %dma_start3A_773 = tpu.memref_squeeze %dma_start3A_772 : memref<1x200x32xf32, #tpu.memory_space<hbm>> -> memref<200x32xf32, #tpu.memory_space<hbm>>
      %dma_start3A_774 = arith.constant 0 : i32
      %dma_start3A_775 = arith.constant 0 : i32
      %dma_start3A_776 = tpu.memref_slice %arg9[%dma_start3A_761, %dma_start3A_774, %dma_start3A_775] : memref<16x200x32xf32, #tpu.memory_space<vmem>> -> memref<1x200x32xf32, #tpu.memory_space<vmem>>
      %dma_start3A_777 = tpu.memref_squeeze %dma_start3A_776 : memref<1x200x32xf32, #tpu.memory_space<vmem>> -> memref<200x32xf32, #tpu.memory_space<vmem>>
      tpu.enqueue_dma source(%dma_start3A_777 : memref<200x32xf32, #tpu.memory_space<vmem>>) target(%dma_start3A_773 : memref<200x32xf32, #tpu.memory_space<hbm>>) target_semaphore(%arg15 : memref<!tpu.dma_semaphore, #tpu.memory_space<semaphore_mem>>)
      %dma_wait3A_778 = arith.constant 0 : i32
      %dma_wait3A_779 = arith.constant 6 : i32
      %dma_wait3A_780 = arith.constant 0 : i32
      %dma_wait3A_781 = arith.constant 0 : i32
      %dma_wait3A_782 = tpu.memref_slice %arg9[%dma_wait3A_779, %dma_wait3A_780, %dma_wait3A_781] : memref<16x200x32xf32, #tpu.memory_space<vmem>> -> memref<1x200x32xf32, #tpu.memory_space<vmem>>
      %dma_wait3A_783 = tpu.memref_squeeze %dma_wait3A_782 : memref<1x200x32xf32, #tpu.memory_space<vmem>> -> memref<200x32xf32, #tpu.memory_space<vmem>>
      %dma_wait3A_784 = arith.constant 0 : i32
      %dma_wait3A_785 = tpu.memref_slice %arg8[%dma_wait3A_778, %dma_wait3A_784] : memref<1x200xi32, #tpu.memory_space<vmem>> -> memref<1x200xi32, #tpu.memory_space<vmem>>
      %dma_wait3A_786 = tpu.memref_squeeze %dma_wait3A_785 : memref<1x200xi32, #tpu.memory_space<vmem>> -> memref<200xi32, #tpu.memory_space<vmem>>
      %dma_wait3A_787 = arith.constant 0 : i32
      %dma_wait3A_788 = arith.constant 0 : i32
      %dma_wait3A_789 = tpu.memref_slice %arg4[%dma_wait3A_787, %dma_wait3A_788] : memref<200x32xf32, #tpu.memory_space<hbm>> -> memref<200x32xf32, #tpu.memory_space<hbm>>
      tpu.wait_indirect_dma semaphore(%arg16 : memref<!tpu.dma_semaphore, #tpu.memory_space<semaphore_mem>>) src(%dma_wait3A_789 : memref<200x32xf32, #tpu.memory_space<hbm>>) dst(%dma_wait3A_783 : memref<200x32xf32, #tpu.memory_space<vmem>>)
      %add3A_790 = arith.addi %mul3A_2, %add3A_11 : i32
      %add3A_791 = arith.constant 6 : i32
      %add3A_792 = arith.addi %add3A_790, %add3A_791 : i32
      %dma_start3A_793 = arith.constant 6 : i32
      %dma_start3A_794 = arith.constant 0 : i32
      %dma_start3A_795 = arith.constant 0 : i32
      %dma_start3A_796 = tpu.memref_slice %arg9[%dma_start3A_793, %dma_start3A_794, %dma_start3A_795] : memref<16x200x32xf32, #tpu.memory_space<vmem>> -> memref<1x200x32xf32, #tpu.memory_space<vmem>>
      %dma_start3A_797 = tpu.memref_squeeze %dma_start3A_796 : memref<1x200x32xf32, #tpu.memory_space<vmem>> -> memref<200x32xf32, #tpu.memory_space<vmem>>
      %dma_start3A_798 = arith.constant 0 : i32
      %dma_start3A_799 = arith.constant 0 : i32
      %dma_start3A_800 = tpu.memref_slice %arg6[%add3A_792, %dma_start3A_798, %dma_start3A_799] : memref<4096x200x32xf32, #tpu.memory_space<hbm>> -> memref<1x200x32xf32, #tpu.memory_space<hbm>>
      %dma_start3A_801 = tpu.memref_squeeze %dma_start3A_800 : memref<1x200x32xf32, #tpu.memory_space<hbm>> -> memref<200x32xf32, #tpu.memory_space<hbm>>
      %dma_start3A_802 = arith.constant 0 : i32
      %dma_start3A_803 = arith.constant 0 : i32
      %dma_start3A_804 = tpu.memref_slice %arg6[%add3A_792, %dma_start3A_802, %dma_start3A_803] : memref<4096x200x32xf32, #tpu.memory_space<hbm>> -> memref<1x200x32xf32, #tpu.memory_space<hbm>>
      %dma_start3A_805 = tpu.memref_squeeze %dma_start3A_804 : memref<1x200x32xf32, #tpu.memory_space<hbm>> -> memref<200x32xf32, #tpu.memory_space<hbm>>
      %dma_start3A_806 = arith.constant 0 : i32
      %dma_start3A_807 = arith.constant 0 : i32
      %dma_start3A_808 = tpu.memref_slice %arg9[%dma_start3A_793, %dma_start3A_806, %dma_start3A_807] : memref<16x200x32xf32, #tpu.memory_space<vmem>> -> memref<1x200x32xf32, #tpu.memory_space<vmem>>
      %dma_start3A_809 = tpu.memref_squeeze %dma_start3A_808 : memref<1x200x32xf32, #tpu.memory_space<vmem>> -> memref<200x32xf32, #tpu.memory_space<vmem>>
      tpu.enqueue_dma source(%dma_start3A_809 : memref<200x32xf32, #tpu.memory_space<vmem>>) target(%dma_start3A_805 : memref<200x32xf32, #tpu.memory_space<hbm>>) target_semaphore(%arg16 : memref<!tpu.dma_semaphore, #tpu.memory_space<semaphore_mem>>)
      %dma_wait3A_810 = arith.constant 0 : i32
      %dma_wait3A_811 = arith.constant 7 : i32
      %dma_wait3A_812 = arith.constant 0 : i32
      %dma_wait3A_813 = arith.constant 0 : i32
      %dma_wait3A_814 = tpu.memref_slice %arg9[%dma_wait3A_811, %dma_wait3A_812, %dma_wait3A_813] : memref<16x200x32xf32, #tpu.memory_space<vmem>> -> memref<1x200x32xf32, #tpu.memory_space<vmem>>
      %dma_wait3A_815 = tpu.memref_squeeze %dma_wait3A_814 : memref<1x200x32xf32, #tpu.memory_space<vmem>> -> memref<200x32xf32, #tpu.memory_space<vmem>>
      %dma_wait3A_816 = arith.constant 0 : i32
      %dma_wait3A_817 = tpu.memref_slice %arg8[%dma_wait3A_810, %dma_wait3A_816] : memref<1x200xi32, #tpu.memory_space<vmem>> -> memref<1x200xi32, #tpu.memory_space<vmem>>
      %dma_wait3A_818 = tpu.memref_squeeze %dma_wait3A_817 : memref<1x200xi32, #tpu.memory_space<vmem>> -> memref<200xi32, #tpu.memory_space<vmem>>
      %dma_wait3A_819 = arith.constant 0 : i32
      %dma_wait3A_820 = arith.constant 0 : i32
      %dma_wait3A_821 = tpu.memref_slice %arg4[%dma_wait3A_819, %dma_wait3A_820] : memref<200x32xf32, #tpu.memory_space<hbm>> -> memref<200x32xf32, #tpu.memory_space<hbm>>
      tpu.wait_indirect_dma semaphore(%arg17 : memref<!tpu.dma_semaphore, #tpu.memory_space<semaphore_mem>>) src(%dma_wait3A_821 : memref<200x32xf32, #tpu.memory_space<hbm>>) dst(%dma_wait3A_815 : memref<200x32xf32, #tpu.memory_space<vmem>>)
      %add3A_822 = arith.addi %mul3A_2, %add3A_11 : i32
      %add3A_823 = arith.constant 7 : i32
      %add3A_824 = arith.addi %add3A_822, %add3A_823 : i32
      %dma_start3A_825 = arith.constant 7 : i32
      %dma_start3A_826 = arith.constant 0 : i32
      %dma_start3A_827 = arith.constant 0 : i32
      %dma_start3A_828 = tpu.memref_slice %arg9[%dma_start3A_825, %dma_start3A_826, %dma_start3A_827] : memref<16x200x32xf32, #tpu.memory_space<vmem>> -> memref<1x200x32xf32, #tpu.memory_space<vmem>>
      %dma_start3A_829 = tpu.memref_squeeze %dma_start3A_828 : memref<1x200x32xf32, #tpu.memory_space<vmem>> -> memref<200x32xf32, #tpu.memory_space<vmem>>
      %dma_start3A_830 = arith.constant 0 : i32
      %dma_start3A_831 = arith.constant 0 : i32
      %dma_start3A_832 = tpu.memref_slice %arg6[%add3A_824, %dma_start3A_830, %dma_start3A_831] : memref<4096x200x32xf32, #tpu.memory_space<hbm>> -> memref<1x200x32xf32, #tpu.memory_space<hbm>>
      %dma_start3A_833 = tpu.memref_squeeze %dma_start3A_832 : memref<1x200x32xf32, #tpu.memory_space<hbm>> -> memref<200x32xf32, #tpu.memory_space<hbm>>
      %dma_start3A_834 = arith.constant 0 : i32
      %dma_start3A_835 = arith.constant 0 : i32
      %dma_start3A_836 = tpu.memref_slice %arg6[%add3A_824, %dma_start3A_834, %dma_start3A_835] : memref<4096x200x32xf32, #tpu.memory_space<hbm>> -> memref<1x200x32xf32, #tpu.memory_space<hbm>>
      %dma_start3A_837 = tpu.memref_squeeze %dma_start3A_836 : memref<1x200x32xf32, #tpu.memory_space<hbm>> -> memref<200x32xf32, #tpu.memory_space<hbm>>
      %dma_start3A_838 = arith.constant 0 : i32
      %dma_start3A_839 = arith.constant 0 : i32
      %dma_start3A_840 = tpu.memref_slice %arg9[%dma_start3A_825, %dma_start3A_838, %dma_start3A_839] : memref<16x200x32xf32, #tpu.memory_space<vmem>> -> memref<1x200x32xf32, #tpu.memory_space<vmem>>
      %dma_start3A_841 = tpu.memref_squeeze %dma_start3A_840 : memref<1x200x32xf32, #tpu.memory_space<vmem>> -> memref<200x32xf32, #tpu.memory_space<vmem>>
      tpu.enqueue_dma source(%dma_start3A_841 : memref<200x32xf32, #tpu.memory_space<vmem>>) target(%dma_start3A_837 : memref<200x32xf32, #tpu.memory_space<hbm>>) target_semaphore(%arg17 : memref<!tpu.dma_semaphore, #tpu.memory_space<semaphore_mem>>)
      %dma_wait3A_842 = arith.constant 0 : i32
      %dma_wait3A_843 = arith.constant 8 : i32
      %dma_wait3A_844 = arith.constant 0 : i32
      %dma_wait3A_845 = arith.constant 0 : i32
      %dma_wait3A_846 = tpu.memref_slice %arg9[%dma_wait3A_843, %dma_wait3A_844, %dma_wait3A_845] : memref<16x200x32xf32, #tpu.memory_space<vmem>> -> memref<1x200x32xf32, #tpu.memory_space<vmem>>
      %dma_wait3A_847 = tpu.memref_squeeze %dma_wait3A_846 : memref<1x200x32xf32, #tpu.memory_space<vmem>> -> memref<200x32xf32, #tpu.memory_space<vmem>>
      %dma_wait3A_848 = arith.constant 0 : i32
      %dma_wait3A_849 = tpu.memref_slice %arg8[%dma_wait3A_842, %dma_wait3A_848] : memref<1x200xi32, #tpu.memory_space<vmem>> -> memref<1x200xi32, #tpu.memory_space<vmem>>
      %dma_wait3A_850 = tpu.memref_squeeze %dma_wait3A_849 : memref<1x200xi32, #tpu.memory_space<vmem>> -> memref<200xi32, #tpu.memory_space<vmem>>
      %dma_wait3A_851 = arith.constant 0 : i32
      %dma_wait3A_852 = arith.constant 0 : i32
      %dma_wait3A_853 = tpu.memref_slice %arg4[%dma_wait3A_851, %dma_wait3A_852] : memref<200x32xf32, #tpu.memory_space<hbm>> -> memref<200x32xf32, #tpu.memory_space<hbm>>
      tpu.wait_indirect_dma semaphore(%arg18 : memref<!tpu.dma_semaphore, #tpu.memory_space<semaphore_mem>>) src(%dma_wait3A_853 : memref<200x32xf32, #tpu.memory_space<hbm>>) dst(%dma_wait3A_847 : memref<200x32xf32, #tpu.memory_space<vmem>>)
      %add3A_854 = arith.addi %mul3A_2, %add3A_11 : i32
      %add3A_855 = arith.constant 8 : i32
      %add3A_856 = arith.addi %add3A_854, %add3A_855 : i32
      %dma_start3A_857 = arith.constant 8 : i32
      %dma_start3A_858 = arith.constant 0 : i32
      %dma_start3A_859 = arith.constant 0 : i32
      %dma_start3A_860 = tpu.memref_slice %arg9[%dma_start3A_857, %dma_start3A_858, %dma_start3A_859] : memref<16x200x32xf32, #tpu.memory_space<vmem>> -> memref<1x200x32xf32, #tpu.memory_space<vmem>>
      %dma_start3A_861 = tpu.memref_squeeze %dma_start3A_860 : memref<1x200x32xf32, #tpu.memory_space<vmem>> -> memref<200x32xf32, #tpu.memory_space<vmem>>
      %dma_start3A_862 = arith.constant 0 : i32
      %dma_start3A_863 = arith.constant 0 : i32
      %dma_start3A_864 = tpu.memref_slice %arg6[%add3A_856, %dma_start3A_862, %dma_start3A_863] : memref<4096x200x32xf32, #tpu.memory_space<hbm>> -> memref<1x200x32xf32, #tpu.memory_space<hbm>>
      %dma_start3A_865 = tpu.memref_squeeze %dma_start3A_864 : memref<1x200x32xf32, #tpu.memory_space<hbm>> -> memref<200x32xf32, #tpu.memory_space<hbm>>
      %dma_start3A_866 = arith.constant 0 : i32
      %dma_start3A_867 = arith.constant 0 : i32
      %dma_start3A_868 = tpu.memref_slice %arg6[%add3A_856, %dma_start3A_866, %dma_start3A_867] : memref<4096x200x32xf32, #tpu.memory_space<hbm>> -> memref<1x200x32xf32, #tpu.memory_space<hbm>>
      %dma_start3A_869 = tpu.memref_squeeze %dma_start3A_868 : memref<1x200x32xf32, #tpu.memory_space<hbm>> -> memref<200x32xf32, #tpu.memory_space<hbm>>
      %dma_start3A_870 = arith.constant 0 : i32
      %dma_start3A_871 = arith.constant 0 : i32
      %dma_start3A_872 = tpu.memref_slice %arg9[%dma_start3A_857, %dma_start3A_870, %dma_start3A_871] : memref<16x200x32xf32, #tpu.memory_space<vmem>> -> memref<1x200x32xf32, #tpu.memory_space<vmem>>
      %dma_start3A_873 = tpu.memref_squeeze %dma_start3A_872 : memref<1x200x32xf32, #tpu.memory_space<vmem>> -> memref<200x32xf32, #tpu.memory_space<vmem>>
      tpu.enqueue_dma source(%dma_start3A_873 : memref<200x32xf32, #tpu.memory_space<vmem>>) target(%dma_start3A_869 : memref<200x32xf32, #tpu.memory_space<hbm>>) target_semaphore(%arg18 : memref<!tpu.dma_semaphore, #tpu.memory_space<semaphore_mem>>)
      %dma_wait3A_874 = arith.constant 0 : i32
      %dma_wait3A_875 = arith.constant 9 : i32
      %dma_wait3A_876 = arith.constant 0 : i32
      %dma_wait3A_877 = arith.constant 0 : i32
      %dma_wait3A_878 = tpu.memref_slice %arg9[%dma_wait3A_875, %dma_wait3A_876, %dma_wait3A_877] : memref<16x200x32xf32, #tpu.memory_space<vmem>> -> memref<1x200x32xf32, #tpu.memory_space<vmem>>
      %dma_wait3A_879 = tpu.memref_squeeze %dma_wait3A_878 : memref<1x200x32xf32, #tpu.memory_space<vmem>> -> memref<200x32xf32, #tpu.memory_space<vmem>>
      %dma_wait3A_880 = arith.constant 0 : i32
      %dma_wait3A_881 = tpu.memref_slice %arg8[%dma_wait3A_874, %dma_wait3A_880] : memref<1x200xi32, #tpu.memory_space<vmem>> -> memref<1x200xi32, #tpu.memory_space<vmem>>
      %dma_wait3A_882 = tpu.memref_squeeze %dma_wait3A_881 : memref<1x200xi32, #tpu.memory_space<vmem>> -> memref<200xi32, #tpu.memory_space<vmem>>
      %dma_wait3A_883 = arith.constant 0 : i32
      %dma_wait3A_884 = arith.constant 0 : i32
      %dma_wait3A_885 = tpu.memref_slice %arg4[%dma_wait3A_883, %dma_wait3A_884] : memref<200x32xf32, #tpu.memory_space<hbm>> -> memref<200x32xf32, #tpu.memory_space<hbm>>
      tpu.wait_indirect_dma semaphore(%arg19 : memref<!tpu.dma_semaphore, #tpu.memory_space<semaphore_mem>>) src(%dma_wait3A_885 : memref<200x32xf32, #tpu.memory_space<hbm>>) dst(%dma_wait3A_879 : memref<200x32xf32, #tpu.memory_space<vmem>>)
      %add3A_886 = arith.addi %mul3A_2, %add3A_11 : i32
      %add3A_887 = arith.constant 9 : i32
      %add3A_888 = arith.addi %add3A_886, %add3A_887 : i32
      %dma_start3A_889 = arith.constant 9 : i32
      %dma_start3A_890 = arith.constant 0 : i32
      %dma_start3A_891 = arith.constant 0 : i32
      %dma_start3A_892 = tpu.memref_slice %arg9[%dma_start3A_889, %dma_start3A_890, %dma_start3A_891] : memref<16x200x32xf32, #tpu.memory_space<vmem>> -> memref<1x200x32xf32, #tpu.memory_space<vmem>>
      %dma_start3A_893 = tpu.memref_squeeze %dma_start3A_892 : memref<1x200x32xf32, #tpu.memory_space<vmem>> -> memref<200x32xf32, #tpu.memory_space<vmem>>
      %dma_start3A_894 = arith.constant 0 : i32
      %dma_start3A_895 = arith.constant 0 : i32
      %dma_start3A_896 = tpu.memref_slice %arg6[%add3A_888, %dma_start3A_894, %dma_start3A_895] : memref<4096x200x32xf32, #tpu.memory_space<hbm>> -> memref<1x200x32xf32, #tpu.memory_space<hbm>>
      %dma_start3A_897 = tpu.memref_squeeze %dma_start3A_896 : memref<1x200x32xf32, #tpu.memory_space<hbm>> -> memref<200x32xf32, #tpu.memory_space<hbm>>
      %dma_start3A_898 = arith.constant 0 : i32
      %dma_start3A_899 = arith.constant 0 : i32
      %dma_start3A_900 = tpu.memref_slice %arg6[%add3A_888, %dma_start3A_898, %dma_start3A_899] : memref<4096x200x32xf32, #tpu.memory_space<hbm>> -> memref<1x200x32xf32, #tpu.memory_space<hbm>>
      %dma_start3A_901 = tpu.memref_squeeze %dma_start3A_900 : memref<1x200x32xf32, #tpu.memory_space<hbm>> -> memref<200x32xf32, #tpu.memory_space<hbm>>
      %dma_start3A_902 = arith.constant 0 : i32
      %dma_start3A_903 = arith.constant 0 : i32
      %dma_start3A_904 = tpu.memref_slice %arg9[%dma_start3A_889, %dma_start3A_902, %dma_start3A_903] : memref<16x200x32xf32, #tpu.memory_space<vmem>> -> memref<1x200x32xf32, #tpu.memory_space<vmem>>
      %dma_start3A_905 = tpu.memref_squeeze %dma_start3A_904 : memref<1x200x32xf32, #tpu.memory_space<vmem>> -> memref<200x32xf32, #tpu.memory_space<vmem>>
      tpu.enqueue_dma source(%dma_start3A_905 : memref<200x32xf32, #tpu.memory_space<vmem>>) target(%dma_start3A_901 : memref<200x32xf32, #tpu.memory_space<hbm>>) target_semaphore(%arg19 : memref<!tpu.dma_semaphore, #tpu.memory_space<semaphore_mem>>)
      %dma_wait3A_906 = arith.constant 0 : i32
      %dma_wait3A_907 = arith.constant 10 : i32
      %dma_wait3A_908 = arith.constant 0 : i32
      %dma_wait3A_909 = arith.constant 0 : i32
      %dma_wait3A_910 = tpu.memref_slice %arg9[%dma_wait3A_907, %dma_wait3A_908, %dma_wait3A_909] : memref<16x200x32xf32, #tpu.memory_space<vmem>> -> memref<1x200x32xf32, #tpu.memory_space<vmem>>
      %dma_wait3A_911 = tpu.memref_squeeze %dma_wait3A_910 : memref<1x200x32xf32, #tpu.memory_space<vmem>> -> memref<200x32xf32, #tpu.memory_space<vmem>>
      %dma_wait3A_912 = arith.constant 0 : i32
      %dma_wait3A_913 = tpu.memref_slice %arg8[%dma_wait3A_906, %dma_wait3A_912] : memref<1x200xi32, #tpu.memory_space<vmem>> -> memref<1x200xi32, #tpu.memory_space<vmem>>
      %dma_wait3A_914 = tpu.memref_squeeze %dma_wait3A_913 : memref<1x200xi32, #tpu.memory_space<vmem>> -> memref<200xi32, #tpu.memory_space<vmem>>
      %dma_wait3A_915 = arith.constant 0 : i32
      %dma_wait3A_916 = arith.constant 0 : i32
      %dma_wait3A_917 = tpu.memref_slice %arg4[%dma_wait3A_915, %dma_wait3A_916] : memref<200x32xf32, #tpu.memory_space<hbm>> -> memref<200x32xf32, #tpu.memory_space<hbm>>
      tpu.wait_indirect_dma semaphore(%arg20 : memref<!tpu.dma_semaphore, #tpu.memory_space<semaphore_mem>>) src(%dma_wait3A_917 : memref<200x32xf32, #tpu.memory_space<hbm>>) dst(%dma_wait3A_911 : memref<200x32xf32, #tpu.memory_space<vmem>>)
      %add3A_918 = arith.addi %mul3A_2, %add3A_11 : i32
      %add3A_919 = arith.constant 10 : i32
      %add3A_920 = arith.addi %add3A_918, %add3A_919 : i32
      %dma_start3A_921 = arith.constant 10 : i32
      %dma_start3A_922 = arith.constant 0 : i32
      %dma_start3A_923 = arith.constant 0 : i32
      %dma_start3A_924 = tpu.memref_slice %arg9[%dma_start3A_921, %dma_start3A_922, %dma_start3A_923] : memref<16x200x32xf32, #tpu.memory_space<vmem>> -> memref<1x200x32xf32, #tpu.memory_space<vmem>>
      %dma_start3A_925 = tpu.memref_squeeze %dma_start3A_924 : memref<1x200x32xf32, #tpu.memory_space<vmem>> -> memref<200x32xf32, #tpu.memory_space<vmem>>
      %dma_start3A_926 = arith.constant 0 : i32
      %dma_start3A_927 = arith.constant 0 : i32
      %dma_start3A_928 = tpu.memref_slice %arg6[%add3A_920, %dma_start3A_926, %dma_start3A_927] : memref<4096x200x32xf32, #tpu.memory_space<hbm>> -> memref<1x200x32xf32, #tpu.memory_space<hbm>>
      %dma_start3A_929 = tpu.memref_squeeze %dma_start3A_928 : memref<1x200x32xf32, #tpu.memory_space<hbm>> -> memref<200x32xf32, #tpu.memory_space<hbm>>
      %dma_start3A_930 = arith.constant 0 : i32
      %dma_start3A_931 = arith.constant 0 : i32
      %dma_start3A_932 = tpu.memref_slice %arg6[%add3A_920, %dma_start3A_930, %dma_start3A_931] : memref<4096x200x32xf32, #tpu.memory_space<hbm>> -> memref<1x200x32xf32, #tpu.memory_space<hbm>>
      %dma_start3A_933 = tpu.memref_squeeze %dma_start3A_932 : memref<1x200x32xf32, #tpu.memory_space<hbm>> -> memref<200x32xf32, #tpu.memory_space<hbm>>
      %dma_start3A_934 = arith.constant 0 : i32
      %dma_start3A_935 = arith.constant 0 : i32
      %dma_start3A_936 = tpu.memref_slice %arg9[%dma_start3A_921, %dma_start3A_934, %dma_start3A_935] : memref<16x200x32xf32, #tpu.memory_space<vmem>> -> memref<1x200x32xf32, #tpu.memory_space<vmem>>
      %dma_start3A_937 = tpu.memref_squeeze %dma_start3A_936 : memref<1x200x32xf32, #tpu.memory_space<vmem>> -> memref<200x32xf32, #tpu.memory_space<vmem>>
      tpu.enqueue_dma source(%dma_start3A_937 : memref<200x32xf32, #tpu.memory_space<vmem>>) target(%dma_start3A_933 : memref<200x32xf32, #tpu.memory_space<hbm>>) target_semaphore(%arg20 : memref<!tpu.dma_semaphore, #tpu.memory_space<semaphore_mem>>)
      %dma_wait3A_938 = arith.constant 0 : i32
      %dma_wait3A_939 = arith.constant 11 : i32
      %dma_wait3A_940 = arith.constant 0 : i32
      %dma_wait3A_941 = arith.constant 0 : i32
      %dma_wait3A_942 = tpu.memref_slice %arg9[%dma_wait3A_939, %dma_wait3A_940, %dma_wait3A_941] : memref<16x200x32xf32, #tpu.memory_space<vmem>> -> memref<1x200x32xf32, #tpu.memory_space<vmem>>
      %dma_wait3A_943 = tpu.memref_squeeze %dma_wait3A_942 : memref<1x200x32xf32, #tpu.memory_space<vmem>> -> memref<200x32xf32, #tpu.memory_space<vmem>>
      %dma_wait3A_944 = arith.constant 0 : i32
      %dma_wait3A_945 = tpu.memref_slice %arg8[%dma_wait3A_938, %dma_wait3A_944] : memref<1x200xi32, #tpu.memory_space<vmem>> -> memref<1x200xi32, #tpu.memory_space<vmem>>
      %dma_wait3A_946 = tpu.memref_squeeze %dma_wait3A_945 : memref<1x200xi32, #tpu.memory_space<vmem>> -> memref<200xi32, #tpu.memory_space<vmem>>
      %dma_wait3A_947 = arith.constant 0 : i32
      %dma_wait3A_948 = arith.constant 0 : i32
      %dma_wait3A_949 = tpu.memref_slice %arg4[%dma_wait3A_947, %dma_wait3A_948] : memref<200x32xf32, #tpu.memory_space<hbm>> -> memref<200x32xf32, #tpu.memory_space<hbm>>
      tpu.wait_indirect_dma semaphore(%arg21 : memref<!tpu.dma_semaphore, #tpu.memory_space<semaphore_mem>>) src(%dma_wait3A_949 : memref<200x32xf32, #tpu.memory_space<hbm>>) dst(%dma_wait3A_943 : memref<200x32xf32, #tpu.memory_space<vmem>>)
      %add3A_950 = arith.addi %mul3A_2, %add3A_11 : i32
      %add3A_951 = arith.constant 11 : i32
      %add3A_952 = arith.addi %add3A_950, %add3A_951 : i32
      %dma_start3A_953 = arith.constant 11 : i32
      %dma_start3A_954 = arith.constant 0 : i32
      %dma_start3A_955 = arith.constant 0 : i32
      %dma_start3A_956 = tpu.memref_slice %arg9[%dma_start3A_953, %dma_start3A_954, %dma_start3A_955] : memref<16x200x32xf32, #tpu.memory_space<vmem>> -> memref<1x200x32xf32, #tpu.memory_space<vmem>>
      %dma_start3A_957 = tpu.memref_squeeze %dma_start3A_956 : memref<1x200x32xf32, #tpu.memory_space<vmem>> -> memref<200x32xf32, #tpu.memory_space<vmem>>
      %dma_start3A_958 = arith.constant 0 : i32
      %dma_start3A_959 = arith.constant 0 : i32
      %dma_start3A_960 = tpu.memref_slice %arg6[%add3A_952, %dma_start3A_958, %dma_start3A_959] : memref<4096x200x32xf32, #tpu.memory_space<hbm>> -> memref<1x200x32xf32, #tpu.memory_space<hbm>>
      %dma_start3A_961 = tpu.memref_squeeze %dma_start3A_960 : memref<1x200x32xf32, #tpu.memory_space<hbm>> -> memref<200x32xf32, #tpu.memory_space<hbm>>
      %dma_start3A_962 = arith.constant 0 : i32
      %dma_start3A_963 = arith.constant 0 : i32
      %dma_start3A_964 = tpu.memref_slice %arg6[%add3A_952, %dma_start3A_962, %dma_start3A_963] : memref<4096x200x32xf32, #tpu.memory_space<hbm>> -> memref<1x200x32xf32, #tpu.memory_space<hbm>>
      %dma_start3A_965 = tpu.memref_squeeze %dma_start3A_964 : memref<1x200x32xf32, #tpu.memory_space<hbm>> -> memref<200x32xf32, #tpu.memory_space<hbm>>
      %dma_start3A_966 = arith.constant 0 : i32
      %dma_start3A_967 = arith.constant 0 : i32
      %dma_start3A_968 = tpu.memref_slice %arg9[%dma_start3A_953, %dma_start3A_966, %dma_start3A_967] : memref<16x200x32xf32, #tpu.memory_space<vmem>> -> memref<1x200x32xf32, #tpu.memory_space<vmem>>
      %dma_start3A_969 = tpu.memref_squeeze %dma_start3A_968 : memref<1x200x32xf32, #tpu.memory_space<vmem>> -> memref<200x32xf32, #tpu.memory_space<vmem>>
      tpu.enqueue_dma source(%dma_start3A_969 : memref<200x32xf32, #tpu.memory_space<vmem>>) target(%dma_start3A_965 : memref<200x32xf32, #tpu.memory_space<hbm>>) target_semaphore(%arg21 : memref<!tpu.dma_semaphore, #tpu.memory_space<semaphore_mem>>)
      %dma_wait3A_970 = arith.constant 0 : i32
      %dma_wait3A_971 = arith.constant 12 : i32
      %dma_wait3A_972 = arith.constant 0 : i32
      %dma_wait3A_973 = arith.constant 0 : i32
      %dma_wait3A_974 = tpu.memref_slice %arg9[%dma_wait3A_971, %dma_wait3A_972, %dma_wait3A_973] : memref<16x200x32xf32, #tpu.memory_space<vmem>> -> memref<1x200x32xf32, #tpu.memory_space<vmem>>
      %dma_wait3A_975 = tpu.memref_squeeze %dma_wait3A_974 : memref<1x200x32xf32, #tpu.memory_space<vmem>> -> memref<200x32xf32, #tpu.memory_space<vmem>>
      %dma_wait3A_976 = arith.constant 0 : i32
      %dma_wait3A_977 = tpu.memref_slice %arg8[%dma_wait3A_970, %dma_wait3A_976] : memref<1x200xi32, #tpu.memory_space<vmem>> -> memref<1x200xi32, #tpu.memory_space<vmem>>
      %dma_wait3A_978 = tpu.memref_squeeze %dma_wait3A_977 : memref<1x200xi32, #tpu.memory_space<vmem>> -> memref<200xi32, #tpu.memory_space<vmem>>
      %dma_wait3A_979 = arith.constant 0 : i32
      %dma_wait3A_980 = arith.constant 0 : i32
      %dma_wait3A_981 = tpu.memref_slice %arg4[%dma_wait3A_979, %dma_wait3A_980] : memref<200x32xf32, #tpu.memory_space<hbm>> -> memref<200x32xf32, #tpu.memory_space<hbm>>
      tpu.wait_indirect_dma semaphore(%arg22 : memref<!tpu.dma_semaphore, #tpu.memory_space<semaphore_mem>>) src(%dma_wait3A_981 : memref<200x32xf32, #tpu.memory_space<hbm>>) dst(%dma_wait3A_975 : memref<200x32xf32, #tpu.memory_space<vmem>>)
      %add3A_982 = arith.addi %mul3A_2, %add3A_11 : i32
      %add3A_983 = arith.constant 12 : i32
      %add3A_984 = arith.addi %add3A_982, %add3A_983 : i32
      %dma_start3A_985 = arith.constant 12 : i32
      %dma_start3A_986 = arith.constant 0 : i32
      %dma_start3A_987 = arith.constant 0 : i32
      %dma_start3A_988 = tpu.memref_slice %arg9[%dma_start3A_985, %dma_start3A_986, %dma_start3A_987] : memref<16x200x32xf32, #tpu.memory_space<vmem>> -> memref<1x200x32xf32, #tpu.memory_space<vmem>>
      %dma_start3A_989 = tpu.memref_squeeze %dma_start3A_988 : memref<1x200x32xf32, #tpu.memory_space<vmem>> -> memref<200x32xf32, #tpu.memory_space<vmem>>
      %dma_start3A_990 = arith.constant 0 : i32
      %dma_start3A_991 = arith.constant 0 : i32
      %dma_start3A_992 = tpu.memref_slice %arg6[%add3A_984, %dma_start3A_990, %dma_start3A_991] : memref<4096x200x32xf32, #tpu.memory_space<hbm>> -> memref<1x200x32xf32, #tpu.memory_space<hbm>>
      %dma_start3A_993 = tpu.memref_squeeze %dma_start3A_992 : memref<1x200x32xf32, #tpu.memory_space<hbm>> -> memref<200x32xf32, #tpu.memory_space<hbm>>
      %dma_start3A_994 = arith.constant 0 : i32
      %dma_start3A_995 = arith.constant 0 : i32
      %dma_start3A_996 = tpu.memref_slice %arg6[%add3A_984, %dma_start3A_994, %dma_start3A_995] : memref<4096x200x32xf32, #tpu.memory_space<hbm>> -> memref<1x200x32xf32, #tpu.memory_space<hbm>>
      %dma_start3A_997 = tpu.memref_squeeze %dma_start3A_996 : memref<1x200x32xf32, #tpu.memory_space<hbm>> -> memref<200x32xf32, #tpu.memory_space<hbm>>
      %dma_start3A_998 = arith.constant 0 : i32
      %dma_start3A_999 = arith.constant 0 : i32
      %dma_start3A_1000 = tpu.memref_slice %arg9[%dma_start3A_985, %dma_start3A_998, %dma_start3A_999] : memref<16x200x32xf32, #tpu.memory_space<vmem>> -> memref<1x200x32xf32, #tpu.memory_space<vmem>>
      %dma_start3A_1001 = tpu.memref_squeeze %dma_start3A_1000 : memref<1x200x32xf32, #tpu.memory_space<vmem>> -> memref<200x32xf32, #tpu.memory_space<vmem>>
      tpu.enqueue_dma source(%dma_start3A_1001 : memref<200x32xf32, #tpu.memory_space<vmem>>) target(%dma_start3A_997 : memref<200x32xf32, #tpu.memory_space<hbm>>) target_semaphore(%arg22 : memref<!tpu.dma_semaphore, #tpu.memory_space<semaphore_mem>>)
      %dma_wait3A_1002 = arith.constant 0 : i32
      %dma_wait3A_1003 = arith.constant 13 : i32
      %dma_wait3A_1004 = arith.constant 0 : i32
      %dma_wait3A_1005 = arith.constant 0 : i32
      %dma_wait3A_1006 = tpu.memref_slice %arg9[%dma_wait3A_1003, %dma_wait3A_1004, %dma_wait3A_1005] : memref<16x200x32xf32, #tpu.memory_space<vmem>> -> memref<1x200x32xf32, #tpu.memory_space<vmem>>
      %dma_wait3A_1007 = tpu.memref_squeeze %dma_wait3A_1006 : memref<1x200x32xf32, #tpu.memory_space<vmem>> -> memref<200x32xf32, #tpu.memory_space<vmem>>
      %dma_wait3A_1008 = arith.constant 0 : i32
      %dma_wait3A_1009 = tpu.memref_slice %arg8[%dma_wait3A_1002, %dma_wait3A_1008] : memref<1x200xi32, #tpu.memory_space<vmem>> -> memref<1x200xi32, #tpu.memory_space<vmem>>
      %dma_wait3A_1010 = tpu.memref_squeeze %dma_wait3A_1009 : memref<1x200xi32, #tpu.memory_space<vmem>> -> memref<200xi32, #tpu.memory_space<vmem>>
      %dma_wait3A_1011 = arith.constant 0 : i32
      %dma_wait3A_1012 = arith.constant 0 : i32
      %dma_wait3A_1013 = tpu.memref_slice %arg4[%dma_wait3A_1011, %dma_wait3A_1012] : memref<200x32xf32, #tpu.memory_space<hbm>> -> memref<200x32xf32, #tpu.memory_space<hbm>>
      tpu.wait_indirect_dma semaphore(%arg23 : memref<!tpu.dma_semaphore, #tpu.memory_space<semaphore_mem>>) src(%dma_wait3A_1013 : memref<200x32xf32, #tpu.memory_space<hbm>>) dst(%dma_wait3A_1007 : memref<200x32xf32, #tpu.memory_space<vmem>>)
      %add3A_1014 = arith.addi %mul3A_2, %add3A_11 : i32
      %add3A_1015 = arith.constant 13 : i32
      %add3A_1016 = arith.addi %add3A_1014, %add3A_1015 : i32
      %dma_start3A_1017 = arith.constant 13 : i32
      %dma_start3A_1018 = arith.constant 0 : i32
      %dma_start3A_1019 = arith.constant 0 : i32
      %dma_start3A_1020 = tpu.memref_slice %arg9[%dma_start3A_1017, %dma_start3A_1018, %dma_start3A_1019] : memref<16x200x32xf32, #tpu.memory_space<vmem>> -> memref<1x200x32xf32, #tpu.memory_space<vmem>>
      %dma_start3A_1021 = tpu.memref_squeeze %dma_start3A_1020 : memref<1x200x32xf32, #tpu.memory_space<vmem>> -> memref<200x32xf32, #tpu.memory_space<vmem>>
      %dma_start3A_1022 = arith.constant 0 : i32
      %dma_start3A_1023 = arith.constant 0 : i32
      %dma_start3A_1024 = tpu.memref_slice %arg6[%add3A_1016, %dma_start3A_1022, %dma_start3A_1023] : memref<4096x200x32xf32, #tpu.memory_space<hbm>> -> memref<1x200x32xf32, #tpu.memory_space<hbm>>
      %dma_start3A_1025 = tpu.memref_squeeze %dma_start3A_1024 : memref<1x200x32xf32, #tpu.memory_space<hbm>> -> memref<200x32xf32, #tpu.memory_space<hbm>>
      %dma_start3A_1026 = arith.constant 0 : i32
      %dma_start3A_1027 = arith.constant 0 : i32
      %dma_start3A_1028 = tpu.memref_slice %arg6[%add3A_1016, %dma_start3A_1026, %dma_start3A_1027] : memref<4096x200x32xf32, #tpu.memory_space<hbm>> -> memref<1x200x32xf32, #tpu.memory_space<hbm>>
      %dma_start3A_1029 = tpu.memref_squeeze %dma_start3A_1028 : memref<1x200x32xf32, #tpu.memory_space<hbm>> -> memref<200x32xf32, #tpu.memory_space<hbm>>
      %dma_start3A_1030 = arith.constant 0 : i32
      %dma_start3A_1031 = arith.constant 0 : i32
      %dma_start3A_1032 = tpu.memref_slice %arg9[%dma_start3A_1017, %dma_start3A_1030, %dma_start3A_1031] : memref<16x200x32xf32, #tpu.memory_space<vmem>> -> memref<1x200x32xf32, #tpu.memory_space<vmem>>
      %dma_start3A_1033 = tpu.memref_squeeze %dma_start3A_1032 : memref<1x200x32xf32, #tpu.memory_space<vmem>> -> memref<200x32xf32, #tpu.memory_space<vmem>>
      tpu.enqueue_dma source(%dma_start3A_1033 : memref<200x32xf32, #tpu.memory_space<vmem>>) target(%dma_start3A_1029 : memref<200x32xf32, #tpu.memory_space<hbm>>) target_semaphore(%arg23 : memref<!tpu.dma_semaphore, #tpu.memory_space<semaphore_mem>>)
      %dma_wait3A_1034 = arith.constant 0 : i32
      %dma_wait3A_1035 = arith.constant 14 : i32
      %dma_wait3A_1036 = arith.constant 0 : i32
      %dma_wait3A_1037 = arith.constant 0 : i32
      %dma_wait3A_1038 = tpu.memref_slice %arg9[%dma_wait3A_1035, %dma_wait3A_1036, %dma_wait3A_1037] : memref<16x200x32xf32, #tpu.memory_space<vmem>> -> memref<1x200x32xf32, #tpu.memory_space<vmem>>
      %dma_wait3A_1039 = tpu.memref_squeeze %dma_wait3A_1038 : memref<1x200x32xf32, #tpu.memory_space<vmem>> -> memref<200x32xf32, #tpu.memory_space<vmem>>
      %dma_wait3A_1040 = arith.constant 0 : i32
      %dma_wait3A_1041 = tpu.memref_slice %arg8[%dma_wait3A_1034, %dma_wait3A_1040] : memref<1x200xi32, #tpu.memory_space<vmem>> -> memref<1x200xi32, #tpu.memory_space<vmem>>
      %dma_wait3A_1042 = tpu.memref_squeeze %dma_wait3A_1041 : memref<1x200xi32, #tpu.memory_space<vmem>> -> memref<200xi32, #tpu.memory_space<vmem>>
      %dma_wait3A_1043 = arith.constant 0 : i32
      %dma_wait3A_1044 = arith.constant 0 : i32
      %dma_wait3A_1045 = tpu.memref_slice %arg4[%dma_wait3A_1043, %dma_wait3A_1044] : memref<200x32xf32, #tpu.memory_space<hbm>> -> memref<200x32xf32, #tpu.memory_space<hbm>>
      tpu.wait_indirect_dma semaphore(%arg24 : memref<!tpu.dma_semaphore, #tpu.memory_space<semaphore_mem>>) src(%dma_wait3A_1045 : memref<200x32xf32, #tpu.memory_space<hbm>>) dst(%dma_wait3A_1039 : memref<200x32xf32, #tpu.memory_space<vmem>>)
      %add3A_1046 = arith.addi %mul3A_2, %add3A_11 : i32
      %add3A_1047 = arith.constant 14 : i32
      %add3A_1048 = arith.addi %add3A_1046, %add3A_1047 : i32
      %dma_start3A_1049 = arith.constant 14 : i32
      %dma_start3A_1050 = arith.constant 0 : i32
      %dma_start3A_1051 = arith.constant 0 : i32
      %dma_start3A_1052 = tpu.memref_slice %arg9[%dma_start3A_1049, %dma_start3A_1050, %dma_start3A_1051] : memref<16x200x32xf32, #tpu.memory_space<vmem>> -> memref<1x200x32xf32, #tpu.memory_space<vmem>>
      %dma_start3A_1053 = tpu.memref_squeeze %dma_start3A_1052 : memref<1x200x32xf32, #tpu.memory_space<vmem>> -> memref<200x32xf32, #tpu.memory_space<vmem>>
      %dma_start3A_1054 = arith.constant 0 : i32
      %dma_start3A_1055 = arith.constant 0 : i32
      %dma_start3A_1056 = tpu.memref_slice %arg6[%add3A_1048, %dma_start3A_1054, %dma_start3A_1055] : memref<4096x200x32xf32, #tpu.memory_space<hbm>> -> memref<1x200x32xf32, #tpu.memory_space<hbm>>
      %dma_start3A_1057 = tpu.memref_squeeze %dma_start3A_1056 : memref<1x200x32xf32, #tpu.memory_space<hbm>> -> memref<200x32xf32, #tpu.memory_space<hbm>>
      %dma_start3A_1058 = arith.constant 0 : i32
      %dma_start3A_1059 = arith.constant 0 : i32
      %dma_start3A_1060 = tpu.memref_slice %arg6[%add3A_1048, %dma_start3A_1058, %dma_start3A_1059] : memref<4096x200x32xf32, #tpu.memory_space<hbm>> -> memref<1x200x32xf32, #tpu.memory_space<hbm>>
      %dma_start3A_1061 = tpu.memref_squeeze %dma_start3A_1060 : memref<1x200x32xf32, #tpu.memory_space<hbm>> -> memref<200x32xf32, #tpu.memory_space<hbm>>
      %dma_start3A_1062 = arith.constant 0 : i32
      %dma_start3A_1063 = arith.constant 0 : i32
      %dma_start3A_1064 = tpu.memref_slice %arg9[%dma_start3A_1049, %dma_start3A_1062, %dma_start3A_1063] : memref<16x200x32xf32, #tpu.memory_space<vmem>> -> memref<1x200x32xf32, #tpu.memory_space<vmem>>
      %dma_start3A_1065 = tpu.memref_squeeze %dma_start3A_1064 : memref<1x200x32xf32, #tpu.memory_space<vmem>> -> memref<200x32xf32, #tpu.memory_space<vmem>>
      tpu.enqueue_dma source(%dma_start3A_1065 : memref<200x32xf32, #tpu.memory_space<vmem>>) target(%dma_start3A_1061 : memref<200x32xf32, #tpu.memory_space<hbm>>) target_semaphore(%arg24 : memref<!tpu.dma_semaphore, #tpu.memory_space<semaphore_mem>>)
      %dma_wait3A_1066 = arith.constant 0 : i32
      %dma_wait3A_1067 = arith.constant 15 : i32
      %dma_wait3A_1068 = arith.constant 0 : i32
      %dma_wait3A_1069 = arith.constant 0 : i32
      %dma_wait3A_1070 = tpu.memref_slice %arg9[%dma_wait3A_1067, %dma_wait3A_1068, %dma_wait3A_1069] : memref<16x200x32xf32, #tpu.memory_space<vmem>> -> memref<1x200x32xf32, #tpu.memory_space<vmem>>
      %dma_wait3A_1071 = tpu.memref_squeeze %dma_wait3A_1070 : memref<1x200x32xf32, #tpu.memory_space<vmem>> -> memref<200x32xf32, #tpu.memory_space<vmem>>
      %dma_wait3A_1072 = arith.constant 0 : i32
      %dma_wait3A_1073 = tpu.memref_slice %arg8[%dma_wait3A_1066, %dma_wait3A_1072] : memref<1x200xi32, #tpu.memory_space<vmem>> -> memref<1x200xi32, #tpu.memory_space<vmem>>
      %dma_wait3A_1074 = tpu.memref_squeeze %dma_wait3A_1073 : memref<1x200xi32, #tpu.memory_space<vmem>> -> memref<200xi32, #tpu.memory_space<vmem>>
      %dma_wait3A_1075 = arith.constant 0 : i32
      %dma_wait3A_1076 = arith.constant 0 : i32
      %dma_wait3A_1077 = tpu.memref_slice %arg4[%dma_wait3A_1075, %dma_wait3A_1076] : memref<200x32xf32, #tpu.memory_space<hbm>> -> memref<200x32xf32, #tpu.memory_space<hbm>>
      tpu.wait_indirect_dma semaphore(%arg25 : memref<!tpu.dma_semaphore, #tpu.memory_space<semaphore_mem>>) src(%dma_wait3A_1077 : memref<200x32xf32, #tpu.memory_space<hbm>>) dst(%dma_wait3A_1071 : memref<200x32xf32, #tpu.memory_space<vmem>>)
      %add3A_1078 = arith.addi %mul3A_2, %add3A_11 : i32
      %add3A_1079 = arith.constant 15 : i32
      %add3A_1080 = arith.addi %add3A_1078, %add3A_1079 : i32
      %dma_start3A_1081 = arith.constant 15 : i32
      %dma_start3A_1082 = arith.constant 0 : i32
      %dma_start3A_1083 = arith.constant 0 : i32
      %dma_start3A_1084 = tpu.memref_slice %arg9[%dma_start3A_1081, %dma_start3A_1082, %dma_start3A_1083] : memref<16x200x32xf32, #tpu.memory_space<vmem>> -> memref<1x200x32xf32, #tpu.memory_space<vmem>>
      %dma_start3A_1085 = tpu.memref_squeeze %dma_start3A_1084 : memref<1x200x32xf32, #tpu.memory_space<vmem>> -> memref<200x32xf32, #tpu.memory_space<vmem>>
      %dma_start3A_1086 = arith.constant 0 : i32
      %dma_start3A_1087 = arith.constant 0 : i32
      %dma_start3A_1088 = tpu.memref_slice %arg6[%add3A_1080, %dma_start3A_1086, %dma_start3A_1087] : memref<4096x200x32xf32, #tpu.memory_space<hbm>> -> memref<1x200x32xf32, #tpu.memory_space<hbm>>
      %dma_start3A_1089 = tpu.memref_squeeze %dma_start3A_1088 : memref<1x200x32xf32, #tpu.memory_space<hbm>> -> memref<200x32xf32, #tpu.memory_space<hbm>>
      %dma_start3A_1090 = arith.constant 0 : i32
      %dma_start3A_1091 = arith.constant 0 : i32
      %dma_start3A_1092 = tpu.memref_slice %arg6[%add3A_1080, %dma_start3A_1090, %dma_start3A_1091] : memref<4096x200x32xf32, #tpu.memory_space<hbm>> -> memref<1x200x32xf32, #tpu.memory_space<hbm>>
      %dma_start3A_1093 = tpu.memref_squeeze %dma_start3A_1092 : memref<1x200x32xf32, #tpu.memory_space<hbm>> -> memref<200x32xf32, #tpu.memory_space<hbm>>
      %dma_start3A_1094 = arith.constant 0 : i32
      %dma_start3A_1095 = arith.constant 0 : i32
      %dma_start3A_1096 = tpu.memref_slice %arg9[%dma_start3A_1081, %dma_start3A_1094, %dma_start3A_1095] : memref<16x200x32xf32, #tpu.memory_space<vmem>> -> memref<1x200x32xf32, #tpu.memory_space<vmem>>
      %dma_start3A_1097 = tpu.memref_squeeze %dma_start3A_1096 : memref<1x200x32xf32, #tpu.memory_space<vmem>> -> memref<200x32xf32, #tpu.memory_space<vmem>>
      tpu.enqueue_dma source(%dma_start3A_1097 : memref<200x32xf32, #tpu.memory_space<vmem>>) target(%dma_start3A_1093 : memref<200x32xf32, #tpu.memory_space<hbm>>) target_semaphore(%arg25 : memref<!tpu.dma_semaphore, #tpu.memory_space<semaphore_mem>>)
      %dma_wait3A_1098 = arith.constant 0 : i32
      %dma_wait3A_1099 = arith.constant 0 : i32
      %dma_wait3A_1100 = arith.constant 0 : i32
      %dma_wait3A_1101 = tpu.memref_slice %arg9[%dma_wait3A_1098, %dma_wait3A_1099, %dma_wait3A_1100] : memref<16x200x32xf32, #tpu.memory_space<vmem>> -> memref<1x200x32xf32, #tpu.memory_space<vmem>>
      %dma_wait3A_1102 = tpu.memref_squeeze %dma_wait3A_1101 : memref<1x200x32xf32, #tpu.memory_space<vmem>> -> memref<200x32xf32, #tpu.memory_space<vmem>>
      %dma_wait3A_1103 = arith.constant 0 : i32
      %dma_wait3A_1104 = arith.constant 0 : i32
      %dma_wait3A_1105 = tpu.memref_slice %arg6[%add3A_600, %dma_wait3A_1103, %dma_wait3A_1104] : memref<4096x200x32xf32, #tpu.memory_space<hbm>> -> memref<1x200x32xf32, #tpu.memory_space<hbm>>
      %dma_wait3A_1106 = tpu.memref_squeeze %dma_wait3A_1105 : memref<1x200x32xf32, #tpu.memory_space<hbm>> -> memref<200x32xf32, #tpu.memory_space<hbm>>
      %dma_wait3A_1107 = arith.constant 0 : i32
      %dma_wait3A_1108 = arith.constant 0 : i32
      %dma_wait3A_1109 = tpu.memref_slice %arg6[%add3A_600, %dma_wait3A_1107, %dma_wait3A_1108] : memref<4096x200x32xf32, #tpu.memory_space<hbm>> -> memref<1x200x32xf32, #tpu.memory_space<hbm>>
      %dma_wait3A_1110 = tpu.memref_squeeze %dma_wait3A_1109 : memref<1x200x32xf32, #tpu.memory_space<hbm>> -> memref<200x32xf32, #tpu.memory_space<hbm>>
      %dma_wait3A_1111 = arith.constant 0 : i32
      %dma_wait3A_1112 = arith.constant 0 : i32
      %dma_wait3A_1113 = tpu.memref_slice %arg9[%dma_wait3A_1098, %dma_wait3A_1111, %dma_wait3A_1112] : memref<16x200x32xf32, #tpu.memory_space<vmem>> -> memref<1x200x32xf32, #tpu.memory_space<vmem>>
      %dma_wait3A_1114 = tpu.memref_squeeze %dma_wait3A_1113 : memref<1x200x32xf32, #tpu.memory_space<vmem>> -> memref<200x32xf32, #tpu.memory_space<vmem>>
      tpu.wait_dma2 semaphore(%arg10 : memref<!tpu.dma_semaphore, #tpu.memory_space<semaphore_mem>>) src(%dma_wait3A_1114 : memref<200x32xf32, #tpu.memory_space<vmem>>) dst(%dma_wait3A_1110 : memref<200x32xf32, #tpu.memory_space<hbm>>)
      %dma_wait3A_1115 = arith.constant 1 : i32
      %dma_wait3A_1116 = arith.constant 0 : i32
      %dma_wait3A_1117 = arith.constant 0 : i32
      %dma_wait3A_1118 = tpu.memref_slice %arg9[%dma_wait3A_1115, %dma_wait3A_1116, %dma_wait3A_1117] : memref<16x200x32xf32, #tpu.memory_space<vmem>> -> memref<1x200x32xf32, #tpu.memory_space<vmem>>
      %dma_wait3A_1119 = tpu.memref_squeeze %dma_wait3A_1118 : memref<1x200x32xf32, #tpu.memory_space<vmem>> -> memref<200x32xf32, #tpu.memory_space<vmem>>
      %dma_wait3A_1120 = arith.constant 0 : i32
      %dma_wait3A_1121 = arith.constant 0 : i32
      %dma_wait3A_1122 = tpu.memref_slice %arg6[%add3A_632, %dma_wait3A_1120, %dma_wait3A_1121] : memref<4096x200x32xf32, #tpu.memory_space<hbm>> -> memref<1x200x32xf32, #tpu.memory_space<hbm>>
      %dma_wait3A_1123 = tpu.memref_squeeze %dma_wait3A_1122 : memref<1x200x32xf32, #tpu.memory_space<hbm>> -> memref<200x32xf32, #tpu.memory_space<hbm>>
      %dma_wait3A_1124 = arith.constant 0 : i32
      %dma_wait3A_1125 = arith.constant 0 : i32
      %dma_wait3A_1126 = tpu.memref_slice %arg6[%add3A_632, %dma_wait3A_1124, %dma_wait3A_1125] : memref<4096x200x32xf32, #tpu.memory_space<hbm>> -> memref<1x200x32xf32, #tpu.memory_space<hbm>>
      %dma_wait3A_1127 = tpu.memref_squeeze %dma_wait3A_1126 : memref<1x200x32xf32, #tpu.memory_space<hbm>> -> memref<200x32xf32, #tpu.memory_space<hbm>>
      %dma_wait3A_1128 = arith.constant 0 : i32
      %dma_wait3A_1129 = arith.constant 0 : i32
      %dma_wait3A_1130 = tpu.memref_slice %arg9[%dma_wait3A_1115, %dma_wait3A_1128, %dma_wait3A_1129] : memref<16x200x32xf32, #tpu.memory_space<vmem>> -> memref<1x200x32xf32, #tpu.memory_space<vmem>>
      %dma_wait3A_1131 = tpu.memref_squeeze %dma_wait3A_1130 : memref<1x200x32xf32, #tpu.memory_space<vmem>> -> memref<200x32xf32, #tpu.memory_space<vmem>>
      tpu.wait_dma2 semaphore(%arg11 : memref<!tpu.dma_semaphore, #tpu.memory_space<semaphore_mem>>) src(%dma_wait3A_1131 : memref<200x32xf32, #tpu.memory_space<vmem>>) dst(%dma_wait3A_1127 : memref<200x32xf32, #tpu.memory_space<hbm>>)
      %dma_wait3A_1132 = arith.constant 2 : i32
      %dma_wait3A_1133 = arith.constant 0 : i32
      %dma_wait3A_1134 = arith.constant 0 : i32
      %dma_wait3A_1135 = tpu.memref_slice %arg9[%dma_wait3A_1132, %dma_wait3A_1133, %dma_wait3A_1134] : memref<16x200x32xf32, #tpu.memory_space<vmem>> -> memref<1x200x32xf32, #tpu.memory_space<vmem>>
      %dma_wait3A_1136 = tpu.memref_squeeze %dma_wait3A_1135 : memref<1x200x32xf32, #tpu.memory_space<vmem>> -> memref<200x32xf32, #tpu.memory_space<vmem>>
      %dma_wait3A_1137 = arith.constant 0 : i32
      %dma_wait3A_1138 = arith.constant 0 : i32
      %dma_wait3A_1139 = tpu.memref_slice %arg6[%add3A_664, %dma_wait3A_1137, %dma_wait3A_1138] : memref<4096x200x32xf32, #tpu.memory_space<hbm>> -> memref<1x200x32xf32, #tpu.memory_space<hbm>>
      %dma_wait3A_1140 = tpu.memref_squeeze %dma_wait3A_1139 : memref<1x200x32xf32, #tpu.memory_space<hbm>> -> memref<200x32xf32, #tpu.memory_space<hbm>>
      %dma_wait3A_1141 = arith.constant 0 : i32
      %dma_wait3A_1142 = arith.constant 0 : i32
      %dma_wait3A_1143 = tpu.memref_slice %arg6[%add3A_664, %dma_wait3A_1141, %dma_wait3A_1142] : memref<4096x200x32xf32, #tpu.memory_space<hbm>> -> memref<1x200x32xf32, #tpu.memory_space<hbm>>
      %dma_wait3A_1144 = tpu.memref_squeeze %dma_wait3A_1143 : memref<1x200x32xf32, #tpu.memory_space<hbm>> -> memref<200x32xf32, #tpu.memory_space<hbm>>
      %dma_wait3A_1145 = arith.constant 0 : i32
      %dma_wait3A_1146 = arith.constant 0 : i32
      %dma_wait3A_1147 = tpu.memref_slice %arg9[%dma_wait3A_1132, %dma_wait3A_1145, %dma_wait3A_1146] : memref<16x200x32xf32, #tpu.memory_space<vmem>> -> memref<1x200x32xf32, #tpu.memory_space<vmem>>
      %dma_wait3A_1148 = tpu.memref_squeeze %dma_wait3A_1147 : memref<1x200x32xf32, #tpu.memory_space<vmem>> -> memref<200x32xf32, #tpu.memory_space<vmem>>
      tpu.wait_dma2 semaphore(%arg12 : memref<!tpu.dma_semaphore, #tpu.memory_space<semaphore_mem>>) src(%dma_wait3A_1148 : memref<200x32xf32, #tpu.memory_space<vmem>>) dst(%dma_wait3A_1144 : memref<200x32xf32, #tpu.memory_space<hbm>>)
      %dma_wait3A_1149 = arith.constant 3 : i32
      %dma_wait3A_1150 = arith.constant 0 : i32
      %dma_wait3A_1151 = arith.constant 0 : i32
      %dma_wait3A_1152 = tpu.memref_slice %arg9[%dma_wait3A_1149, %dma_wait3A_1150, %dma_wait3A_1151] : memref<16x200x32xf32, #tpu.memory_space<vmem>> -> memref<1x200x32xf32, #tpu.memory_space<vmem>>
      %dma_wait3A_1153 = tpu.memref_squeeze %dma_wait3A_1152 : memref<1x200x32xf32, #tpu.memory_space<vmem>> -> memref<200x32xf32, #tpu.memory_space<vmem>>
      %dma_wait3A_1154 = arith.constant 0 : i32
      %dma_wait3A_1155 = arith.constant 0 : i32
      %dma_wait3A_1156 = tpu.memref_slice %arg6[%add3A_696, %dma_wait3A_1154, %dma_wait3A_1155] : memref<4096x200x32xf32, #tpu.memory_space<hbm>> -> memref<1x200x32xf32, #tpu.memory_space<hbm>>
      %dma_wait3A_1157 = tpu.memref_squeeze %dma_wait3A_1156 : memref<1x200x32xf32, #tpu.memory_space<hbm>> -> memref<200x32xf32, #tpu.memory_space<hbm>>
      %dma_wait3A_1158 = arith.constant 0 : i32
      %dma_wait3A_1159 = arith.constant 0 : i32
      %dma_wait3A_1160 = tpu.memref_slice %arg6[%add3A_696, %dma_wait3A_1158, %dma_wait3A_1159] : memref<4096x200x32xf32, #tpu.memory_space<hbm>> -> memref<1x200x32xf32, #tpu.memory_space<hbm>>
      %dma_wait3A_1161 = tpu.memref_squeeze %dma_wait3A_1160 : memref<1x200x32xf32, #tpu.memory_space<hbm>> -> memref<200x32xf32, #tpu.memory_space<hbm>>
      %dma_wait3A_1162 = arith.constant 0 : i32
      %dma_wait3A_1163 = arith.constant 0 : i32
      %dma_wait3A_1164 = tpu.memref_slice %arg9[%dma_wait3A_1149, %dma_wait3A_1162, %dma_wait3A_1163] : memref<16x200x32xf32, #tpu.memory_space<vmem>> -> memref<1x200x32xf32, #tpu.memory_space<vmem>>
      %dma_wait3A_1165 = tpu.memref_squeeze %dma_wait3A_1164 : memref<1x200x32xf32, #tpu.memory_space<vmem>> -> memref<200x32xf32, #tpu.memory_space<vmem>>
      tpu.wait_dma2 semaphore(%arg13 : memref<!tpu.dma_semaphore, #tpu.memory_space<semaphore_mem>>) src(%dma_wait3A_1165 : memref<200x32xf32, #tpu.memory_space<vmem>>) dst(%dma_wait3A_1161 : memref<200x32xf32, #tpu.memory_space<hbm>>)
      %dma_wait3A_1166 = arith.constant 4 : i32
      %dma_wait3A_1167 = arith.constant 0 : i32
      %dma_wait3A_1168 = arith.constant 0 : i32
      %dma_wait3A_1169 = tpu.memref_slice %arg9[%dma_wait3A_1166, %dma_wait3A_1167, %dma_wait3A_1168] : memref<16x200x32xf32, #tpu.memory_space<vmem>> -> memref<1x200x32xf32, #tpu.memory_space<vmem>>
      %dma_wait3A_1170 = tpu.memref_squeeze %dma_wait3A_1169 : memref<1x200x32xf32, #tpu.memory_space<vmem>> -> memref<200x32xf32, #tpu.memory_space<vmem>>
      %dma_wait3A_1171 = arith.constant 0 : i32
      %dma_wait3A_1172 = arith.constant 0 : i32
      %dma_wait3A_1173 = tpu.memref_slice %arg6[%add3A_728, %dma_wait3A_1171, %dma_wait3A_1172] : memref<4096x200x32xf32, #tpu.memory_space<hbm>> -> memref<1x200x32xf32, #tpu.memory_space<hbm>>
      %dma_wait3A_1174 = tpu.memref_squeeze %dma_wait3A_1173 : memref<1x200x32xf32, #tpu.memory_space<hbm>> -> memref<200x32xf32, #tpu.memory_space<hbm>>
      %dma_wait3A_1175 = arith.constant 0 : i32
      %dma_wait3A_1176 = arith.constant 0 : i32
      %dma_wait3A_1177 = tpu.memref_slice %arg6[%add3A_728, %dma_wait3A_1175, %dma_wait3A_1176] : memref<4096x200x32xf32, #tpu.memory_space<hbm>> -> memref<1x200x32xf32, #tpu.memory_space<hbm>>
      %dma_wait3A_1178 = tpu.memref_squeeze %dma_wait3A_1177 : memref<1x200x32xf32, #tpu.memory_space<hbm>> -> memref<200x32xf32, #tpu.memory_space<hbm>>
      %dma_wait3A_1179 = arith.constant 0 : i32
      %dma_wait3A_1180 = arith.constant 0 : i32
      %dma_wait3A_1181 = tpu.memref_slice %arg9[%dma_wait3A_1166, %dma_wait3A_1179, %dma_wait3A_1180] : memref<16x200x32xf32, #tpu.memory_space<vmem>> -> memref<1x200x32xf32, #tpu.memory_space<vmem>>
      %dma_wait3A_1182 = tpu.memref_squeeze %dma_wait3A_1181 : memref<1x200x32xf32, #tpu.memory_space<vmem>> -> memref<200x32xf32, #tpu.memory_space<vmem>>
      tpu.wait_dma2 semaphore(%arg14 : memref<!tpu.dma_semaphore, #tpu.memory_space<semaphore_mem>>) src(%dma_wait3A_1182 : memref<200x32xf32, #tpu.memory_space<vmem>>) dst(%dma_wait3A_1178 : memref<200x32xf32, #tpu.memory_space<hbm>>)
      %dma_wait3A_1183 = arith.constant 5 : i32
      %dma_wait3A_1184 = arith.constant 0 : i32
      %dma_wait3A_1185 = arith.constant 0 : i32
      %dma_wait3A_1186 = tpu.memref_slice %arg9[%dma_wait3A_1183, %dma_wait3A_1184, %dma_wait3A_1185] : memref<16x200x32xf32, #tpu.memory_space<vmem>> -> memref<1x200x32xf32, #tpu.memory_space<vmem>>
      %dma_wait3A_1187 = tpu.memref_squeeze %dma_wait3A_1186 : memref<1x200x32xf32, #tpu.memory_space<vmem>> -> memref<200x32xf32, #tpu.memory_space<vmem>>
      %dma_wait3A_1188 = arith.constant 0 : i32
      %dma_wait3A_1189 = arith.constant 0 : i32
      %dma_wait3A_1190 = tpu.memref_slice %arg6[%add3A_760, %dma_wait3A_1188, %dma_wait3A_1189] : memref<4096x200x32xf32, #tpu.memory_space<hbm>> -> memref<1x200x32xf32, #tpu.memory_space<hbm>>
      %dma_wait3A_1191 = tpu.memref_squeeze %dma_wait3A_1190 : memref<1x200x32xf32, #tpu.memory_space<hbm>> -> memref<200x32xf32, #tpu.memory_space<hbm>>
      %dma_wait3A_1192 = arith.constant 0 : i32
      %dma_wait3A_1193 = arith.constant 0 : i32
      %dma_wait3A_1194 = tpu.memref_slice %arg6[%add3A_760, %dma_wait3A_1192, %dma_wait3A_1193] : memref<4096x200x32xf32, #tpu.memory_space<hbm>> -> memref<1x200x32xf32, #tpu.memory_space<hbm>>
      %dma_wait3A_1195 = tpu.memref_squeeze %dma_wait3A_1194 : memref<1x200x32xf32, #tpu.memory_space<hbm>> -> memref<200x32xf32, #tpu.memory_space<hbm>>
      %dma_wait3A_1196 = arith.constant 0 : i32
      %dma_wait3A_1197 = arith.constant 0 : i32
      %dma_wait3A_1198 = tpu.memref_slice %arg9[%dma_wait3A_1183, %dma_wait3A_1196, %dma_wait3A_1197] : memref<16x200x32xf32, #tpu.memory_space<vmem>> -> memref<1x200x32xf32, #tpu.memory_space<vmem>>
      %dma_wait3A_1199 = tpu.memref_squeeze %dma_wait3A_1198 : memref<1x200x32xf32, #tpu.memory_space<vmem>> -> memref<200x32xf32, #tpu.memory_space<vmem>>
      tpu.wait_dma2 semaphore(%arg15 : memref<!tpu.dma_semaphore, #tpu.memory_space<semaphore_mem>>) src(%dma_wait3A_1199 : memref<200x32xf32, #tpu.memory_space<vmem>>) dst(%dma_wait3A_1195 : memref<200x32xf32, #tpu.memory_space<hbm>>)
      %dma_wait3A_1200 = arith.constant 6 : i32
      %dma_wait3A_1201 = arith.constant 0 : i32
      %dma_wait3A_1202 = arith.constant 0 : i32
      %dma_wait3A_1203 = tpu.memref_slice %arg9[%dma_wait3A_1200, %dma_wait3A_1201, %dma_wait3A_1202] : memref<16x200x32xf32, #tpu.memory_space<vmem>> -> memref<1x200x32xf32, #tpu.memory_space<vmem>>
      %dma_wait3A_1204 = tpu.memref_squeeze %dma_wait3A_1203 : memref<1x200x32xf32, #tpu.memory_space<vmem>> -> memref<200x32xf32, #tpu.memory_space<vmem>>
      %dma_wait3A_1205 = arith.constant 0 : i32
      %dma_wait3A_1206 = arith.constant 0 : i32
      %dma_wait3A_1207 = tpu.memref_slice %arg6[%add3A_792, %dma_wait3A_1205, %dma_wait3A_1206] : memref<4096x200x32xf32, #tpu.memory_space<hbm>> -> memref<1x200x32xf32, #tpu.memory_space<hbm>>
      %dma_wait3A_1208 = tpu.memref_squeeze %dma_wait3A_1207 : memref<1x200x32xf32, #tpu.memory_space<hbm>> -> memref<200x32xf32, #tpu.memory_space<hbm>>
      %dma_wait3A_1209 = arith.constant 0 : i32
      %dma_wait3A_1210 = arith.constant 0 : i32
      %dma_wait3A_1211 = tpu.memref_slice %arg6[%add3A_792, %dma_wait3A_1209, %dma_wait3A_1210] : memref<4096x200x32xf32, #tpu.memory_space<hbm>> -> memref<1x200x32xf32, #tpu.memory_space<hbm>>
      %dma_wait3A_1212 = tpu.memref_squeeze %dma_wait3A_1211 : memref<1x200x32xf32, #tpu.memory_space<hbm>> -> memref<200x32xf32, #tpu.memory_space<hbm>>
      %dma_wait3A_1213 = arith.constant 0 : i32
      %dma_wait3A_1214 = arith.constant 0 : i32
      %dma_wait3A_1215 = tpu.memref_slice %arg9[%dma_wait3A_1200, %dma_wait3A_1213, %dma_wait3A_1214] : memref<16x200x32xf32, #tpu.memory_space<vmem>> -> memref<1x200x32xf32, #tpu.memory_space<vmem>>
      %dma_wait3A_1216 = tpu.memref_squeeze %dma_wait3A_1215 : memref<1x200x32xf32, #tpu.memory_space<vmem>> -> memref<200x32xf32, #tpu.memory_space<vmem>>
      tpu.wait_dma2 semaphore(%arg16 : memref<!tpu.dma_semaphore, #tpu.memory_space<semaphore_mem>>) src(%dma_wait3A_1216 : memref<200x32xf32, #tpu.memory_space<vmem>>) dst(%dma_wait3A_1212 : memref<200x32xf32, #tpu.memory_space<hbm>>)
      %dma_wait3A_1217 = arith.constant 7 : i32
      %dma_wait3A_1218 = arith.constant 0 : i32
      %dma_wait3A_1219 = arith.constant 0 : i32
      %dma_wait3A_1220 = tpu.memref_slice %arg9[%dma_wait3A_1217, %dma_wait3A_1218, %dma_wait3A_1219] : memref<16x200x32xf32, #tpu.memory_space<vmem>> -> memref<1x200x32xf32, #tpu.memory_space<vmem>>
      %dma_wait3A_1221 = tpu.memref_squeeze %dma_wait3A_1220 : memref<1x200x32xf32, #tpu.memory_space<vmem>> -> memref<200x32xf32, #tpu.memory_space<vmem>>
      %dma_wait3A_1222 = arith.constant 0 : i32
      %dma_wait3A_1223 = arith.constant 0 : i32
      %dma_wait3A_1224 = tpu.memref_slice %arg6[%add3A_824, %dma_wait3A_1222, %dma_wait3A_1223] : memref<4096x200x32xf32, #tpu.memory_space<hbm>> -> memref<1x200x32xf32, #tpu.memory_space<hbm>>
      %dma_wait3A_1225 = tpu.memref_squeeze %dma_wait3A_1224 : memref<1x200x32xf32, #tpu.memory_space<hbm>> -> memref<200x32xf32, #tpu.memory_space<hbm>>
      %dma_wait3A_1226 = arith.constant 0 : i32
      %dma_wait3A_1227 = arith.constant 0 : i32
      %dma_wait3A_1228 = tpu.memref_slice %arg6[%add3A_824, %dma_wait3A_1226, %dma_wait3A_1227] : memref<4096x200x32xf32, #tpu.memory_space<hbm>> -> memref<1x200x32xf32, #tpu.memory_space<hbm>>
      %dma_wait3A_1229 = tpu.memref_squeeze %dma_wait3A_1228 : memref<1x200x32xf32, #tpu.memory_space<hbm>> -> memref<200x32xf32, #tpu.memory_space<hbm>>
      %dma_wait3A_1230 = arith.constant 0 : i32
      %dma_wait3A_1231 = arith.constant 0 : i32
      %dma_wait3A_1232 = tpu.memref_slice %arg9[%dma_wait3A_1217, %dma_wait3A_1230, %dma_wait3A_1231] : memref<16x200x32xf32, #tpu.memory_space<vmem>> -> memref<1x200x32xf32, #tpu.memory_space<vmem>>
      %dma_wait3A_1233 = tpu.memref_squeeze %dma_wait3A_1232 : memref<1x200x32xf32, #tpu.memory_space<vmem>> -> memref<200x32xf32, #tpu.memory_space<vmem>>
      tpu.wait_dma2 semaphore(%arg17 : memref<!tpu.dma_semaphore, #tpu.memory_space<semaphore_mem>>) src(%dma_wait3A_1233 : memref<200x32xf32, #tpu.memory_space<vmem>>) dst(%dma_wait3A_1229 : memref<200x32xf32, #tpu.memory_space<hbm>>)
      %dma_wait3A_1234 = arith.constant 8 : i32
      %dma_wait3A_1235 = arith.constant 0 : i32
      %dma_wait3A_1236 = arith.constant 0 : i32
      %dma_wait3A_1237 = tpu.memref_slice %arg9[%dma_wait3A_1234, %dma_wait3A_1235, %dma_wait3A_1236] : memref<16x200x32xf32, #tpu.memory_space<vmem>> -> memref<1x200x32xf32, #tpu.memory_space<vmem>>
      %dma_wait3A_1238 = tpu.memref_squeeze %dma_wait3A_1237 : memref<1x200x32xf32, #tpu.memory_space<vmem>> -> memref<200x32xf32, #tpu.memory_space<vmem>>
      %dma_wait3A_1239 = arith.constant 0 : i32
      %dma_wait3A_1240 = arith.constant 0 : i32
      %dma_wait3A_1241 = tpu.memref_slice %arg6[%add3A_856, %dma_wait3A_1239, %dma_wait3A_1240] : memref<4096x200x32xf32, #tpu.memory_space<hbm>> -> memref<1x200x32xf32, #tpu.memory_space<hbm>>
      %dma_wait3A_1242 = tpu.memref_squeeze %dma_wait3A_1241 : memref<1x200x32xf32, #tpu.memory_space<hbm>> -> memref<200x32xf32, #tpu.memory_space<hbm>>
      %dma_wait3A_1243 = arith.constant 0 : i32
      %dma_wait3A_1244 = arith.constant 0 : i32
      %dma_wait3A_1245 = tpu.memref_slice %arg6[%add3A_856, %dma_wait3A_1243, %dma_wait3A_1244] : memref<4096x200x32xf32, #tpu.memory_space<hbm>> -> memref<1x200x32xf32, #tpu.memory_space<hbm>>
      %dma_wait3A_1246 = tpu.memref_squeeze %dma_wait3A_1245 : memref<1x200x32xf32, #tpu.memory_space<hbm>> -> memref<200x32xf32, #tpu.memory_space<hbm>>
      %dma_wait3A_1247 = arith.constant 0 : i32
      %dma_wait3A_1248 = arith.constant 0 : i32
      %dma_wait3A_1249 = tpu.memref_slice %arg9[%dma_wait3A_1234, %dma_wait3A_1247, %dma_wait3A_1248] : memref<16x200x32xf32, #tpu.memory_space<vmem>> -> memref<1x200x32xf32, #tpu.memory_space<vmem>>
      %dma_wait3A_1250 = tpu.memref_squeeze %dma_wait3A_1249 : memref<1x200x32xf32, #tpu.memory_space<vmem>> -> memref<200x32xf32, #tpu.memory_space<vmem>>
      tpu.wait_dma2 semaphore(%arg18 : memref<!tpu.dma_semaphore, #tpu.memory_space<semaphore_mem>>) src(%dma_wait3A_1250 : memref<200x32xf32, #tpu.memory_space<vmem>>) dst(%dma_wait3A_1246 : memref<200x32xf32, #tpu.memory_space<hbm>>)
      %dma_wait3A_1251 = arith.constant 9 : i32
      %dma_wait3A_1252 = arith.constant 0 : i32
      %dma_wait3A_1253 = arith.constant 0 : i32
      %dma_wait3A_1254 = tpu.memref_slice %arg9[%dma_wait3A_1251, %dma_wait3A_1252, %dma_wait3A_1253] : memref<16x200x32xf32, #tpu.memory_space<vmem>> -> memref<1x200x32xf32, #tpu.memory_space<vmem>>
      %dma_wait3A_1255 = tpu.memref_squeeze %dma_wait3A_1254 : memref<1x200x32xf32, #tpu.memory_space<vmem>> -> memref<200x32xf32, #tpu.memory_space<vmem>>
      %dma_wait3A_1256 = arith.constant 0 : i32
      %dma_wait3A_1257 = arith.constant 0 : i32
      %dma_wait3A_1258 = tpu.memref_slice %arg6[%add3A_888, %dma_wait3A_1256, %dma_wait3A_1257] : memref<4096x200x32xf32, #tpu.memory_space<hbm>> -> memref<1x200x32xf32, #tpu.memory_space<hbm>>
      %dma_wait3A_1259 = tpu.memref_squeeze %dma_wait3A_1258 : memref<1x200x32xf32, #tpu.memory_space<hbm>> -> memref<200x32xf32, #tpu.memory_space<hbm>>
      %dma_wait3A_1260 = arith.constant 0 : i32
      %dma_wait3A_1261 = arith.constant 0 : i32
      %dma_wait3A_1262 = tpu.memref_slice %arg6[%add3A_888, %dma_wait3A_1260, %dma_wait3A_1261] : memref<4096x200x32xf32, #tpu.memory_space<hbm>> -> memref<1x200x32xf32, #tpu.memory_space<hbm>>
      %dma_wait3A_1263 = tpu.memref_squeeze %dma_wait3A_1262 : memref<1x200x32xf32, #tpu.memory_space<hbm>> -> memref<200x32xf32, #tpu.memory_space<hbm>>
      %dma_wait3A_1264 = arith.constant 0 : i32
      %dma_wait3A_1265 = arith.constant 0 : i32
      %dma_wait3A_1266 = tpu.memref_slice %arg9[%dma_wait3A_1251, %dma_wait3A_1264, %dma_wait3A_1265] : memref<16x200x32xf32, #tpu.memory_space<vmem>> -> memref<1x200x32xf32, #tpu.memory_space<vmem>>
      %dma_wait3A_1267 = tpu.memref_squeeze %dma_wait3A_1266 : memref<1x200x32xf32, #tpu.memory_space<vmem>> -> memref<200x32xf32, #tpu.memory_space<vmem>>
      tpu.wait_dma2 semaphore(%arg19 : memref<!tpu.dma_semaphore, #tpu.memory_space<semaphore_mem>>) src(%dma_wait3A_1267 : memref<200x32xf32, #tpu.memory_space<vmem>>) dst(%dma_wait3A_1263 : memref<200x32xf32, #tpu.memory_space<hbm>>)
      %dma_wait3A_1268 = arith.constant 10 : i32
      %dma_wait3A_1269 = arith.constant 0 : i32
      %dma_wait3A_1270 = arith.constant 0 : i32
      %dma_wait3A_1271 = tpu.memref_slice %arg9[%dma_wait3A_1268, %dma_wait3A_1269, %dma_wait3A_1270] : memref<16x200x32xf32, #tpu.memory_space<vmem>> -> memref<1x200x32xf32, #tpu.memory_space<vmem>>
      %dma_wait3A_1272 = tpu.memref_squeeze %dma_wait3A_1271 : memref<1x200x32xf32, #tpu.memory_space<vmem>> -> memref<200x32xf32, #tpu.memory_space<vmem>>
      %dma_wait3A_1273 = arith.constant 0 : i32
      %dma_wait3A_1274 = arith.constant 0 : i32
      %dma_wait3A_1275 = tpu.memref_slice %arg6[%add3A_920, %dma_wait3A_1273, %dma_wait3A_1274] : memref<4096x200x32xf32, #tpu.memory_space<hbm>> -> memref<1x200x32xf32, #tpu.memory_space<hbm>>
      %dma_wait3A_1276 = tpu.memref_squeeze %dma_wait3A_1275 : memref<1x200x32xf32, #tpu.memory_space<hbm>> -> memref<200x32xf32, #tpu.memory_space<hbm>>
      %dma_wait3A_1277 = arith.constant 0 : i32
      %dma_wait3A_1278 = arith.constant 0 : i32
      %dma_wait3A_1279 = tpu.memref_slice %arg6[%add3A_920, %dma_wait3A_1277, %dma_wait3A_1278] : memref<4096x200x32xf32, #tpu.memory_space<hbm>> -> memref<1x200x32xf32, #tpu.memory_space<hbm>>
      %dma_wait3A_1280 = tpu.memref_squeeze %dma_wait3A_1279 : memref<1x200x32xf32, #tpu.memory_space<hbm>> -> memref<200x32xf32, #tpu.memory_space<hbm>>
      %dma_wait3A_1281 = arith.constant 0 : i32
      %dma_wait3A_1282 = arith.constant 0 : i32
      %dma_wait3A_1283 = tpu.memref_slice %arg9[%dma_wait3A_1268, %dma_wait3A_1281, %dma_wait3A_1282] : memref<16x200x32xf32, #tpu.memory_space<vmem>> -> memref<1x200x32xf32, #tpu.memory_space<vmem>>
      %dma_wait3A_1284 = tpu.memref_squeeze %dma_wait3A_1283 : memref<1x200x32xf32, #tpu.memory_space<vmem>> -> memref<200x32xf32, #tpu.memory_space<vmem>>
      tpu.wait_dma2 semaphore(%arg20 : memref<!tpu.dma_semaphore, #tpu.memory_space<semaphore_mem>>) src(%dma_wait3A_1284 : memref<200x32xf32, #tpu.memory_space<vmem>>) dst(%dma_wait3A_1280 : memref<200x32xf32, #tpu.memory_space<hbm>>)
      %dma_wait3A_1285 = arith.constant 11 : i32
      %dma_wait3A_1286 = arith.constant 0 : i32
      %dma_wait3A_1287 = arith.constant 0 : i32
      %dma_wait3A_1288 = tpu.memref_slice %arg9[%dma_wait3A_1285, %dma_wait3A_1286, %dma_wait3A_1287] : memref<16x200x32xf32, #tpu.memory_space<vmem>> -> memref<1x200x32xf32, #tpu.memory_space<vmem>>
      %dma_wait3A_1289 = tpu.memref_squeeze %dma_wait3A_1288 : memref<1x200x32xf32, #tpu.memory_space<vmem>> -> memref<200x32xf32, #tpu.memory_space<vmem>>
      %dma_wait3A_1290 = arith.constant 0 : i32
      %dma_wait3A_1291 = arith.constant 0 : i32
      %dma_wait3A_1292 = tpu.memref_slice %arg6[%add3A_952, %dma_wait3A_1290, %dma_wait3A_1291] : memref<4096x200x32xf32, #tpu.memory_space<hbm>> -> memref<1x200x32xf32, #tpu.memory_space<hbm>>
      %dma_wait3A_1293 = tpu.memref_squeeze %dma_wait3A_1292 : memref<1x200x32xf32, #tpu.memory_space<hbm>> -> memref<200x32xf32, #tpu.memory_space<hbm>>
      %dma_wait3A_1294 = arith.constant 0 : i32
      %dma_wait3A_1295 = arith.constant 0 : i32
      %dma_wait3A_1296 = tpu.memref_slice %arg6[%add3A_952, %dma_wait3A_1294, %dma_wait3A_1295] : memref<4096x200x32xf32, #tpu.memory_space<hbm>> -> memref<1x200x32xf32, #tpu.memory_space<hbm>>
      %dma_wait3A_1297 = tpu.memref_squeeze %dma_wait3A_1296 : memref<1x200x32xf32, #tpu.memory_space<hbm>> -> memref<200x32xf32, #tpu.memory_space<hbm>>
      %dma_wait3A_1298 = arith.constant 0 : i32
      %dma_wait3A_1299 = arith.constant 0 : i32
      %dma_wait3A_1300 = tpu.memref_slice %arg9[%dma_wait3A_1285, %dma_wait3A_1298, %dma_wait3A_1299] : memref<16x200x32xf32, #tpu.memory_space<vmem>> -> memref<1x200x32xf32, #tpu.memory_space<vmem>>
      %dma_wait3A_1301 = tpu.memref_squeeze %dma_wait3A_1300 : memref<1x200x32xf32, #tpu.memory_space<vmem>> -> memref<200x32xf32, #tpu.memory_space<vmem>>
      tpu.wait_dma2 semaphore(%arg21 : memref<!tpu.dma_semaphore, #tpu.memory_space<semaphore_mem>>) src(%dma_wait3A_1301 : memref<200x32xf32, #tpu.memory_space<vmem>>) dst(%dma_wait3A_1297 : memref<200x32xf32, #tpu.memory_space<hbm>>)
      %dma_wait3A_1302 = arith.constant 12 : i32
      %dma_wait3A_1303 = arith.constant 0 : i32
      %dma_wait3A_1304 = arith.constant 0 : i32
      %dma_wait3A_1305 = tpu.memref_slice %arg9[%dma_wait3A_1302, %dma_wait3A_1303, %dma_wait3A_1304] : memref<16x200x32xf32, #tpu.memory_space<vmem>> -> memref<1x200x32xf32, #tpu.memory_space<vmem>>
      %dma_wait3A_1306 = tpu.memref_squeeze %dma_wait3A_1305 : memref<1x200x32xf32, #tpu.memory_space<vmem>> -> memref<200x32xf32, #tpu.memory_space<vmem>>
      %dma_wait3A_1307 = arith.constant 0 : i32
      %dma_wait3A_1308 = arith.constant 0 : i32
      %dma_wait3A_1309 = tpu.memref_slice %arg6[%add3A_984, %dma_wait3A_1307, %dma_wait3A_1308] : memref<4096x200x32xf32, #tpu.memory_space<hbm>> -> memref<1x200x32xf32, #tpu.memory_space<hbm>>
      %dma_wait3A_1310 = tpu.memref_squeeze %dma_wait3A_1309 : memref<1x200x32xf32, #tpu.memory_space<hbm>> -> memref<200x32xf32, #tpu.memory_space<hbm>>
      %dma_wait3A_1311 = arith.constant 0 : i32
      %dma_wait3A_1312 = arith.constant 0 : i32
      %dma_wait3A_1313 = tpu.memref_slice %arg6[%add3A_984, %dma_wait3A_1311, %dma_wait3A_1312] : memref<4096x200x32xf32, #tpu.memory_space<hbm>> -> memref<1x200x32xf32, #tpu.memory_space<hbm>>
      %dma_wait3A_1314 = tpu.memref_squeeze %dma_wait3A_1313 : memref<1x200x32xf32, #tpu.memory_space<hbm>> -> memref<200x32xf32, #tpu.memory_space<hbm>>
      %dma_wait3A_1315 = arith.constant 0 : i32
      %dma_wait3A_1316 = arith.constant 0 : i32
      %dma_wait3A_1317 = tpu.memref_slice %arg9[%dma_wait3A_1302, %dma_wait3A_1315, %dma_wait3A_1316] : memref<16x200x32xf32, #tpu.memory_space<vmem>> -> memref<1x200x32xf32, #tpu.memory_space<vmem>>
      %dma_wait3A_1318 = tpu.memref_squeeze %dma_wait3A_1317 : memref<1x200x32xf32, #tpu.memory_space<vmem>> -> memref<200x32xf32, #tpu.memory_space<vmem>>
      tpu.wait_dma2 semaphore(%arg22 : memref<!tpu.dma_semaphore, #tpu.memory_space<semaphore_mem>>) src(%dma_wait3A_1318 : memref<200x32xf32, #tpu.memory_space<vmem>>) dst(%dma_wait3A_1314 : memref<200x32xf32, #tpu.memory_space<hbm>>)
      %dma_wait3A_1319 = arith.constant 13 : i32
      %dma_wait3A_1320 = arith.constant 0 : i32
      %dma_wait3A_1321 = arith.constant 0 : i32
      %dma_wait3A_1322 = tpu.memref_slice %arg9[%dma_wait3A_1319, %dma_wait3A_1320, %dma_wait3A_1321] : memref<16x200x32xf32, #tpu.memory_space<vmem>> -> memref<1x200x32xf32, #tpu.memory_space<vmem>>
      %dma_wait3A_1323 = tpu.memref_squeeze %dma_wait3A_1322 : memref<1x200x32xf32, #tpu.memory_space<vmem>> -> memref<200x32xf32, #tpu.memory_space<vmem>>
      %dma_wait3A_1324 = arith.constant 0 : i32
      %dma_wait3A_1325 = arith.constant 0 : i32
      %dma_wait3A_1326 = tpu.memref_slice %arg6[%add3A_1016, %dma_wait3A_1324, %dma_wait3A_1325] : memref<4096x200x32xf32, #tpu.memory_space<hbm>> -> memref<1x200x32xf32, #tpu.memory_space<hbm>>
      %dma_wait3A_1327 = tpu.memref_squeeze %dma_wait3A_1326 : memref<1x200x32xf32, #tpu.memory_space<hbm>> -> memref<200x32xf32, #tpu.memory_space<hbm>>
      %dma_wait3A_1328 = arith.constant 0 : i32
      %dma_wait3A_1329 = arith.constant 0 : i32
      %dma_wait3A_1330 = tpu.memref_slice %arg6[%add3A_1016, %dma_wait3A_1328, %dma_wait3A_1329] : memref<4096x200x32xf32, #tpu.memory_space<hbm>> -> memref<1x200x32xf32, #tpu.memory_space<hbm>>
      %dma_wait3A_1331 = tpu.memref_squeeze %dma_wait3A_1330 : memref<1x200x32xf32, #tpu.memory_space<hbm>> -> memref<200x32xf32, #tpu.memory_space<hbm>>
      %dma_wait3A_1332 = arith.constant 0 : i32
      %dma_wait3A_1333 = arith.constant 0 : i32
      %dma_wait3A_1334 = tpu.memref_slice %arg9[%dma_wait3A_1319, %dma_wait3A_1332, %dma_wait3A_1333] : memref<16x200x32xf32, #tpu.memory_space<vmem>> -> memref<1x200x32xf32, #tpu.memory_space<vmem>>
      %dma_wait3A_1335 = tpu.memref_squeeze %dma_wait3A_1334 : memref<1x200x32xf32, #tpu.memory_space<vmem>> -> memref<200x32xf32, #tpu.memory_space<vmem>>
      tpu.wait_dma2 semaphore(%arg23 : memref<!tpu.dma_semaphore, #tpu.memory_space<semaphore_mem>>) src(%dma_wait3A_1335 : memref<200x32xf32, #tpu.memory_space<vmem>>) dst(%dma_wait3A_1331 : memref<200x32xf32, #tpu.memory_space<hbm>>)
      %dma_wait3A_1336 = arith.constant 14 : i32
      %dma_wait3A_1337 = arith.constant 0 : i32
      %dma_wait3A_1338 = arith.constant 0 : i32
      %dma_wait3A_1339 = tpu.memref_slice %arg9[%dma_wait3A_1336, %dma_wait3A_1337, %dma_wait3A_1338] : memref<16x200x32xf32, #tpu.memory_space<vmem>> -> memref<1x200x32xf32, #tpu.memory_space<vmem>>
      %dma_wait3A_1340 = tpu.memref_squeeze %dma_wait3A_1339 : memref<1x200x32xf32, #tpu.memory_space<vmem>> -> memref<200x32xf32, #tpu.memory_space<vmem>>
      %dma_wait3A_1341 = arith.constant 0 : i32
      %dma_wait3A_1342 = arith.constant 0 : i32
      %dma_wait3A_1343 = tpu.memref_slice %arg6[%add3A_1048, %dma_wait3A_1341, %dma_wait3A_1342] : memref<4096x200x32xf32, #tpu.memory_space<hbm>> -> memref<1x200x32xf32, #tpu.memory_space<hbm>>
      %dma_wait3A_1344 = tpu.memref_squeeze %dma_wait3A_1343 : memref<1x200x32xf32, #tpu.memory_space<hbm>> -> memref<200x32xf32, #tpu.memory_space<hbm>>
      %dma_wait3A_1345 = arith.constant 0 : i32
      %dma_wait3A_1346 = arith.constant 0 : i32
      %dma_wait3A_1347 = tpu.memref_slice %arg6[%add3A_1048, %dma_wait3A_1345, %dma_wait3A_1346] : memref<4096x200x32xf32, #tpu.memory_space<hbm>> -> memref<1x200x32xf32, #tpu.memory_space<hbm>>
      %dma_wait3A_1348 = tpu.memref_squeeze %dma_wait3A_1347 : memref<1x200x32xf32, #tpu.memory_space<hbm>> -> memref<200x32xf32, #tpu.memory_space<hbm>>
      %dma_wait3A_1349 = arith.constant 0 : i32
      %dma_wait3A_1350 = arith.constant 0 : i32
      %dma_wait3A_1351 = tpu.memref_slice %arg9[%dma_wait3A_1336, %dma_wait3A_1349, %dma_wait3A_1350] : memref<16x200x32xf32, #tpu.memory_space<vmem>> -> memref<1x200x32xf32, #tpu.memory_space<vmem>>
      %dma_wait3A_1352 = tpu.memref_squeeze %dma_wait3A_1351 : memref<1x200x32xf32, #tpu.memory_space<vmem>> -> memref<200x32xf32, #tpu.memory_space<vmem>>
      tpu.wait_dma2 semaphore(%arg24 : memref<!tpu.dma_semaphore, #tpu.memory_space<semaphore_mem>>) src(%dma_wait3A_1352 : memref<200x32xf32, #tpu.memory_space<vmem>>) dst(%dma_wait3A_1348 : memref<200x32xf32, #tpu.memory_space<hbm>>)
      %dma_wait3A_1353 = arith.constant 15 : i32
      %dma_wait3A_1354 = arith.constant 0 : i32
      %dma_wait3A_1355 = arith.constant 0 : i32
      %dma_wait3A_1356 = tpu.memref_slice %arg9[%dma_wait3A_1353, %dma_wait3A_1354, %dma_wait3A_1355] : memref<16x200x32xf32, #tpu.memory_space<vmem>> -> memref<1x200x32xf32, #tpu.memory_space<vmem>>
      %dma_wait3A_1357 = tpu.memref_squeeze %dma_wait3A_1356 : memref<1x200x32xf32, #tpu.memory_space<vmem>> -> memref<200x32xf32, #tpu.memory_space<vmem>>
      %dma_wait3A_1358 = arith.constant 0 : i32
      %dma_wait3A_1359 = arith.constant 0 : i32
      %dma_wait3A_1360 = tpu.memref_slice %arg6[%add3A_1080, %dma_wait3A_1358, %dma_wait3A_1359] : memref<4096x200x32xf32, #tpu.memory_space<hbm>> -> memref<1x200x32xf32, #tpu.memory_space<hbm>>
      %dma_wait3A_1361 = tpu.memref_squeeze %dma_wait3A_1360 : memref<1x200x32xf32, #tpu.memory_space<hbm>> -> memref<200x32xf32, #tpu.memory_space<hbm>>
      %dma_wait3A_1362 = arith.constant 0 : i32
      %dma_wait3A_1363 = arith.constant 0 : i32
      %dma_wait3A_1364 = tpu.memref_slice %arg6[%add3A_1080, %dma_wait3A_1362, %dma_wait3A_1363] : memref<4096x200x32xf32, #tpu.memory_space<hbm>> -> memref<1x200x32xf32, #tpu.memory_space<hbm>>
      %dma_wait3A_1365 = tpu.memref_squeeze %dma_wait3A_1364 : memref<1x200x32xf32, #tpu.memory_space<hbm>> -> memref<200x32xf32, #tpu.memory_space<hbm>>
      %dma_wait3A_1366 = arith.constant 0 : i32
      %dma_wait3A_1367 = arith.constant 0 : i32
      %dma_wait3A_1368 = tpu.memref_slice %arg9[%dma_wait3A_1353, %dma_wait3A_1366, %dma_wait3A_1367] : memref<16x200x32xf32, #tpu.memory_space<vmem>> -> memref<1x200x32xf32, #tpu.memory_space<vmem>>
      %dma_wait3A_1369 = tpu.memref_squeeze %dma_wait3A_1368 : memref<1x200x32xf32, #tpu.memory_space<vmem>> -> memref<200x32xf32, #tpu.memory_space<vmem>>
      tpu.wait_dma2 semaphore(%arg25 : memref<!tpu.dma_semaphore, #tpu.memory_space<semaphore_mem>>) src(%dma_wait3A_1369 : memref<200x32xf32, #tpu.memory_space<vmem>>) dst(%dma_wait3A_1365 : memref<200x32xf32, #tpu.memory_space<hbm>>)
    }
    %scan3A_6 = arith.constant 8 : i32
    return
  }
}

</mosaic_0001>

<sc_bundles>
// kernel: kernel.3.cloned.1.call-start
scs
__scs_entry_jumppad:
0x0: {  	(pc) =	sbr.rel $0x88, $3  }
0x1: {  	(tag) =	ssettag $0x0;
	lr =	simm.s32 $0x1  }
0x2: {  	[smem:$0x3F9E] =	sst lr;
	_ =	strace $0xD0000000  }
0x3: {  	_ = 	snop  }
0x4: {  	_ = 	snop  }
0x5: {  	_ = 	snop  }
0x6: {  	_ = 	snop  }
0x7: {  	_ = 	snop  }
__scs_overlays_trampoline_lowered:
0x8: {  	[smem:$0x3FAD] =	sst s0  }
0x9: {  	[smem:$0x3FAE] =	sst s1  }
0xa: {  	[smem:$0x3FAF] =	sst s2  }
0xb: {  	[smem:$0x3FB0] =	sst s3  }
0xc: {  	[smem:$0x3FB1] =	sst s4  }
0xd: {  	[smem:$0x3FB2] =	sst s5  }
0xe: {  	[smem:$0x3FB3] =	sst s6  }
0xf: {  	[smem:$0x3FB4] =	sst s7  }
0x10: {  	[smem:$0x3FB5] =	sst s8  }
0x11: {  	[smem:$0x3FB6] =	sst s9;
	s0 =	simm.s32 @!p0 $0x0  }
0x12: {  	s1 =	sld [smem:$0x3F9C];
	s0 =	simm.s32 @p0 $0x1  }
0x13: {  	[smem:$0x3FB7] =	sst s0;
	s0 =	simm.s32 @!p1 $0x0  }
0x14: {  	s2 =	sld [smem:$0x3F9B];
	s0 =	simm.s32 @p1 $0x1  }
0x15: {  	[smem:$0x3FB8] =	sst s0;
	s0 =	simm.s32 @!p2 $0x0  }
0x16: {  	s3 =	sld [smem:$0x3FDB];
	s0 =	simm.s32 @p2 $0x1  }
0x17: {  	s4 =	simm.s32 $0x1BF5;
	[smem:$0x3FBA] =	sst s0  }
0x18: {  	s0 =	sld [smem:$0x3F9D];
	_ =	swait.ge [sflag:s4], $0x0  }
0x19: {  	s7 =	sld [smem:$0x3F9E]  }
0x1a: {  	s8 =	sadd.s32 $0xFFFFE003, lr  }
0x1b: {  	s9 =	sadd.s32 $0xFFFFFEF7, lr;
	s5 =	simm.s32 $0xFFFFFFFF;
	p2 =	slt.u32 s8, $0xFFFFF086  }
0x1c: {  	p1 =	slt.u32 s9, $0xF7A;
	s5 =	simm.s32 @!p2 $0x0  }
0x1d: {  	s5 =	simm.s32 @p1 $0x1;
	p0 =	seq.s32 s7, s2  }
0x1e: {  	s7 =	smul.u32 @!p0 $0xF7A, s2;
	p2 =	seq.s32 @!p0 s5, $0x0  }
0x1f: {  	s9 =	smul.u32 $0xF7A, s1;
	s8 =	simm.s32 @!p0 $0x1BF5;
	p2 =	por !p2, p0  }
0x20: {  	[sflag:s8] =	ssyncset.s32 @!p0 $0xFFFFF086;
	s6 =	sadd.s32 @!p0 s3, s7;
	s7 =	simm.s32 @!p0 $0x108  }
0x21: {  	s3 =	sadd.s32 s3, s9;
	s6 =	sadd.s32 @!p0 $0x88, s6;
	s7 =	simm.s32 @p2 $0x1082  }
0x22: {  	[simem:s7], [sflag:s8] =	dma.local @!p0 [hbm:s6], $0xF7A  }
0x23: {  	s9 =	sor.u32 $0xD0000000, s2;
	s6 =	simm.s32 $0x108;
	_ =	swait.ge @!p0 [sflag:s8], $0x0  }
0x24: {  	s3 =	sadd.s32 $0x88, s3;
	s6 =	simm.s32 @!p1 $0x1082;
	[sflag:s4] =	ssyncset.s32 $0xFFFFF086  }
0x25: {  	[simem:s6], [sflag:s4] =	dma.local [hbm:s3], $0xF7A  }
0x26: {  	[smem:$0x3F9E] =	sst s1;
	(tag) =	ssettag s2;
	_ =	strace s9  }
0x27: {  	s1 =	sld [smem:$0x3FAE]  }
0x28: {  	s2 =	sld [smem:$0x3FAF]  }
0x29: {  	s4 =	sld [smem:$0x3FB1]  }
0x2a: {  	p0 =	seq.s32 s5, $0x0;
	s5 =	sld [smem:$0x3FB2]  }
0x2b: {  	s6 =	sld [smem:$0x3FB3]  }
0x2c: {  	s7 =	sld [smem:$0x3FB4]  }
0x2d: {  	s3 =	simm.s32 $0x108;
	s8 =	sld [smem:$0x3FB5]  }
0x2e: {  	s3 =	simm.s32 @!p0 $0x1082;
	s9 =	sld [smem:$0x3FB6]  }
0x2f: {  	lr =	sadd.s32 s0, s3;
	s0 =	sld [smem:$0x3FAD]  }
0x30: {  	s3 =	sld [smem:$0x3FB0]  }
0x31: {  	[smem:$0x3FB9] =	sst s10  }
0x32: {  	s10 =	sld [smem:$0x3FB7];
	_ =	sdelay $0x3  }
0x33: {  	p0 =	seq.s32 s10, $0x1;
	s10 =	sld [smem:$0x3FB9];
	_ =	sdelay $0x3  }
0x34: {  	[smem:$0x3FB9] =	sst s10  }
0x35: {  	s10 =	sld [smem:$0x3FB8];
	_ =	sdelay $0x3  }
0x36: {  	p1 =	seq.s32 s10, $0x1;
	s10 =	sld [smem:$0x3FB9];
	_ =	sdelay $0x3  }
0x37: {  	[smem:$0x3FB9] =	sst s10  }
0x38: {  	s10 =	sld [smem:$0x3FBA]  }
0x39: {  	_ = 	snop;
	(pc) =	sbr.ind lr, $3  }
0x3a: {  	_ = 	snop  }
0x3b: {  	_ = 	snop  }
0x3c: {  	p2 =	seq.s32 s10, $0x1;
	s10 =	sld [smem:$0x3FB9]  }
0x3d: {  	_ =	shalt  }
0x3e: {  	_ =	shalt  }
0x3f: {  	_ =	shalt  }
0x40: {  	_ =	shalt  }
0x41: {  	_ =	shalt  }
0x42: {  	_ =	shalt  }
0x43: {  	_ =	shalt  }
0x44: {  	_ =	shalt  }
0x45: {  	_ =	shalt  }
0x46: {  	_ =	shalt  }
0x47: {  	_ =	shalt  }
0x48: {  	_ =	shalt  }
0x49: {  	_ =	shalt  }
0x4a: {  	_ =	shalt  }
0x4b: {  	_ =	shalt  }
0x4c: {  	_ =	shalt  }
0x4d: {  	_ =	shalt  }
0x4e: {  	_ =	shalt  }
0x4f: {  	_ =	shalt  }
0x50: {  	_ =	shalt  }
0x51: {  	_ =	shalt  }
0x52: {  	_ =	shalt  }
0x53: {  	_ =	shalt  }
0x54: {  	_ =	shalt  }
0x55: {  	_ =	shalt  }
0x56: {  	_ =	shalt  }
0x57: {  	_ =	shalt  }
0x58: {  	_ =	shalt  }
0x59: {  	_ =	shalt  }
0x5a: {  	_ =	shalt  }
0x5b: {  	_ =	shalt  }
0x5c: {  	_ =	shalt  }
0x5d: {  	_ =	shalt  }
0x5e: {  	_ =	shalt  }
0x5f: {  	_ =	shalt  }
0x60: {  	_ =	shalt  }
0x61: {  	_ =	shalt  }
0x62: {  	_ =	shalt  }
0x63: {  	_ =	shalt  }
0x64: {  	_ =	shalt  }
0x65: {  	_ =	shalt  }
0x66: {  	_ =	shalt  }
0x67: {  	_ =	shalt  }
0x68: {  	_ =	shalt  }
0x69: {  	_ =	shalt  }
0x6a: {  	_ =	shalt  }
0x6b: {  	_ =	shalt  }
0x6c: {  	_ =	shalt  }
0x6d: {  	_ =	shalt  }
0x6e: {  	_ =	shalt  }
0x6f: {  	_ =	shalt  }
0x70: {  	_ =	shalt  }
0x71: {  	_ =	shalt  }
0x72: {  	_ =	shalt  }
0x73: {  	_ =	shalt  }
0x74: {  	_ =	shalt  }
0x75: {  	_ =	shalt  }
0x76: {  	_ =	shalt  }
0x77: {  	_ =	shalt  }
0x78: {  	_ =	shalt  }
0x79: {  	_ =	shalt  }
0x7a: {  	_ =	shalt  }
0x7b: {  	_ =	shalt  }
0x7c: {  	_ =	shalt  }
0x7d: {  	_ =	shalt  }
0x7e: {  	_ =	shalt  }
0x7f: {  	_ =	shalt  }
0x80: {  	_ =	shalt  }
0x81: {  	_ =	shalt  }
0x82: {  	_ =	shalt  }
0x83: {  	_ =	shalt  }
0x84: {  	_ =	shalt  }
0x85: {  	_ =	shalt  }
0x86: {  	_ =	shalt  }
0x87: {  	_ =	shalt  }
.Lfunc_end0:
.L_simem_size_0:
called_computation.1_lowered:
.L_overlay_start_0:
0x88: {  	s2 =	sld [smem:$0x3FD9]  }
0x89: {  	s3 =	sld [smem:$0x3FFE];
	_ =	sdelay $0x1  }
0x8a: {  	s1 =	srdreg.scid  }
0x8b: {  	s0 =	sand.u32 $0x1, s1  }
0x8c: {  	s17 =	sshll.u32 s0, $0xA;
	s2 =	sadd.s32 s3, s2  }
0x8d: {  	s2 =	sadd.s32 s2, s17  }
0x8e: {  	[smem:$0x3FC5] =	sst s2  }
0x8f: {  	_ = 	snop  }
0x90: {  	s2 =	sld [smem:$0x3FD0];
	(tm) =	ssettm $0x1  }
0x91: {  	s18 =	sld [smem:$0x3FFB];
	_ =	sdelay $0x3  }
0x92: {  	_ =	strace s18  }
0x93: {  	s3 =	sld [smem:$0x3FFC];
	_ =	sdelay $0x3  }
0x94: {  	_ =	strace s3  }
0x95: {  	s3 =	sld [smem:$0x3FFD];
	_ =	sdelay $0x3  }
0x96: {  	_ =	strace s3  }
0x97: {  	_ =	strace $0x8FFFFFFF  }
0x98: {  	s19 =	sld [smem:$0x3FDB];
	_ =	sdelay $0x1  }
0x99: {  	s4 =	simm.s32 $_scs_section_size  }
0x9a: {  	s5 =	simm.s32 $_size__tile_overlayer_lowered;
	s6 =	simm.s32 $_tile_overlayer_lowered  }
0x9b: {  	s22 =	simm.s32 $0x1BFF;
	s21 =	sshll.u32 s6, $0x1;
	s3 =	sadd.s32 s4, s19  }
0x9c: {  	s7 =	simm.s32 $0x0;
	s20 =	sshll.u32 s5, $0x1;
	s5 =	sadd.s32 s21, s3  }
0x9d: {  	[timem:s7], [sflag:s22] =	dma.local [hbm:s5], s20  }
0x9e: {  	_ =	swait.ge [sflag:s22], s20  }
0x9f: {  	s4 =	ssub.s32 $0x0, s20;
	[sflag:s22] =	ssyncset.done $0x0  }
0xa0: {  	[sflag:s22] =	ssyncadd.s32 s4;
	_ =	sdelay $0x1  }
0xa1: {  	s23 =	simm.s32 $0x1B8B  }
0xa2: {  	_ =	swait.ge [sflag:s23], $0x1  }
0xa3: {  	[sflag:s23] =	ssyncset.done $0x0  }
0xa4: {  	s25 =	simm.s32 $0x1B8E;
	s24 =	sld [smem:$0x3FFE];
	[sflag:s23] =	ssyncadd.s32 $0xFFFFFFFF  }
0xa5: {  	s26 =	simm.s32 $execute0_lowered;
	[smem:$0x3FD2] =	sst s25  }
0xa6: {  	s5 =	sshll.u32 s26, $0x1;
	_ =	strace $0x80000046;
	[dreg:$0x1] =	wrdreg $0xFFFFFFFF  }
0xa7: {  	s28 =	simm.s32 $_size_execute0_lowered;
	s3 =	sadd.s32 s3, s5;
	[dreg:$0x0] =	wrdreg $0x0  }
0xa8: {  	s5 =	sshll.u32 s28, $0x1;
	[dreg:$0x2] =	wrdreg s3  }
0xa9: {  	[dreg:$0x3] =	wrdreg s5  }
0xaa: {  	[dreg:$0x4] =	wrdreg $0xC0  }
0xab: {  	_ =	task [dreg:s7], $0x5FFFF  }
0xac: {  	[dreg:$0x1] =	wrdreg $0xFFFFFFFF  }
0xad: {  	[dreg:$0x0] =	wrdreg $0x60  }
0xae: {  	[dreg:$0x2] =	wrdreg s24  }
0xaf: {  	[dreg:$0x3] =	wrdreg s2  }
0xb0: {  	[dreg:$0x4] =	wrdreg $0x9  }
0xb1: {  	_ =	task.clear_ibuf [dreg:s7], $0x5FFFF;
	_ =	strace $0x90000046  }
0xb2: {  	s29 =	simm.s32 $0x9;
	_ =	strace $0x80000048  }
0xb3: {  	_ =	swait.ge [sflag:s29], $0x1  }
0xb4: {  	[sflag:s29] =	ssyncadd.s32 $0xFFFFFFFF  }
0xb5: {  	_ =	strace $0x90000048  }
0xb6: {  	_ =	sfence  }
0xb7: {  	s30 =	sld [smem:$0x0];
	_ =	sdelay $0x2  }
0xb8: {  	s31 =	sshll.u32 s1, $0xD;
	s1 =	sshrl.u32 s1, $0x2  }
0xb9: {  	s3 =	sand.u32 $0x4000, s31;
	s1 =	sadd.s32 s1, s30  }
0xba: {  	s0 =	sor.u32 s3, s0;
	s1 =	sshll.u32 s1, $0x11  }
0xbb: {  	s0 =	sor.u32 s1, s0  }
0xbc: {  	s0 =	sadd.s32 $0x8F2B, s0  }
0xbd: {  	[sflag:s0] =	ssyncadd.remote.s32 $0x1  }
0xbe: {  	_ =	sfence.sel $0xFFFF  }
0xbf: {  	[dreg:$0x0] =	wrdreg $0xFFFFFFFF;
	(pc) =	sbr.abs _section_cstart, $3  }
0xc0: {  	[dreg:$0x1] =	wrdreg $0xFFFFFFFF  }
0xc1: {  	_ =	task.clear_ibuf [dreg:s7], $0x2FFFF;
	_ =	strace $0x9FFFFFFF  }
0xc2: {  	(tm) =	ssettm $0x7FFFFFFF  }
0xc3: {  	_ =	shalt  }
tec
execute0_lowered:
.L_overlay_start_1:
0x0: {  	(tag) =	ssettag $0x1  }
0x1: {  	s0 =	srdreg.scid;
	s6 =	rddreg [dreg:$0x0]  }
0x2: {  	s10 =	stileid.u32;
	s1 =	rddreg [dreg:$0x1];
	s5 =	simm.s32 $0x0  }
0x3: {  	s0 =	sand.u32 $0x1, s0;
	s2 =	sshll.u32 s10, $0x8;
	s4 =	smul.u32 $0x190000, s10  }
0x4: {  	[smem:$0x7FF] =	sst s5;
	s3 =	sshll.u32 s0, $0x7;
	s18 =	smul.u32 $0xC8000, s0  }
0x5: {  	s10 =	smul.u32 $0x32000, s10;
	_ =	strace $0x80000047;
	s3 =	sor.u32 s3, s2  }
0x6: {  	s3 =	smul.u32 $0x19, s3;
	s2 =	sadd.s32 s18, s4;
	s4 =	sadd.s32 $0x19C00, s6  }
0x7: {  	s8 =	sadd.s32 $0x17700, s2;
	s20 =	sadd.s32 $0x15E00, s2;
	s22 =	sadd.s32 $0x14500, s2  }
0x8: {  	s9 =	sadd.s32 $0x12C00, s2;
	s26 =	sadd.s32 $0x11300, s2;
	s29 =	sadd.s32 $0xFA00, s2  }
0x9: {  	s30 =	sadd.s32 $0xE100, s2;
	s12 =	sadd.s32 $0xAF00, s2;
	s13 =	sadd.s32 $0x9600, s2  }
0xa: {  	s17 =	sor.u32 $0x7D00, s2;
	s7 =	sadd.s32 s3, s6;
	s3 =	sadd.s32 $0xF43000, s6  }
0xb: {  	s8 =	sshrl.u32 s8, $0x3;
	s6 =	sadd.s32 $0x1A000, s6;
	s21 =	sshrl.u32 s20, $0x3  }
0xc: {  	s24 =	sshrl.u32 s9, $0x3;
	s28 =	sshrl.u32 s26, $0x3;
	s5 =	sshrl.u32 s30, $0x3  }
0xd: {  	s9 =	sadd.s32 $0xC800, s2;
	s15 =	sshrl.u32 s13, $0x3;
	s18 =	sshrl.u32 s17, $0x3  }
0xe: {  	s20 =	sor.u32 $0x4B00, s2;
	[dreg:$0x15] =	wrdreg s6;
	s19 =	sadd.s32 s8, s1  }
0xf: {  	s26 =	sor.u32 $0x3200, s2;
	s6 =	sadd.s32 s21, s1;
	[dreg:$0x3] =	wrdreg s19  }
0x10: {  	s8 =	sshrl.u32 s22, $0x3;
	s25 =	sadd.s32 s24, s1;
	[dreg:$0x4] =	wrdreg s6  }
0x11: {  	s11 =	sshrl.u32 s9, $0x3;
	s16 =	sadd.s32 s15, s1;
	[dreg:$0x6] =	wrdreg s25  }
0x12: {  	s22 =	sshrl.u32 s20, $0x3;
	s30 =	sadd.s32 $0xC00, s7;
	[dreg:$0xc] =	wrdreg s16  }
0x13: {  	s23 =	sadd.s32 s8, s1;
	s6 =	sadd.s32 s28, s1;
	[dreg:$0x16] =	wrdreg s30  }
0x14: {  	s8 =	sshrl.u32 s29, $0x3;
	s19 =	sor.u32 $0x6400, s2;
	[dreg:$0x5] =	wrdreg s23  }
0x15: {  	s24 =	sadd.s32 s22, s1;
	s2 =	sor.u32 $0x1900, s2;
	[dreg:$0x7] =	wrdreg s6  }
0x16: {  	s31 =	sadd.s32 s8, s1;
	s8 =	sadd.s32 s5, s1;
	[dreg:$0xf] =	wrdreg s24  }
0x17: {  	s6 =	sadd.s32 s11, s1;
	s23 =	ssub.s32 $0x2, s0;
	[dreg:$0x8] =	wrdreg s31  }
0x18: {  	s2 =	sshrl.u32 s2, $0x3;
	s0 =	smul.u32 $0x19000, s0;
	[dreg:$0x9] =	wrdreg s8  }
0x19: {  	s8 =	sshrl.u32 s12, $0x3;
	[dreg:$0xa] =	wrdreg s6;
	s6 =	sadd.s32 s18, s1  }
0x1a: {  	s25 =	sshrl.u32 s23, $0x1;
	s28 =	sadd.s32 s2, s1;
	[dreg:$0xd] =	wrdreg s6  }
0x1b: {  	s14 =	sadd.s32 s8, s1;
	s8 =	sshrl.u32 s19, $0x3;
	[dreg:$0x11] =	wrdreg s28  }
0x1c: {  	s6 =	sshrl.u32 s26, $0x3;
	[dreg:$0xb] =	wrdreg s14;
	s21 =	sadd.s32 s8, s1  }
0x1d: {  	s29 =	ssub.s32 s23, s25;
	s6 =	sadd.s32 s6, s1;
	[dreg:$0xe] =	wrdreg s21  }
0x1e: {  	s1 =	sadd.s32 s10, s1;
	s31 =	smax.u32 s29, $0x1;
	[dreg:$0x10] =	wrdreg s6  }
0x1f: {  	s10 =	simm.s32 $0xC8;
	s0 =	sadd.s32 s0, s1;
	[dreg:$0x17] =	wrdreg s31  }
0x20: {  	s21 =	simm.s32 $0x6400;
	[dreg:$0x12] =	wrdreg s0;
	s0 =	simm.s32 $0x0  }
.LBB2_1:
0x21: {  	[dreg:$0x18] =	wrdreg s0  }
0x22: {  	s17 =	rddreg [dreg:$0x16];
	s0 =	simm.s32 $0x0;
	s18 =	simm.s32 $0x11  }
0x23: {  	[tilespmem:s0], [sflag:$0x11] =	stream.linear.gather [hbm4b:s17+s0], $0x6400, $0x38;
	[tilespmem:$0x1F4C8] =	vst v63  }
0x24: {  	_ =	swait.ge [sflag:s18], $0x6400  }
0x25: {  	[sflag:s18] =	ssyncset.done $0x0  }
0x26: {  	s6 =	rddreg [dreg:$0x15];
	[sflag:s18] =	ssyncadd.s32 $0xFFFF9C00  }
0x27: {  	[tilespmem:s21], [sflag:$0x11] =	stream.linear.gather [hbm4b:s6+s0], $0xC8, $0x38;
	[tilespmem:$0x1F4C8] =	vst v63  }
0x28: {  	_ =	swait.ge [sflag:s18], $0xC8  }
0x29: {  	[sflag:s18] =	ssyncset.done $0x0  }
0x2a: {  	s7 =	simm.s32 $0x0;
	[sflag:s18] =	ssyncadd.s32 $0xFFFFFF38;
	s18 =	simm.s32 $0x64C8  }
0x2b: {  	[tilespmem:s18], [sflag:$0x1] =	stream.indirect.gather [hbm4b:s3+s10], $0x20, s7, s10, $0xb8;
	[tilespmem:$0x1F4C8] =	vst v63  }
0x2c: {  	s8 =	simm.s32 $0xC8;
	s19 =	simm.s32 $0x7DC8  }
0x2d: {  	[tilespmem:s19], [sflag:$0x2] =	stream.indirect.gather [hbm4b:s3+s10], $0x20, s8, s10, $0xb8;
	[tilespmem:$0x1F4C8] =	vst v63  }
0x2e: {  	s9 =	simm.s32 $0x190;
	s20 =	simm.s32 $0x96C8  }
0x2f: {  	[tilespmem:s20], [sflag:$0x3] =	stream.indirect.gather [hbm4b:s3+s10], $0x20, s9, s10, $0xb8;
	[tilespmem:$0x1F4C8] =	vst v63  }
0x30: {  	s11 =	simm.s32 $0x258;
	s24 =	simm.s32 $0xAFC8  }
0x31: {  	[tilespmem:s24], [sflag:$0x4] =	stream.indirect.gather [hbm4b:s3+s10], $0x20, s11, s10, $0xb8;
	[tilespmem:$0x1F4C8] =	vst v63  }
0x32: {  	s12 =	simm.s32 $0x320;
	s22 =	simm.s32 $0xC8C8  }
0x33: {  	[tilespmem:s22], [sflag:$0x5] =	stream.indirect.gather [hbm4b:s3+s10], $0x20, s12, s10, $0xb8;
	[tilespmem:$0x1F4C8] =	vst v63  }
0x34: {  	s13 =	simm.s32 $0x3E8;
	s23 =	simm.s32 $0xE1C8  }
0x35: {  	[tilespmem:s23], [sflag:$0x6] =	stream.indirect.gather [hbm4b:s3+s10], $0x20, s13, s10, $0xb8;
	[tilespmem:$0x1F4C8] =	vst v63  }
0x36: {  	s14 =	simm.s32 $0x4B0;
	s25 =	simm.s32 $0xFAC8  }
0x37: {  	[tilespmem:s25], [sflag:$0x7] =	stream.indirect.gather [hbm4b:s3+s10], $0x20, s14, s10, $0xb8;
	[tilespmem:$0x1F4C8] =	vst v63  }
0x38: {  	s15 =	simm.s32 $0x578;
	s26 =	simm.s32 $0x113C8  }
0x39: {  	[tilespmem:s26], [sflag:$0x8] =	stream.indirect.gather [hbm4b:s3+s10], $0x20, s15, s10, $0xb8;
	[tilespmem:$0x1F4C8] =	vst v63  }
0x3a: {  	s16 =	simm.s32 $0x640;
	s28 =	simm.s32 $0x12CC8  }
0x3b: {  	[tilespmem:s28], [sflag:$0x9] =	stream.indirect.gather [hbm4b:s3+s10], $0x20, s16, s10, $0xb8;
	[tilespmem:$0x1F4C8] =	vst v63  }
0x3c: {  	s29 =	simm.s32 $0x708;
	s1 =	simm.s32 $0x145C8  }
0x3d: {  	[tilespmem:s1], [sflag:$0xA] =	stream.indirect.gather [hbm4b:s3+s10], $0x20, s29, s10, $0xb8;
	[tilespmem:$0x1F4C8] =	vst v63  }
0x3e: {  	s30 =	simm.s32 $0x7D0;
	s31 =	simm.s32 $0x15EC8  }
0x3f: {  	[tilespmem:s31], [sflag:$0xB] =	stream.indirect.gather [hbm4b:s3+s10], $0x20, s30, s10, $0xb8;
	[tilespmem:$0x1F4C8] =	vst v63  }
0x40: {  	s2 =	simm.s32 $0x898;
	s5 =	simm.s32 $0x177C8  }
0x41: {  	[tilespmem:s5], [sflag:$0xC] =	stream.indirect.gather [hbm4b:s3+s10], $0x20, s2, s10, $0xb8;
	[tilespmem:$0x1F4C8] =	vst v63  }
0x42: {  	s7 =	simm.s32 $0x960;
	s8 =	simm.s32 $0x190C8  }
0x43: {  	[tilespmem:s8], [sflag:$0xD] =	stream.indirect.gather [hbm4b:s3+s10], $0x20, s7, s10, $0xb8;
	[tilespmem:$0x1F4C8] =	vst v63  }
0x44: {  	s11 =	simm.s32 $0xA28;
	s12 =	simm.s32 $0x1A9C8  }
0x45: {  	[tilespmem:s12], [sflag:$0xE] =	stream.indirect.gather [hbm4b:s3+s10], $0x20, s11, s10, $0xb8;
	[tilespmem:$0x1F4C8] =	vst v63  }
0x46: {  	s13 =	simm.s32 $0xAF0;
	s14 =	simm.s32 $0x1C2C8  }
0x47: {  	[tilespmem:s14], [sflag:$0xF] =	stream.indirect.gather [hbm4b:s3+s10], $0x20, s13, s10, $0xb8;
	[tilespmem:$0x1F4C8] =	vst v63  }
0x48: {  	s15 =	simm.s32 $0xBB8;
	s16 =	simm.s32 $0x1DBC8;
	s8 =	simm.s32 $0x1  }
0x49: {  	[tilespmem:s16], [sflag:$0x10] =	stream.indirect.gather [hbm4b:s3+s10], $0x20, s15, s10, $0xb8;
	[tilespmem:$0x1F4C8] =	vst v63  }
0x4a: {  	_ =	swait.ge [sflag:s8], $0x1900  }
0x4b: {  	[sflag:s8] =	ssyncset.done $0x0  }
0x4c: {  	s11 =	simm.s32 $0x2;
	[sflag:s8] =	ssyncadd.s32 $0xFFFFE700  }
0x4d: {  	[tilespmem:s18], [sflag:$0x1] =	stream.indirect.gather.add.f32 [hbm:s4], $0x20, s21, s10, $0xb8;
	[tilespmem:$0x1F4C8] =	vst v63  }
0x4e: {  	_ =	swait.ge [sflag:s11], $0x1900  }
0x4f: {  	[sflag:s11] =	ssyncset.done $0x0  }
0x50: {  	s12 =	simm.s32 $0x3;
	[sflag:s11] =	ssyncadd.s32 $0xFFFFE700  }
0x51: {  	[tilespmem:s19], [sflag:$0x2] =	stream.indirect.gather.add.f32 [hbm:s4], $0x20, s21, s10, $0xb8;
	[tilespmem:$0x1F4C8] =	vst v63  }
0x52: {  	_ =	swait.ge [sflag:s12], $0x1900  }
0x53: {  	[sflag:s12] =	ssyncset.done $0x0  }
0x54: {  	s13 =	simm.s32 $0x4;
	[sflag:s12] =	ssyncadd.s32 $0xFFFFE700  }
0x55: {  	[tilespmem:s20], [sflag:$0x3] =	stream.indirect.gather.add.f32 [hbm:s4], $0x20, s21, s10, $0xb8;
	[tilespmem:$0x1F4C8] =	vst v63  }
0x56: {  	_ =	swait.ge [sflag:s13], $0x1900  }
0x57: {  	[sflag:s13] =	ssyncset.done $0x0  }
0x58: {  	s14 =	simm.s32 $0x5;
	[sflag:s13] =	ssyncadd.s32 $0xFFFFE700  }
0x59: {  	[tilespmem:s24], [sflag:$0x4] =	stream.indirect.gather.add.f32 [hbm:s4], $0x20, s21, s10, $0xb8;
	[tilespmem:$0x1F4C8] =	vst v63  }
0x5a: {  	_ =	swait.ge [sflag:s14], $0x1900  }
0x5b: {  	[sflag:s14] =	ssyncset.done $0x0  }
0x5c: {  	s15 =	simm.s32 $0x6;
	[sflag:s14] =	ssyncadd.s32 $0xFFFFE700  }
0x5d: {  	[tilespmem:s22], [sflag:$0x5] =	stream.indirect.gather.add.f32 [hbm:s4], $0x20, s21, s10, $0xb8;
	[tilespmem:$0x1F4C8] =	vst v63  }
0x5e: {  	_ =	swait.ge [sflag:s15], $0x1900  }
0x5f: {  	[sflag:s15] =	ssyncset.done $0x0  }
0x60: {  	s16 =	simm.s32 $0x7;
	[sflag:s15] =	ssyncadd.s32 $0xFFFFE700  }
0x61: {  	[tilespmem:s23], [sflag:$0x6] =	stream.indirect.gather.add.f32 [hbm:s4], $0x20, s21, s10, $0xb8;
	[tilespmem:$0x1F4C8] =	vst v63  }
0x62: {  	_ =	swait.ge [sflag:s16], $0x1900  }
0x63: {  	[sflag:s16] =	ssyncset.done $0x0  }
0x64: {  	s31 =	simm.s32 $0x8;
	[sflag:s16] =	ssyncadd.s32 $0xFFFFE700  }
0x65: {  	[tilespmem:s25], [sflag:$0x7] =	stream.indirect.gather.add.f32 [hbm:s4], $0x20, s21, s10, $0xb8;
	[tilespmem:$0x1F4C8] =	vst v63  }
0x66: {  	_ =	swait.ge [sflag:s31], $0x1900  }
0x67: {  	[sflag:s31] =	ssyncset.done $0x0  }
0x68: {  	s5 =	simm.s32 $0x9;
	[sflag:s31] =	ssyncadd.s32 $0xFFFFE700  }
0x69: {  	[tilespmem:s26], [sflag:$0x8] =	stream.indirect.gather.add.f32 [hbm:s4], $0x20, s21, s10, $0xb8;
	[tilespmem:$0x1F4C8] =	vst v63  }
0x6a: {  	_ =	swait.ge [sflag:s5], $0x1900  }
0x6b: {  	[sflag:s5] =	ssyncset.done $0x0  }
0x6c: {  	s7 =	simm.s32 $0xA;
	[sflag:s5] =	ssyncadd.s32 $0xFFFFE700  }
0x6d: {  	[tilespmem:s28], [sflag:$0x9] =	stream.indirect.gather.add.f32 [hbm:s4], $0x20, s21, s10, $0xb8;
	[tilespmem:$0x1F4C8] =	vst v63  }
0x6e: {  	_ =	swait.ge [sflag:s7], $0x1900  }
0x6f: {  	[sflag:s7] =	ssyncset.done $0x0  }
0x70: {  	s6 =	simm.s32 $0x145C8;
	[sflag:s7] =	ssyncadd.s32 $0xFFFFE700  }
0x71: {  	[tilespmem:s6], [sflag:$0xA] =	stream.indirect.gather.add.f32 [hbm:s4], $0x20, s21, s10, $0xb8;
	[tilespmem:$0x1F4C8] =	vst v63  }
0x72: {  	s6 =	simm.s32 $0xB  }
0x73: {  	_ =	swait.ge [sflag:s6], $0x1900  }
0x74: {  	[sflag:s6] =	ssyncset.done $0x0  }
0x75: {  	s9 =	simm.s32 $0x15EC8;
	[sflag:s6] =	ssyncadd.s32 $0xFFFFE700  }
0x76: {  	[tilespmem:s9], [sflag:$0xB] =	stream.indirect.gather.add.f32 [hbm:s4], $0x20, s21, s10, $0xb8;
	[tilespmem:$0x1F4C8] =	vst v63  }
0x77: {  	s9 =	simm.s32 $0xC  }
0x78: {  	_ =	swait.ge [sflag:s9], $0x1900  }
0x79: {  	[sflag:s9] =	ssyncset.done $0x0  }
0x7a: {  	s30 =	simm.s32 $0x177C8;
	[sflag:s9] =	ssyncadd.s32 $0xFFFFE700  }
0x7b: {  	[tilespmem:s30], [sflag:$0xC] =	stream.indirect.gather.add.f32 [hbm:s4], $0x20, s21, s10, $0xb8;
	[tilespmem:$0x1F4C8] =	vst v63  }
0x7c: {  	s30 =	simm.s32 $0xD  }
0x7d: {  	_ =	swait.ge [sflag:s30], $0x1900  }
0x7e: {  	[sflag:s30] =	ssyncset.done $0x0  }
0x7f: {  	s29 =	simm.s32 $0x190C8;
	[sflag:s30] =	ssyncadd.s32 $0xFFFFE700  }
0x80: {  	[tilespmem:s29], [sflag:$0xD] =	stream.indirect.gather.add.f32 [hbm:s4], $0x20, s21, s10, $0xb8;
	[tilespmem:$0x1F4C8] =	vst v63  }
0x81: {  	s29 =	simm.s32 $0xE  }
0x82: {  	_ =	swait.ge [sflag:s29], $0x1900  }
0x83: {  	[sflag:s29] =	ssyncset.done $0x0  }
0x84: {  	s2 =	simm.s32 $0x1A9C8;
	[sflag:s29] =	ssyncadd.s32 $0xFFFFE700  }
0x85: {  	[tilespmem:s2], [sflag:$0xE] =	stream.indirect.gather.add.f32 [hbm:s4], $0x20, s21, s10, $0xb8;
	[tilespmem:$0x1F4C8] =	vst v63  }
0x86: {  	s2 =	simm.s32 $0xF  }
0x87: {  	_ =	swait.ge [sflag:s2], $0x1900  }
0x88: {  	[sflag:s2] =	ssyncset.done $0x0  }
0x89: {  	s1 =	simm.s32 $0x1C2C8;
	[sflag:s2] =	ssyncadd.s32 $0xFFFFE700  }
0x8a: {  	[tilespmem:s1], [sflag:$0xF] =	stream.indirect.gather.add.f32 [hbm:s4], $0x20, s21, s10, $0xb8;
	[tilespmem:$0x1F4C8] =	vst v63  }
0x8b: {  	s1 =	simm.s32 $0x10  }
0x8c: {  	_ =	swait.ge [sflag:s1], $0x1900  }
0x8d: {  	[sflag:s1] =	ssyncset.done $0x0  }
0x8e: {  	s17 =	simm.s32 $0x1DBC8;
	[sflag:s1] =	ssyncadd.s32 $0xFFFFE700  }
0x8f: {  	[tilespmem:s17], [sflag:$0x10] =	stream.indirect.gather.add.f32 [hbm:s4], $0x20, s21, s10, $0xb8;
	[tilespmem:$0x1F4C8] =	vst v63  }
0x90: {  	_ =	swait.ge [sflag:s8], $0x1900  }
0x91: {  	s17 =	rddreg [dreg:$0x12];
	[sflag:s8] =	ssyncset.done $0x0  }
0x92: {  	[sflag:s8] =	ssyncadd.s32 $0xFFFFE700;
	s17 =	sadd.s32 $0x0, s17  }
0x93: {  	[hbm4b:s17+s0] =	stream.linear.scatter [tilespmem:s18], [sflag:$0x1], $0x1900, $0x38;
	[tilespmem:$0x1F4C8] =	vst v63  }
0x94: {  	_ =	swait.ge [sflag:s11], $0x1900  }
0x95: {  	s18 =	rddreg [dreg:$0x11];
	[sflag:s11] =	ssyncset.done $0x0  }
0x96: {  	[sflag:s11] =	ssyncadd.s32 $0xFFFFE700;
	s17 =	sadd.s32 $0x0, s18  }
0x97: {  	[hbm4b:s17+s0] =	stream.linear.scatter [tilespmem:s19], [sflag:$0x2], $0x1900, $0x38;
	[tilespmem:$0x1F4C8] =	vst v63  }
0x98: {  	_ =	swait.ge [sflag:s12], $0x1900  }
0x99: {  	s18 =	rddreg [dreg:$0x10];
	[sflag:s12] =	ssyncset.done $0x0  }
0x9a: {  	[sflag:s12] =	ssyncadd.s32 $0xFFFFE700;
	s17 =	sadd.s32 $0x0, s18  }
0x9b: {  	[hbm4b:s17+s0] =	stream.linear.scatter [tilespmem:s20], [sflag:$0x3], $0x1900, $0x38;
	[tilespmem:$0x1F4C8] =	vst v63  }
0x9c: {  	_ =	swait.ge [sflag:s13], $0x1900  }
0x9d: {  	s19 =	rddreg [dreg:$0xf];
	[sflag:s13] =	ssyncset.done $0x0  }
0x9e: {  	[sflag:s13] =	ssyncadd.s32 $0xFFFFE700;
	s17 =	sadd.s32 $0x0, s19  }
0x9f: {  	[hbm4b:s17+s0] =	stream.linear.scatter [tilespmem:s24], [sflag:$0x4], $0x1900, $0x38;
	[tilespmem:$0x1F4C8] =	vst v63  }
0xa0: {  	_ =	swait.ge [sflag:s14], $0x1900  }
0xa1: {  	s20 =	rddreg [dreg:$0xe];
	[sflag:s14] =	ssyncset.done $0x0  }
0xa2: {  	[sflag:s14] =	ssyncadd.s32 $0xFFFFE700;
	s17 =	sadd.s32 $0x0, s20  }
0xa3: {  	[hbm4b:s17+s0] =	stream.linear.scatter [tilespmem:s22], [sflag:$0x5], $0x1900, $0x38;
	[tilespmem:$0x1F4C8] =	vst v63  }
0xa4: {  	_ =	swait.ge [sflag:s15], $0x1900  }
0xa5: {  	s24 =	rddreg [dreg:$0xd];
	[sflag:s15] =	ssyncset.done $0x0  }
0xa6: {  	[sflag:s15] =	ssyncadd.s32 $0xFFFFE700;
	s17 =	sadd.s32 $0x0, s24  }
0xa7: {  	[hbm4b:s17+s0] =	stream.linear.scatter [tilespmem:s23], [sflag:$0x6], $0x1900, $0x38;
	[tilespmem:$0x1F4C8] =	vst v63  }
0xa8: {  	_ =	swait.ge [sflag:s16], $0x1900  }
0xa9: {  	s18 =	rddreg [dreg:$0xc];
	[sflag:s16] =	ssyncset.done $0x0  }
0xaa: {  	[sflag:s16] =	ssyncadd.s32 $0xFFFFE700;
	s17 =	sadd.s32 $0x0, s18  }
0xab: {  	[hbm4b:s17+s0] =	stream.linear.scatter [tilespmem:s25], [sflag:$0x7], $0x1900, $0x38;
	[tilespmem:$0x1F4C8] =	vst v63  }
0xac: {  	_ =	swait.ge [sflag:s31], $0x1900  }
0xad: {  	s19 =	rddreg [dreg:$0xb];
	[sflag:s31] =	ssyncset.done $0x0  }
0xae: {  	[sflag:s31] =	ssyncadd.s32 $0xFFFFE700;
	s17 =	sadd.s32 $0x0, s19  }
0xaf: {  	[hbm4b:s17+s0] =	stream.linear.scatter [tilespmem:s26], [sflag:$0x8], $0x1900, $0x38;
	[tilespmem:$0x1F4C8] =	vst v63  }
0xb0: {  	_ =	swait.ge [sflag:s5], $0x1900  }
0xb1: {  	s20 =	rddreg [dreg:$0xa];
	[sflag:s5] =	ssyncset.done $0x0  }
0xb2: {  	[sflag:s5] =	ssyncadd.s32 $0xFFFFE700;
	s17 =	sadd.s32 $0x0, s20  }
0xb3: {  	[hbm4b:s17+s0] =	stream.linear.scatter [tilespmem:s28], [sflag:$0x9], $0x1900, $0x38;
	[tilespmem:$0x1F4C8] =	vst v63  }
0xb4: {  	_ =	swait.ge [sflag:s7], $0x1900  }
0xb5: {  	s22 =	rddreg [dreg:$0x9];
	[sflag:s7] =	ssyncset.done $0x0  }
0xb6: {  	s23 =	simm.s32 $0x145C8;
	[sflag:s7] =	ssyncadd.s32 $0xFFFFE700;
	s17 =	sadd.s32 $0x0, s22  }
0xb7: {  	[hbm4b:s17+s0] =	stream.linear.scatter [tilespmem:s23], [sflag:$0xA], $0x1900, $0x38;
	[tilespmem:$0x1F4C8] =	vst v63  }
0xb8: {  	_ =	swait.ge [sflag:s6], $0x1900  }
0xb9: {  	s24 =	rddreg [dreg:$0x8];
	[sflag:s6] =	ssyncset.done $0x0  }
0xba: {  	s25 =	simm.s32 $0x15EC8;
	[sflag:s6] =	ssyncadd.s32 $0xFFFFE700;
	s17 =	sadd.s32 $0x0, s24  }
0xbb: {  	[hbm4b:s17+s0] =	stream.linear.scatter [tilespmem:s25], [sflag:$0xB], $0x1900, $0x38;
	[tilespmem:$0x1F4C8] =	vst v63  }
0xbc: {  	_ =	swait.ge [sflag:s9], $0x1900  }
0xbd: {  	s26 =	rddreg [dreg:$0x7];
	[sflag:s9] =	ssyncset.done $0x0  }
0xbe: {  	s28 =	simm.s32 $0x177C8;
	[sflag:s9] =	ssyncadd.s32 $0xFFFFE700;
	s17 =	sadd.s32 $0x0, s26  }
0xbf: {  	[hbm4b:s17+s0] =	stream.linear.scatter [tilespmem:s28], [sflag:$0xC], $0x1900, $0x38;
	[tilespmem:$0x1F4C8] =	vst v63  }
0xc0: {  	_ =	swait.ge [sflag:s30], $0x1900  }
0xc1: {  	s19 =	rddreg [dreg:$0x6];
	[sflag:s30] =	ssyncset.done $0x0  }
0xc2: {  	s20 =	simm.s32 $0x190C8;
	[sflag:s30] =	ssyncadd.s32 $0xFFFFE700;
	s17 =	sadd.s32 $0x0, s19  }
0xc3: {  	[hbm4b:s17+s0] =	stream.linear.scatter [tilespmem:s20], [sflag:$0xD], $0x1900, $0x38;
	[tilespmem:$0x1F4C8] =	vst v63  }
0xc4: {  	_ =	swait.ge [sflag:s29], $0x1900  }
0xc5: {  	s22 =	rddreg [dreg:$0x5];
	[sflag:s29] =	ssyncset.done $0x0  }
0xc6: {  	s23 =	simm.s32 $0x1A9C8;
	[sflag:s29] =	ssyncadd.s32 $0xFFFFE700;
	s17 =	sadd.s32 $0x0, s22  }
0xc7: {  	[hbm4b:s17+s0] =	stream.linear.scatter [tilespmem:s23], [sflag:$0xE], $0x1900, $0x38;
	[tilespmem:$0x1F4C8] =	vst v63  }
0xc8: {  	_ =	swait.ge [sflag:s2], $0x1900  }
0xc9: {  	s24 =	rddreg [dreg:$0x4];
	[sflag:s2] =	ssyncset.done $0x0  }
0xca: {  	s25 =	simm.s32 $0x1C2C8;
	[sflag:s2] =	ssyncadd.s32 $0xFFFFE700;
	s17 =	sadd.s32 $0x0, s24  }
0xcb: {  	[hbm4b:s17+s0] =	stream.linear.scatter [tilespmem:s25], [sflag:$0xF], $0x1900, $0x38;
	[tilespmem:$0x1F4C8] =	vst v63  }
0xcc: {  	_ =	swait.ge [sflag:s1], $0x1900  }
0xcd: {  	s26 =	rddreg [dreg:$0x3];
	[sflag:s1] =	ssyncset.done $0x0  }
0xce: {  	s28 =	simm.s32 $0x1DBC8;
	[sflag:s1] =	ssyncadd.s32 $0xFFFFE700;
	s17 =	sadd.s32 $0x0, s26  }
0xcf: {  	[hbm4b:s17+s0] =	stream.linear.scatter [tilespmem:s28], [sflag:$0x10], $0x1900, $0x38;
	[tilespmem:$0x1F4C8] =	vst v63  }
0xd0: {  	_ =	swait.ge [sflag:s8], $0x1900  }
0xd1: {  	[sflag:s8] =	ssyncset.done $0x0  }
0xd2: {  	[sflag:s8] =	ssyncadd.s32 $0xFFFFE700  }
0xd3: {  	_ =	swait.ge [sflag:s11], $0x1900  }
0xd4: {  	[sflag:s11] =	ssyncset.done $0x0  }
0xd5: {  	[sflag:s11] =	ssyncadd.s32 $0xFFFFE700  }
0xd6: {  	_ =	swait.ge [sflag:s12], $0x1900  }
0xd7: {  	[sflag:s12] =	ssyncset.done $0x0  }
0xd8: {  	[sflag:s12] =	ssyncadd.s32 $0xFFFFE700  }
0xd9: {  	_ =	swait.ge [sflag:s13], $0x1900  }
0xda: {  	[sflag:s13] =	ssyncset.done $0x0  }
0xdb: {  	[sflag:s13] =	ssyncadd.s32 $0xFFFFE700  }
0xdc: {  	_ =	swait.ge [sflag:s14], $0x1900  }
0xdd: {  	[sflag:s14] =	ssyncset.done $0x0  }
0xde: {  	[sflag:s14] =	ssyncadd.s32 $0xFFFFE700  }
0xdf: {  	_ =	swait.ge [sflag:s15], $0x1900  }
0xe0: {  	[sflag:s15] =	ssyncset.done $0x0  }
0xe1: {  	[sflag:s15] =	ssyncadd.s32 $0xFFFFE700  }
0xe2: {  	_ =	swait.ge [sflag:s16], $0x1900  }
0xe3: {  	[sflag:s16] =	ssyncset.done $0x0  }
0xe4: {  	[sflag:s16] =	ssyncadd.s32 $0xFFFFE700  }
0xe5: {  	_ =	swait.ge [sflag:s31], $0x1900  }
0xe6: {  	[sflag:s31] =	ssyncset.done $0x0  }
0xe7: {  	[sflag:s31] =	ssyncadd.s32 $0xFFFFE700  }
0xe8: {  	_ =	swait.ge [sflag:s5], $0x1900  }
0xe9: {  	[sflag:s5] =	ssyncset.done $0x0  }
0xea: {  	[sflag:s5] =	ssyncadd.s32 $0xFFFFE700  }
0xeb: {  	_ =	swait.ge [sflag:s7], $0x1900  }
0xec: {  	[sflag:s7] =	ssyncset.done $0x0  }
0xed: {  	[sflag:s7] =	ssyncadd.s32 $0xFFFFE700  }
0xee: {  	_ =	swait.ge [sflag:s6], $0x1900  }
0xef: {  	[sflag:s6] =	ssyncset.done $0x0  }
0xf0: {  	[sflag:s6] =	ssyncadd.s32 $0xFFFFE700  }
0xf1: {  	_ =	swait.ge [sflag:s9], $0x1900  }
0xf2: {  	[sflag:s9] =	ssyncset.done $0x0  }
0xf3: {  	[sflag:s9] =	ssyncadd.s32 $0xFFFFE700  }
0xf4: {  	_ =	swait.ge [sflag:s30], $0x1900  }
0xf5: {  	[sflag:s30] =	ssyncset.done $0x0  }
0xf6: {  	[sflag:s30] =	ssyncadd.s32 $0xFFFFE700  }
0xf7: {  	_ =	swait.ge [sflag:s29], $0x1900  }
0xf8: {  	[sflag:s29] =	ssyncset.done $0x0  }
0xf9: {  	[sflag:s29] =	ssyncadd.s32 $0xFFFFE700  }
0xfa: {  	_ =	swait.ge [sflag:s2], $0x1900  }
0xfb: {  	[sflag:s2] =	ssyncset.done $0x0  }
0xfc: {  	[sflag:s2] =	ssyncadd.s32 $0xFFFFE700  }
0xfd: {  	_ =	swait.ge [sflag:s1], $0x1900  }
0xfe: {  	s18 =	simm.s32 $0x6400;
	s17 =	simm.s32 $0x3200;
	[sflag:s1] =	ssyncset.done $0x0  }
.LBB2_2:
0xff: {  	s1 =	simm.s32 $0x10  }
0x100: {  	s20 =	sshra.s32 s17, $0x2;
	s22 =	simm.s32 $0x64C8;
	[sflag:s1] =	ssyncadd.s32 $0xFFFFE700  }
0x101: {  	[tilespmem:s22], [sflag:$0x1] =	stream.indirect.gather [hbm4b:s3+s10], $0x20, s20, s10, $0xb8;
	[tilespmem:$0x1F4C8] =	vst v63  }
0x102: {  	s23 =	simm.s32 $0x7DC8;
	s7 =	sadd.s32 $0xC8, s20  }
0x103: {  	[tilespmem:s23], [sflag:$0x2] =	stream.indirect.gather [hbm4b:s3+s10], $0x20, s7, s10, $0xb8;
	[tilespmem:$0x1F4C8] =	vst v63  }
0x104: {  	s24 =	simm.s32 $0x96C8;
	s8 =	sadd.s32 $0x190, s20  }
0x105: {  	[tilespmem:s24], [sflag:$0x3] =	stream.indirect.gather [hbm4b:s3+s10], $0x20, s8, s10, $0xb8;
	[tilespmem:$0x1F4C8] =	vst v63  }
0x106: {  	s25 =	simm.s32 $0xAFC8;
	s9 =	sadd.s32 $0x258, s20  }
0x107: {  	[tilespmem:s25], [sflag:$0x4] =	stream.indirect.gather [hbm4b:s3+s10], $0x20, s9, s10, $0xb8;
	[tilespmem:$0x1F4C8] =	vst v63  }
0x108: {  	s26 =	simm.s32 $0xC8C8;
	s11 =	sadd.s32 $0x320, s20  }
0x109: {  	[tilespmem:s26], [sflag:$0x5] =	stream.indirect.gather [hbm4b:s3+s10], $0x20, s11, s10, $0xb8;
	[tilespmem:$0x1F4C8] =	vst v63  }
0x10a: {  	s28 =	simm.s32 $0xE1C8;
	s12 =	sadd.s32 $0x3E8, s20  }
0x10b: {  	[tilespmem:s28], [sflag:$0x6] =	stream.indirect.gather [hbm4b:s3+s10], $0x20, s12, s10, $0xb8;
	[tilespmem:$0x1F4C8] =	vst v63  }
0x10c: {  	s19 =	simm.s32 $0xFAC8;
	s13 =	sadd.s32 $0x4B0, s20  }
0x10d: {  	[tilespmem:s19], [sflag:$0x7] =	stream.indirect.gather [hbm4b:s3+s10], $0x20, s13, s10, $0xb8;
	[tilespmem:$0x1F4C8] =	vst v63  }
0x10e: {  	s0 =	smov.u32 s18;
	s15 =	simm.s32 $0x113C8;
	s14 =	sadd.s32 $0x578, s20  }
0x10f: {  	[tilespmem:s15], [sflag:$0x8] =	stream.indirect.gather [hbm4b:s3+s10], $0x20, s14, s10, $0xb8;
	[tilespmem:$0x1F4C8] =	vst v63  }
0x110: {  	s6 =	sadd.s32 $0x3200, s18;
	s29 =	simm.s32 $0x12CC8;
	s16 =	sadd.s32 $0x640, s20  }
0x111: {  	[tilespmem:s29], [sflag:$0x9] =	stream.indirect.gather [hbm4b:s3+s10], $0x20, s16, s10, $0xb8;
	[tilespmem:$0x1F4C8] =	vst v63  }
0x112: {  	s31 =	simm.s32 $0x145C8;
	[dreg:$0x14] =	wrdreg s0;
	s30 =	sadd.s32 $0x708, s20  }
0x113: {  	[tilespmem:s31], [sflag:$0xA] =	stream.indirect.gather [hbm4b:s3+s10], $0x20, s30, s10, $0xb8;
	[tilespmem:$0x1F4C8] =	vst v63  }
0x114: {  	[dreg:$0x13] =	wrdreg s6;
	s0 =	sadd.s32 $0x7D0, s20;
	s6 =	simm.s32 $0x15EC8  }
0x115: {  	[tilespmem:s6], [sflag:$0xB] =	stream.indirect.gather [hbm4b:s3+s10], $0x20, s0, s10, $0xb8;
	[tilespmem:$0x1F4C8] =	vst v63  }
0x116: {  	s8 =	sadd.s32 $0x898, s20;
	s9 =	simm.s32 $0x177C8  }
0x117: {  	[tilespmem:s9], [sflag:$0xC] =	stream.indirect.gather [hbm4b:s3+s10], $0x20, s8, s10, $0xb8;
	[tilespmem:$0x1F4C8] =	vst v63  }
0x118: {  	s11 =	sadd.s32 $0x960, s20;
	s12 =	simm.s32 $0x190C8  }
0x119: {  	[tilespmem:s12], [sflag:$0xD] =	stream.indirect.gather [hbm4b:s3+s10], $0x20, s11, s10, $0xb8;
	[tilespmem:$0x1F4C8] =	vst v63  }
0x11a: {  	s13 =	sadd.s32 $0xA28, s20;
	s14 =	simm.s32 $0x1A9C8  }
0x11b: {  	[tilespmem:s14], [sflag:$0xE] =	stream.indirect.gather [hbm4b:s3+s10], $0x20, s13, s10, $0xb8;
	[tilespmem:$0x1F4C8] =	vst v63  }
0x11c: {  	s15 =	sadd.s32 $0xAF0, s20;
	s16 =	simm.s32 $0x1C2C8  }
0x11d: {  	[tilespmem:s16], [sflag:$0xF] =	stream.indirect.gather [hbm4b:s3+s10], $0x20, s15, s10, $0xb8;
	[tilespmem:$0x1F4C8] =	vst v63  }
0x11e: {  	s8 =	sadd.s32 $0xBB8, s20;
	s20 =	simm.s32 $0x1DBC8  }
0x11f: {  	[tilespmem:s20], [sflag:$0x10] =	stream.indirect.gather [hbm4b:s3+s10], $0x20, s8, s10, $0xb8;
	[tilespmem:$0x1F4C8] =	vst v63  }
0x120: {  	s8 =	simm.s32 $0x1  }
0x121: {  	_ =	swait.ge [sflag:s8], $0x1900  }
0x122: {  	[sflag:s8] =	ssyncset.done $0x0  }
0x123: {  	s11 =	simm.s32 $0x2;
	[sflag:s8] =	ssyncadd.s32 $0xFFFFE700  }
0x124: {  	[tilespmem:s22], [sflag:$0x1] =	stream.indirect.gather.add.f32 [hbm:s4], $0x20, s21, s10, $0xb8;
	[tilespmem:$0x1F4C8] =	vst v63  }
0x125: {  	_ =	swait.ge [sflag:s11], $0x1900  }
0x126: {  	[sflag:s11] =	ssyncset.done $0x0  }
0x127: {  	s12 =	simm.s32 $0x3;
	[sflag:s11] =	ssyncadd.s32 $0xFFFFE700  }
0x128: {  	[tilespmem:s23], [sflag:$0x2] =	stream.indirect.gather.add.f32 [hbm:s4], $0x20, s21, s10, $0xb8;
	[tilespmem:$0x1F4C8] =	vst v63  }
0x129: {  	_ =	swait.ge [sflag:s12], $0x1900  }
0x12a: {  	[sflag:s12] =	ssyncset.done $0x0  }
0x12b: {  	s13 =	simm.s32 $0x4;
	[sflag:s12] =	ssyncadd.s32 $0xFFFFE700  }
0x12c: {  	[tilespmem:s24], [sflag:$0x3] =	stream.indirect.gather.add.f32 [hbm:s4], $0x20, s21, s10, $0xb8;
	[tilespmem:$0x1F4C8] =	vst v63  }
0x12d: {  	_ =	swait.ge [sflag:s13], $0x1900  }
0x12e: {  	[sflag:s13] =	ssyncset.done $0x0  }
0x12f: {  	s14 =	simm.s32 $0x5;
	[sflag:s13] =	ssyncadd.s32 $0xFFFFE700  }
0x130: {  	[tilespmem:s25], [sflag:$0x4] =	stream.indirect.gather.add.f32 [hbm:s4], $0x20, s21, s10, $0xb8;
	[tilespmem:$0x1F4C8] =	vst v63  }
0x131: {  	_ =	swait.ge [sflag:s14], $0x1900  }
0x132: {  	[sflag:s14] =	ssyncset.done $0x0  }
0x133: {  	s15 =	simm.s32 $0x6;
	[sflag:s14] =	ssyncadd.s32 $0xFFFFE700  }
0x134: {  	[tilespmem:s26], [sflag:$0x5] =	stream.indirect.gather.add.f32 [hbm:s4], $0x20, s21, s10, $0xb8;
	[tilespmem:$0x1F4C8] =	vst v63  }
0x135: {  	_ =	swait.ge [sflag:s15], $0x1900  }
0x136: {  	[sflag:s15] =	ssyncset.done $0x0  }
0x137: {  	s16 =	simm.s32 $0x7;
	[sflag:s15] =	ssyncadd.s32 $0xFFFFE700  }
0x138: {  	[tilespmem:s28], [sflag:$0x6] =	stream.indirect.gather.add.f32 [hbm:s4], $0x20, s21, s10, $0xb8;
	[tilespmem:$0x1F4C8] =	vst v63  }
0x139: {  	_ =	swait.ge [sflag:s16], $0x1900  }
0x13a: {  	[sflag:s16] =	ssyncset.done $0x0  }
0x13b: {  	s0 =	simm.s32 $0x8;
	[sflag:s16] =	ssyncadd.s32 $0xFFFFE700  }
0x13c: {  	[tilespmem:s19], [sflag:$0x7] =	stream.indirect.gather.add.f32 [hbm:s4], $0x20, s21, s10, $0xb8;
	[tilespmem:$0x1F4C8] =	vst v63  }
0x13d: {  	_ =	swait.ge [sflag:s0], $0x1900  }
0x13e: {  	[sflag:s0] =	ssyncset.done $0x0  }
0x13f: {  	s2 =	simm.s32 $0x113C8;
	[sflag:s0] =	ssyncadd.s32 $0xFFFFE700  }
0x140: {  	[tilespmem:s2], [sflag:$0x8] =	stream.indirect.gather.add.f32 [hbm:s4], $0x20, s21, s10, $0xb8;
	[tilespmem:$0x1F4C8] =	vst v63  }
0x141: {  	s2 =	simm.s32 $0x9  }
0x142: {  	_ =	swait.ge [sflag:s2], $0x1900  }
0x143: {  	[sflag:s2] =	ssyncset.done $0x0  }
0x144: {  	s7 =	simm.s32 $0x12CC8;
	[sflag:s2] =	ssyncadd.s32 $0xFFFFE700  }
0x145: {  	[tilespmem:s7], [sflag:$0x9] =	stream.indirect.gather.add.f32 [hbm:s4], $0x20, s21, s10, $0xb8;
	[tilespmem:$0x1F4C8] =	vst v63  }
0x146: {  	s7 =	simm.s32 $0xA  }
0x147: {  	_ =	swait.ge [sflag:s7], $0x1900  }
0x148: {  	[sflag:s7] =	ssyncset.done $0x0  }
0x149: {  	s5 =	simm.s32 $0x145C8;
	[sflag:s7] =	ssyncadd.s32 $0xFFFFE700  }
0x14a: {  	[tilespmem:s5], [sflag:$0xA] =	stream.indirect.gather.add.f32 [hbm:s4], $0x20, s21, s10, $0xb8;
	[tilespmem:$0x1F4C8] =	vst v63  }
0x14b: {  	s5 =	simm.s32 $0xB  }
0x14c: {  	_ =	swait.ge [sflag:s5], $0x1900  }
0x14d: {  	[sflag:s5] =	ssyncset.done $0x0  }
0x14e: {  	s31 =	simm.s32 $0x15EC8;
	[sflag:s5] =	ssyncadd.s32 $0xFFFFE700  }
0x14f: {  	[tilespmem:s31], [sflag:$0xB] =	stream.indirect.gather.add.f32 [hbm:s4], $0x20, s21, s10, $0xb8;
	[tilespmem:$0x1F4C8] =	vst v63  }
0x150: {  	s31 =	simm.s32 $0xC  }
0x151: {  	_ =	swait.ge [sflag:s31], $0x1900  }
0x152: {  	[sflag:s31] =	ssyncset.done $0x0  }
0x153: {  	s30 =	simm.s32 $0x177C8;
	[sflag:s31] =	ssyncadd.s32 $0xFFFFE700  }
0x154: {  	[tilespmem:s30], [sflag:$0xC] =	stream.indirect.gather.add.f32 [hbm:s4], $0x20, s21, s10, $0xb8;
	[tilespmem:$0x1F4C8] =	vst v63  }
0x155: {  	s30 =	simm.s32 $0xD  }
0x156: {  	_ =	swait.ge [sflag:s30], $0x1900  }
0x157: {  	[sflag:s30] =	ssyncset.done $0x0  }
0x158: {  	s29 =	simm.s32 $0x190C8;
	[sflag:s30] =	ssyncadd.s32 $0xFFFFE700  }
0x159: {  	[tilespmem:s29], [sflag:$0xD] =	stream.indirect.gather.add.f32 [hbm:s4], $0x20, s21, s10, $0xb8;
	[tilespmem:$0x1F4C8] =	vst v63  }
0x15a: {  	s29 =	simm.s32 $0xE  }
0x15b: {  	_ =	swait.ge [sflag:s29], $0x1900  }
0x15c: {  	[sflag:s29] =	ssyncset.done $0x0  }
0x15d: {  	s6 =	simm.s32 $0x1A9C8;
	[sflag:s29] =	ssyncadd.s32 $0xFFFFE700  }
0x15e: {  	[tilespmem:s6], [sflag:$0xE] =	stream.indirect.gather.add.f32 [hbm:s4], $0x20, s21, s10, $0xb8;
	[tilespmem:$0x1F4C8] =	vst v63  }
0x15f: {  	s6 =	simm.s32 $0xF  }
0x160: {  	_ =	swait.ge [sflag:s6], $0x1900  }
0x161: {  	[sflag:s6] =	ssyncset.done $0x0  }
0x162: {  	s9 =	simm.s32 $0x1C2C8;
	[sflag:s6] =	ssyncadd.s32 $0xFFFFE700  }
0x163: {  	[tilespmem:s9], [sflag:$0xF] =	stream.indirect.gather.add.f32 [hbm:s4], $0x20, s21, s10, $0xb8;
	[tilespmem:$0x1F4C8] =	vst v63  }
0x164: {  	_ =	swait.ge [sflag:s1], $0x1900  }
0x165: {  	[sflag:s1] =	ssyncset.done $0x0  }
0x166: {  	[sflag:s1] =	ssyncadd.s32 $0xFFFFE700  }
0x167: {  	[tilespmem:s20], [sflag:$0x10] =	stream.indirect.gather.add.f32 [hbm:s4], $0x20, s21, s10, $0xb8;
	[tilespmem:$0x1F4C8] =	vst v63  }
0x168: {  	_ =	swait.ge [sflag:s8], $0x1900  }
0x169: {  	p0 =	sne.s32 s18, $0x15E00;
	s9 =	rddreg [dreg:$0x12];
	[sflag:s8] =	ssyncset.done $0x0  }
0x16a: {  	[sflag:s8] =	ssyncadd.s32 $0xFFFFE700;
	s18 =	sadd.s32 s17, s9;
	s9 =	simm.s32 $0x0  }
0x16b: {  	[hbm4b:s18+s9] =	stream.linear.scatter [tilespmem:s22], [sflag:$0x1], $0x1900, $0x38;
	[tilespmem:$0x1F4C8] =	vst v63  }
0x16c: {  	_ =	swait.ge [sflag:s11], $0x1900  }
0x16d: {  	s22 =	rddreg [dreg:$0x11];
	[sflag:s11] =	ssyncset.done $0x0  }
0x16e: {  	[sflag:s11] =	ssyncadd.s32 $0xFFFFE700;
	s18 =	sadd.s32 s17, s22  }
0x16f: {  	[hbm4b:s18+s9] =	stream.linear.scatter [tilespmem:s23], [sflag:$0x2], $0x1900, $0x38;
	[tilespmem:$0x1F4C8] =	vst v63  }
0x170: {  	_ =	swait.ge [sflag:s12], $0x1900  }
0x171: {  	s23 =	rddreg [dreg:$0x10];
	[sflag:s12] =	ssyncset.done $0x0  }
0x172: {  	[sflag:s12] =	ssyncadd.s32 $0xFFFFE700;
	s18 =	sadd.s32 s17, s23  }
0x173: {  	[hbm4b:s18+s9] =	stream.linear.scatter [tilespmem:s24], [sflag:$0x3], $0x1900, $0x38;
	[tilespmem:$0x1F4C8] =	vst v63  }
0x174: {  	_ =	swait.ge [sflag:s13], $0x1900  }
0x175: {  	s24 =	rddreg [dreg:$0xf];
	[sflag:s13] =	ssyncset.done $0x0  }
0x176: {  	[sflag:s13] =	ssyncadd.s32 $0xFFFFE700;
	s18 =	sadd.s32 s17, s24  }
0x177: {  	[hbm4b:s18+s9] =	stream.linear.scatter [tilespmem:s25], [sflag:$0x4], $0x1900, $0x38;
	[tilespmem:$0x1F4C8] =	vst v63  }
0x178: {  	_ =	swait.ge [sflag:s14], $0x1900  }
0x179: {  	s25 =	rddreg [dreg:$0xe];
	[sflag:s14] =	ssyncset.done $0x0  }
0x17a: {  	[sflag:s14] =	ssyncadd.s32 $0xFFFFE700;
	s18 =	sadd.s32 s17, s25  }
0x17b: {  	[hbm4b:s18+s9] =	stream.linear.scatter [tilespmem:s26], [sflag:$0x5], $0x1900, $0x38;
	[tilespmem:$0x1F4C8] =	vst v63  }
0x17c: {  	_ =	swait.ge [sflag:s15], $0x1900  }
0x17d: {  	s26 =	rddreg [dreg:$0xd];
	[sflag:s15] =	ssyncset.done $0x0  }
0x17e: {  	[sflag:s15] =	ssyncadd.s32 $0xFFFFE700;
	s18 =	sadd.s32 s17, s26  }
0x17f: {  	[hbm4b:s18+s9] =	stream.linear.scatter [tilespmem:s28], [sflag:$0x6], $0x1900, $0x38;
	[tilespmem:$0x1F4C8] =	vst v63  }
0x180: {  	_ =	swait.ge [sflag:s16], $0x1900  }
0x181: {  	s28 =	rddreg [dreg:$0xc];
	[sflag:s16] =	ssyncset.done $0x0  }
0x182: {  	[sflag:s16] =	ssyncadd.s32 $0xFFFFE700;
	s18 =	sadd.s32 s17, s28  }
0x183: {  	[hbm4b:s18+s9] =	stream.linear.scatter [tilespmem:s19], [sflag:$0x7], $0x1900, $0x38;
	[tilespmem:$0x1F4C8] =	vst v63  }
0x184: {  	_ =	swait.ge [sflag:s0], $0x1900  }
0x185: {  	s22 =	rddreg [dreg:$0xb];
	[sflag:s0] =	ssyncset.done $0x0  }
0x186: {  	s23 =	simm.s32 $0x113C8;
	[sflag:s0] =	ssyncadd.s32 $0xFFFFE700;
	s18 =	sadd.s32 s17, s22  }
0x187: {  	[hbm4b:s18+s9] =	stream.linear.scatter [tilespmem:s23], [sflag:$0x8], $0x1900, $0x38;
	[tilespmem:$0x1F4C8] =	vst v63  }
0x188: {  	_ =	swait.ge [sflag:s2], $0x1900  }
0x189: {  	s24 =	rddreg [dreg:$0xa];
	[sflag:s2] =	ssyncset.done $0x0  }
0x18a: {  	s25 =	simm.s32 $0x12CC8;
	[sflag:s2] =	ssyncadd.s32 $0xFFFFE700;
	s18 =	sadd.s32 s17, s24  }
0x18b: {  	[hbm4b:s18+s9] =	stream.linear.scatter [tilespmem:s25], [sflag:$0x9], $0x1900, $0x38;
	[tilespmem:$0x1F4C8] =	vst v63  }
0x18c: {  	_ =	swait.ge [sflag:s7], $0x1900  }
0x18d: {  	s26 =	rddreg [dreg:$0x9];
	[sflag:s7] =	ssyncset.done $0x0  }
0x18e: {  	s28 =	simm.s32 $0x145C8;
	[sflag:s7] =	ssyncadd.s32 $0xFFFFE700;
	s18 =	sadd.s32 s17, s26  }
0x18f: {  	[hbm4b:s18+s9] =	stream.linear.scatter [tilespmem:s28], [sflag:$0xA], $0x1900, $0x38;
	[tilespmem:$0x1F4C8] =	vst v63  }
0x190: {  	_ =	swait.ge [sflag:s5], $0x1900  }
0x191: {  	s22 =	rddreg [dreg:$0x8];
	[sflag:s5] =	ssyncset.done $0x0  }
0x192: {  	s23 =	simm.s32 $0x15EC8;
	[sflag:s5] =	ssyncadd.s32 $0xFFFFE700;
	s18 =	sadd.s32 s17, s22  }
0x193: {  	[hbm4b:s18+s9] =	stream.linear.scatter [tilespmem:s23], [sflag:$0xB], $0x1900, $0x38;
	[tilespmem:$0x1F4C8] =	vst v63  }
0x194: {  	_ =	swait.ge [sflag:s31], $0x1900  }
0x195: {  	s24 =	rddreg [dreg:$0x7];
	[sflag:s31] =	ssyncset.done $0x0  }
0x196: {  	s25 =	simm.s32 $0x177C8;
	[sflag:s31] =	ssyncadd.s32 $0xFFFFE700;
	s18 =	sadd.s32 s17, s24  }
0x197: {  	[hbm4b:s18+s9] =	stream.linear.scatter [tilespmem:s25], [sflag:$0xC], $0x1900, $0x38;
	[tilespmem:$0x1F4C8] =	vst v63  }
0x198: {  	_ =	swait.ge [sflag:s30], $0x1900  }
0x199: {  	s26 =	rddreg [dreg:$0x6];
	[sflag:s30] =	ssyncset.done $0x0  }
0x19a: {  	s28 =	simm.s32 $0x190C8;
	[sflag:s30] =	ssyncadd.s32 $0xFFFFE700;
	s18 =	sadd.s32 s17, s26  }
0x19b: {  	[hbm4b:s18+s9] =	stream.linear.scatter [tilespmem:s28], [sflag:$0xD], $0x1900, $0x38;
	[tilespmem:$0x1F4C8] =	vst v63  }
0x19c: {  	_ =	swait.ge [sflag:s29], $0x1900  }
0x19d: {  	s22 =	rddreg [dreg:$0x5];
	[sflag:s29] =	ssyncset.done $0x0  }
0x19e: {  	s23 =	simm.s32 $0x1A9C8;
	[sflag:s29] =	ssyncadd.s32 $0xFFFFE700;
	s18 =	sadd.s32 s17, s22  }
0x19f: {  	[hbm4b:s18+s9] =	stream.linear.scatter [tilespmem:s23], [sflag:$0xE], $0x1900, $0x38;
	[tilespmem:$0x1F4C8] =	vst v63  }
0x1a0: {  	_ =	swait.ge [sflag:s6], $0x1900  }
0x1a1: {  	s24 =	rddreg [dreg:$0x4];
	[sflag:s6] =	ssyncset.done $0x0  }
0x1a2: {  	s25 =	simm.s32 $0x1C2C8;
	[sflag:s6] =	ssyncadd.s32 $0xFFFFE700;
	s18 =	sadd.s32 s17, s24  }
0x1a3: {  	[hbm4b:s18+s9] =	stream.linear.scatter [tilespmem:s25], [sflag:$0xF], $0x1900, $0x38;
	[tilespmem:$0x1F4C8] =	vst v63  }
0x1a4: {  	_ =	swait.ge [sflag:s1], $0x1900  }
0x1a5: {  	s26 =	rddreg [dreg:$0x3];
	[sflag:s1] =	ssyncset.done $0x0  }
0x1a6: {  	[sflag:s1] =	ssyncadd.s32 $0xFFFFE700;
	s18 =	sadd.s32 s17, s26  }
0x1a7: {  	[hbm4b:s18+s9] =	stream.linear.scatter [tilespmem:s20], [sflag:$0x10], $0x1900, $0x38;
	[tilespmem:$0x1F4C8] =	vst v63  }
0x1a8: {  	s28 =	rddreg [dreg:$0x14];
	_ =	swait.ge [sflag:s8], $0x1900  }
0x1a9: {  	[sflag:s8] =	ssyncset.done $0x0  }
0x1aa: {  	[sflag:s8] =	ssyncadd.s32 $0xFFFFE700  }
0x1ab: {  	_ =	swait.ge [sflag:s11], $0x1900  }
0x1ac: {  	[sflag:s11] =	ssyncset.done $0x0  }
0x1ad: {  	[sflag:s11] =	ssyncadd.s32 $0xFFFFE700  }
0x1ae: {  	_ =	swait.ge [sflag:s12], $0x1900  }
0x1af: {  	[sflag:s12] =	ssyncset.done $0x0  }
0x1b0: {  	[sflag:s12] =	ssyncadd.s32 $0xFFFFE700  }
0x1b1: {  	_ =	swait.ge [sflag:s13], $0x1900  }
0x1b2: {  	[sflag:s13] =	ssyncset.done $0x0  }
0x1b3: {  	[sflag:s13] =	ssyncadd.s32 $0xFFFFE700  }
0x1b4: {  	_ =	swait.ge [sflag:s14], $0x1900  }
0x1b5: {  	[sflag:s14] =	ssyncset.done $0x0  }
0x1b6: {  	[sflag:s14] =	ssyncadd.s32 $0xFFFFE700  }
0x1b7: {  	_ =	swait.ge [sflag:s15], $0x1900  }
0x1b8: {  	[sflag:s15] =	ssyncset.done $0x0  }
0x1b9: {  	[sflag:s15] =	ssyncadd.s32 $0xFFFFE700  }
0x1ba: {  	_ =	swait.ge [sflag:s16], $0x1900  }
0x1bb: {  	[sflag:s16] =	ssyncset.done $0x0  }
0x1bc: {  	[sflag:s16] =	ssyncadd.s32 $0xFFFFE700  }
0x1bd: {  	_ =	swait.ge [sflag:s0], $0x1900  }
0x1be: {  	[sflag:s0] =	ssyncset.done $0x0  }
0x1bf: {  	[sflag:s0] =	ssyncadd.s32 $0xFFFFE700  }
0x1c0: {  	_ =	swait.ge [sflag:s2], $0x1900  }
0x1c1: {  	[sflag:s2] =	ssyncset.done $0x0  }
0x1c2: {  	[sflag:s2] =	ssyncadd.s32 $0xFFFFE700  }
0x1c3: {  	_ =	swait.ge [sflag:s7], $0x1900  }
0x1c4: {  	[sflag:s7] =	ssyncset.done $0x0  }
0x1c5: {  	[sflag:s7] =	ssyncadd.s32 $0xFFFFE700  }
0x1c6: {  	_ =	swait.ge [sflag:s5], $0x1900  }
0x1c7: {  	[sflag:s5] =	ssyncset.done $0x0  }
0x1c8: {  	[sflag:s5] =	ssyncadd.s32 $0xFFFFE700  }
0x1c9: {  	_ =	swait.ge [sflag:s31], $0x1900  }
0x1ca: {  	[sflag:s31] =	ssyncset.done $0x0  }
0x1cb: {  	[sflag:s31] =	ssyncadd.s32 $0xFFFFE700  }
0x1cc: {  	_ =	swait.ge [sflag:s30], $0x1900  }
0x1cd: {  	[sflag:s30] =	ssyncset.done $0x0  }
0x1ce: {  	[sflag:s30] =	ssyncadd.s32 $0xFFFFE700  }
0x1cf: {  	_ =	swait.ge [sflag:s29], $0x1900  }
0x1d0: {  	[sflag:s29] =	ssyncset.done $0x0  }
0x1d1: {  	[sflag:s29] =	ssyncadd.s32 $0xFFFFE700  }
.Ltmp0:
0x1d2: {  	_ =	swait.ge [sflag:s6], $0x1900;
	(pc) =	sbr.rel @p0 .LBB2_2-.Ltmp0, $4  }
0x1d3: {  	[sflag:s6] =	ssyncset.done $0x0  }
0x1d4: {  	[sflag:s6] =	ssyncadd.s32 $0xFFFFE700  }
0x1d5: {  	_ =	swait.ge [sflag:s1], $0x1900  }
0x1d6: {  	s17 =	smov.u32 s28;
	[sflag:s1] =	ssyncset.done $0x0;
	s18 =	rddreg [dreg:$0x13]  }
0x1d7: {  	s1 =	simm.s32 $0x10  }
0x1d8: {  	s18 =	sshra.s32 s17, $0x2;
	s20 =	simm.s32 $0x64C8;
	[sflag:s1] =	ssyncadd.s32 $0xFFFFE700  }
0x1d9: {  	[tilespmem:s20], [sflag:$0x1] =	stream.indirect.gather [hbm4b:s3+s10], $0x20, s18, s10, $0xb8;
	[tilespmem:$0x1F4C8] =	vst v63  }
0x1da: {  	s26 =	simm.s32 $0x7DC8;
	s19 =	sadd.s32 $0xC8, s18  }
0x1db: {  	[tilespmem:s26], [sflag:$0x2] =	stream.indirect.gather [hbm4b:s3+s10], $0x20, s19, s10, $0xb8;
	[tilespmem:$0x1F4C8] =	vst v63  }
0x1dc: {  	s22 =	simm.s32 $0x96C8;
	s9 =	sadd.s32 $0x190, s18  }
0x1dd: {  	[tilespmem:s22], [sflag:$0x3] =	stream.indirect.gather [hbm4b:s3+s10], $0x20, s9, s10, $0xb8;
	[tilespmem:$0x1F4C8] =	vst v63  }
0x1de: {  	s23 =	simm.s32 $0xAFC8;
	s11 =	sadd.s32 $0x258, s18  }
0x1df: {  	[tilespmem:s23], [sflag:$0x4] =	stream.indirect.gather [hbm4b:s3+s10], $0x20, s11, s10, $0xb8;
	[tilespmem:$0x1F4C8] =	vst v63  }
0x1e0: {  	s24 =	simm.s32 $0xC8C8;
	s12 =	sadd.s32 $0x320, s18  }
0x1e1: {  	[tilespmem:s24], [sflag:$0x5] =	stream.indirect.gather [hbm4b:s3+s10], $0x20, s12, s10, $0xb8;
	[tilespmem:$0x1F4C8] =	vst v63  }
0x1e2: {  	s25 =	simm.s32 $0xE1C8;
	s13 =	sadd.s32 $0x3E8, s18  }
0x1e3: {  	[tilespmem:s25], [sflag:$0x6] =	stream.indirect.gather [hbm4b:s3+s10], $0x20, s13, s10, $0xb8;
	[tilespmem:$0x1F4C8] =	vst v63  }
0x1e4: {  	s28 =	simm.s32 $0xFAC8;
	s14 =	sadd.s32 $0x4B0, s18  }
0x1e5: {  	[tilespmem:s28], [sflag:$0x7] =	stream.indirect.gather [hbm4b:s3+s10], $0x20, s14, s10, $0xb8;
	[tilespmem:$0x1F4C8] =	vst v63  }
0x1e6: {  	s0 =	simm.s32 $0x113C8;
	s15 =	sadd.s32 $0x578, s18  }
0x1e7: {  	[tilespmem:s0], [sflag:$0x8] =	stream.indirect.gather [hbm4b:s3+s10], $0x20, s15, s10, $0xb8;
	[tilespmem:$0x1F4C8] =	vst v63  }
0x1e8: {  	s29 =	simm.s32 $0x12CC8;
	s16 =	sadd.s32 $0x640, s18  }
0x1e9: {  	[tilespmem:s29], [sflag:$0x9] =	stream.indirect.gather [hbm4b:s3+s10], $0x20, s16, s10, $0xb8;
	[tilespmem:$0x1F4C8] =	vst v63  }
0x1ea: {  	s31 =	simm.s32 $0x145C8;
	s30 =	sadd.s32 $0x708, s18  }
0x1eb: {  	[tilespmem:s31], [sflag:$0xA] =	stream.indirect.gather [hbm4b:s3+s10], $0x20, s30, s10, $0xb8;
	[tilespmem:$0x1F4C8] =	vst v63  }
0x1ec: {  	s2 =	simm.s32 $0x15EC8;
	s0 =	sadd.s32 $0x7D0, s18  }
0x1ed: {  	[tilespmem:s2], [sflag:$0xB] =	stream.indirect.gather [hbm4b:s3+s10], $0x20, s0, s10, $0xb8;
	[tilespmem:$0x1F4C8] =	vst v63  }
0x1ee: {  	s8 =	sadd.s32 $0x898, s18;
	s9 =	simm.s32 $0x177C8  }
0x1ef: {  	[tilespmem:s9], [sflag:$0xC] =	stream.indirect.gather [hbm4b:s3+s10], $0x20, s8, s10, $0xb8;
	[tilespmem:$0x1F4C8] =	vst v63  }
0x1f0: {  	s11 =	sadd.s32 $0x960, s18;
	s12 =	simm.s32 $0x190C8  }
0x1f1: {  	[tilespmem:s12], [sflag:$0xD] =	stream.indirect.gather [hbm4b:s3+s10], $0x20, s11, s10, $0xb8;
	[tilespmem:$0x1F4C8] =	vst v63  }
0x1f2: {  	s13 =	sadd.s32 $0xA28, s18;
	s14 =	simm.s32 $0x1A9C8  }
0x1f3: {  	[tilespmem:s14], [sflag:$0xE] =	stream.indirect.gather [hbm4b:s3+s10], $0x20, s13, s10, $0xb8;
	[tilespmem:$0x1F4C8] =	vst v63  }
0x1f4: {  	s15 =	sadd.s32 $0xAF0, s18;
	s16 =	simm.s32 $0x1C2C8  }
0x1f5: {  	[tilespmem:s16], [sflag:$0xF] =	stream.indirect.gather [hbm4b:s3+s10], $0x20, s15, s10, $0xb8;
	[tilespmem:$0x1F4C8] =	vst v63  }
0x1f6: {  	s19 =	simm.s32 $0x1DBC8;
	s18 =	sadd.s32 $0xBB8, s18;
	s9 =	simm.s32 $0x1  }
0x1f7: {  	[tilespmem:s19], [sflag:$0x10] =	stream.indirect.gather [hbm4b:s3+s10], $0x20, s18, s10, $0xb8;
	[tilespmem:$0x1F4C8] =	vst v63  }
0x1f8: {  	_ =	swait.ge [sflag:s9], $0x1900  }
0x1f9: {  	[sflag:s9] =	ssyncset.done $0x0  }
0x1fa: {  	s11 =	simm.s32 $0x2;
	[sflag:s9] =	ssyncadd.s32 $0xFFFFE700  }
0x1fb: {  	[tilespmem:s20], [sflag:$0x1] =	stream.indirect.gather.add.f32 [hbm:s4], $0x20, s21, s10, $0xb8;
	[tilespmem:$0x1F4C8] =	vst v63  }
0x1fc: {  	_ =	swait.ge [sflag:s11], $0x1900  }
0x1fd: {  	[sflag:s11] =	ssyncset.done $0x0  }
0x1fe: {  	s12 =	simm.s32 $0x3;
	[sflag:s11] =	ssyncadd.s32 $0xFFFFE700  }
0x1ff: {  	[tilespmem:s26], [sflag:$0x2] =	stream.indirect.gather.add.f32 [hbm:s4], $0x20, s21, s10, $0xb8;
	[tilespmem:$0x1F4C8] =	vst v63  }
0x200: {  	_ =	swait.ge [sflag:s12], $0x1900  }
0x201: {  	[sflag:s12] =	ssyncset.done $0x0  }
0x202: {  	s13 =	simm.s32 $0x4;
	[sflag:s12] =	ssyncadd.s32 $0xFFFFE700  }
0x203: {  	[tilespmem:s22], [sflag:$0x3] =	stream.indirect.gather.add.f32 [hbm:s4], $0x20, s21, s10, $0xb8;
	[tilespmem:$0x1F4C8] =	vst v63  }
0x204: {  	_ =	swait.ge [sflag:s13], $0x1900  }
0x205: {  	[sflag:s13] =	ssyncset.done $0x0  }
0x206: {  	s14 =	simm.s32 $0x5;
	[sflag:s13] =	ssyncadd.s32 $0xFFFFE700  }
0x207: {  	[tilespmem:s23], [sflag:$0x4] =	stream.indirect.gather.add.f32 [hbm:s4], $0x20, s21, s10, $0xb8;
	[tilespmem:$0x1F4C8] =	vst v63  }
0x208: {  	_ =	swait.ge [sflag:s14], $0x1900  }
0x209: {  	[sflag:s14] =	ssyncset.done $0x0  }
0x20a: {  	s15 =	simm.s32 $0x6;
	[sflag:s14] =	ssyncadd.s32 $0xFFFFE700  }
0x20b: {  	[tilespmem:s24], [sflag:$0x5] =	stream.indirect.gather.add.f32 [hbm:s4], $0x20, s21, s10, $0xb8;
	[tilespmem:$0x1F4C8] =	vst v63  }
0x20c: {  	_ =	swait.ge [sflag:s15], $0x1900  }
0x20d: {  	[sflag:s15] =	ssyncset.done $0x0  }
0x20e: {  	s16 =	simm.s32 $0x7;
	[sflag:s15] =	ssyncadd.s32 $0xFFFFE700  }
0x20f: {  	[tilespmem:s25], [sflag:$0x6] =	stream.indirect.gather.add.f32 [hbm:s4], $0x20, s21, s10, $0xb8;
	[tilespmem:$0x1F4C8] =	vst v63  }
0x210: {  	_ =	swait.ge [sflag:s16], $0x1900  }
0x211: {  	[sflag:s16] =	ssyncset.done $0x0  }
0x212: {  	s8 =	simm.s32 $0x8;
	[sflag:s16] =	ssyncadd.s32 $0xFFFFE700  }
0x213: {  	[tilespmem:s28], [sflag:$0x7] =	stream.indirect.gather.add.f32 [hbm:s4], $0x20, s21, s10, $0xb8;
	[tilespmem:$0x1F4C8] =	vst v63  }
0x214: {  	_ =	swait.ge [sflag:s8], $0x1900  }
0x215: {  	[sflag:s8] =	ssyncset.done $0x0  }
0x216: {  	s5 =	simm.s32 $0x113C8;
	[sflag:s8] =	ssyncadd.s32 $0xFFFFE700  }
0x217: {  	[tilespmem:s5], [sflag:$0x8] =	stream.indirect.gather.add.f32 [hbm:s4], $0x20, s21, s10, $0xb8;
	[tilespmem:$0x1F4C8] =	vst v63  }
0x218: {  	s5 =	simm.s32 $0x9  }
0x219: {  	_ =	swait.ge [sflag:s5], $0x1900  }
0x21a: {  	[sflag:s5] =	ssyncset.done $0x0  }
0x21b: {  	s7 =	simm.s32 $0x12CC8;
	[sflag:s5] =	ssyncadd.s32 $0xFFFFE700  }
0x21c: {  	[tilespmem:s7], [sflag:$0x9] =	stream.indirect.gather.add.f32 [hbm:s4], $0x20, s21, s10, $0xb8;
	[tilespmem:$0x1F4C8] =	vst v63  }
0x21d: {  	s7 =	simm.s32 $0xA  }
0x21e: {  	_ =	swait.ge [sflag:s7], $0x1900  }
0x21f: {  	[sflag:s7] =	ssyncset.done $0x0  }
0x220: {  	s6 =	simm.s32 $0x145C8;
	[sflag:s7] =	ssyncadd.s32 $0xFFFFE700  }
0x221: {  	[tilespmem:s6], [sflag:$0xA] =	stream.indirect.gather.add.f32 [hbm:s4], $0x20, s21, s10, $0xb8;
	[tilespmem:$0x1F4C8] =	vst v63  }
0x222: {  	s6 =	simm.s32 $0xB  }
0x223: {  	_ =	swait.ge [sflag:s6], $0x1900  }
0x224: {  	[sflag:s6] =	ssyncset.done $0x0  }
0x225: {  	s31 =	simm.s32 $0x15EC8;
	[sflag:s6] =	ssyncadd.s32 $0xFFFFE700  }
0x226: {  	[tilespmem:s31], [sflag:$0xB] =	stream.indirect.gather.add.f32 [hbm:s4], $0x20, s21, s10, $0xb8;
	[tilespmem:$0x1F4C8] =	vst v63  }
0x227: {  	s31 =	simm.s32 $0xC  }
0x228: {  	_ =	swait.ge [sflag:s31], $0x1900  }
0x229: {  	[sflag:s31] =	ssyncset.done $0x0  }
0x22a: {  	s30 =	simm.s32 $0x177C8;
	[sflag:s31] =	ssyncadd.s32 $0xFFFFE700  }
0x22b: {  	[tilespmem:s30], [sflag:$0xC] =	stream.indirect.gather.add.f32 [hbm:s4], $0x20, s21, s10, $0xb8;
	[tilespmem:$0x1F4C8] =	vst v63  }
0x22c: {  	s30 =	simm.s32 $0xD  }
0x22d: {  	_ =	swait.ge [sflag:s30], $0x1900  }
0x22e: {  	[sflag:s30] =	ssyncset.done $0x0  }
0x22f: {  	s29 =	simm.s32 $0x190C8;
	[sflag:s30] =	ssyncadd.s32 $0xFFFFE700  }
0x230: {  	[tilespmem:s29], [sflag:$0xD] =	stream.indirect.gather.add.f32 [hbm:s4], $0x20, s21, s10, $0xb8;
	[tilespmem:$0x1F4C8] =	vst v63  }
0x231: {  	s29 =	simm.s32 $0xE  }
0x232: {  	_ =	swait.ge [sflag:s29], $0x1900  }
0x233: {  	[sflag:s29] =	ssyncset.done $0x0  }
0x234: {  	s2 =	simm.s32 $0x1A9C8;
	[sflag:s29] =	ssyncadd.s32 $0xFFFFE700  }
0x235: {  	[tilespmem:s2], [sflag:$0xE] =	stream.indirect.gather.add.f32 [hbm:s4], $0x20, s21, s10, $0xb8;
	[tilespmem:$0x1F4C8] =	vst v63  }
0x236: {  	s2 =	simm.s32 $0xF  }
0x237: {  	_ =	swait.ge [sflag:s2], $0x1900  }
0x238: {  	[sflag:s2] =	ssyncset.done $0x0  }
0x239: {  	s0 =	simm.s32 $0x1C2C8;
	[sflag:s2] =	ssyncadd.s32 $0xFFFFE700  }
0x23a: {  	[tilespmem:s0], [sflag:$0xF] =	stream.indirect.gather.add.f32 [hbm:s4], $0x20, s21, s10, $0xb8;
	[tilespmem:$0x1F4C8] =	vst v63  }
0x23b: {  	_ =	swait.ge [sflag:s1], $0x1900  }
0x23c: {  	[sflag:s1] =	ssyncset.done $0x0  }
0x23d: {  	[sflag:s1] =	ssyncadd.s32 $0xFFFFE700  }
0x23e: {  	[tilespmem:s19], [sflag:$0x10] =	stream.indirect.gather.add.f32 [hbm:s4], $0x20, s21, s10, $0xb8;
	[tilespmem:$0x1F4C8] =	vst v63  }
0x23f: {  	_ =	swait.ge [sflag:s9], $0x1900  }
0x240: {  	s0 =	rddreg [dreg:$0x12];
	[sflag:s9] =	ssyncset.done $0x0  }
0x241: {  	[sflag:s9] =	ssyncadd.s32 $0xFFFFE700;
	s18 =	sadd.s32 s17, s0;
	s0 =	simm.s32 $0x0  }
0x242: {  	[hbm4b:s18+s0] =	stream.linear.scatter [tilespmem:s20], [sflag:$0x1], $0x1900, $0x38;
	[tilespmem:$0x1F4C8] =	vst v63  }
0x243: {  	_ =	swait.ge [sflag:s11], $0x1900  }
0x244: {  	s20 =	rddreg [dreg:$0x11];
	[sflag:s11] =	ssyncset.done $0x0  }
0x245: {  	[sflag:s11] =	ssyncadd.s32 $0xFFFFE700;
	s18 =	sadd.s32 s17, s20  }
0x246: {  	[hbm4b:s18+s0] =	stream.linear.scatter [tilespmem:s26], [sflag:$0x2], $0x1900, $0x38;
	[tilespmem:$0x1F4C8] =	vst v63  }
0x247: {  	_ =	swait.ge [sflag:s12], $0x1900  }
0x248: {  	s20 =	rddreg [dreg:$0x10];
	[sflag:s12] =	ssyncset.done $0x0  }
0x249: {  	[sflag:s12] =	ssyncadd.s32 $0xFFFFE700;
	s18 =	sadd.s32 s17, s20  }
0x24a: {  	[hbm4b:s18+s0] =	stream.linear.scatter [tilespmem:s22], [sflag:$0x3], $0x1900, $0x38;
	[tilespmem:$0x1F4C8] =	vst v63  }
0x24b: {  	_ =	swait.ge [sflag:s13], $0x1900  }
0x24c: {  	s22 =	rddreg [dreg:$0xf];
	[sflag:s13] =	ssyncset.done $0x0  }
0x24d: {  	[sflag:s13] =	ssyncadd.s32 $0xFFFFE700;
	s18 =	sadd.s32 s17, s22  }
0x24e: {  	[hbm4b:s18+s0] =	stream.linear.scatter [tilespmem:s23], [sflag:$0x4], $0x1900, $0x38;
	[tilespmem:$0x1F4C8] =	vst v63  }
0x24f: {  	_ =	swait.ge [sflag:s14], $0x1900  }
0x250: {  	s23 =	rddreg [dreg:$0xe];
	[sflag:s14] =	ssyncset.done $0x0  }
0x251: {  	[sflag:s14] =	ssyncadd.s32 $0xFFFFE700;
	s18 =	sadd.s32 s17, s23  }
0x252: {  	[hbm4b:s18+s0] =	stream.linear.scatter [tilespmem:s24], [sflag:$0x5], $0x1900, $0x38;
	[tilespmem:$0x1F4C8] =	vst v63  }
0x253: {  	_ =	swait.ge [sflag:s15], $0x1900  }
0x254: {  	s26 =	rddreg [dreg:$0xd];
	[sflag:s15] =	ssyncset.done $0x0  }
0x255: {  	[sflag:s15] =	ssyncadd.s32 $0xFFFFE700;
	s18 =	sadd.s32 s17, s26  }
0x256: {  	[hbm4b:s18+s0] =	stream.linear.scatter [tilespmem:s25], [sflag:$0x6], $0x1900, $0x38;
	[tilespmem:$0x1F4C8] =	vst v63  }
0x257: {  	_ =	swait.ge [sflag:s16], $0x1900  }
0x258: {  	s20 =	rddreg [dreg:$0xc];
	[sflag:s16] =	ssyncset.done $0x0  }
0x259: {  	[sflag:s16] =	ssyncadd.s32 $0xFFFFE700;
	s18 =	sadd.s32 s17, s20  }
0x25a: {  	[hbm4b:s18+s0] =	stream.linear.scatter [tilespmem:s28], [sflag:$0x7], $0x1900, $0x38;
	[tilespmem:$0x1F4C8] =	vst v63  }
0x25b: {  	_ =	swait.ge [sflag:s8], $0x1900  }
0x25c: {  	s22 =	rddreg [dreg:$0xb];
	[sflag:s8] =	ssyncset.done $0x0  }
0x25d: {  	s23 =	simm.s32 $0x113C8;
	[sflag:s8] =	ssyncadd.s32 $0xFFFFE700;
	s18 =	sadd.s32 s17, s22  }
0x25e: {  	[hbm4b:s18+s0] =	stream.linear.scatter [tilespmem:s23], [sflag:$0x8], $0x1900, $0x38;
	[tilespmem:$0x1F4C8] =	vst v63  }
0x25f: {  	_ =	swait.ge [sflag:s5], $0x1900  }
0x260: {  	s24 =	rddreg [dreg:$0xa];
	[sflag:s5] =	ssyncset.done $0x0  }
0x261: {  	s25 =	simm.s32 $0x12CC8;
	[sflag:s5] =	ssyncadd.s32 $0xFFFFE700;
	s18 =	sadd.s32 s17, s24  }
0x262: {  	[hbm4b:s18+s0] =	stream.linear.scatter [tilespmem:s25], [sflag:$0x9], $0x1900, $0x38;
	[tilespmem:$0x1F4C8] =	vst v63  }
0x263: {  	_ =	swait.ge [sflag:s7], $0x1900  }
0x264: {  	s26 =	rddreg [dreg:$0x9];
	[sflag:s7] =	ssyncset.done $0x0  }
0x265: {  	s28 =	simm.s32 $0x145C8;
	[sflag:s7] =	ssyncadd.s32 $0xFFFFE700;
	s18 =	sadd.s32 s17, s26  }
0x266: {  	[hbm4b:s18+s0] =	stream.linear.scatter [tilespmem:s28], [sflag:$0xA], $0x1900, $0x38;
	[tilespmem:$0x1F4C8] =	vst v63  }
0x267: {  	_ =	swait.ge [sflag:s6], $0x1900  }
0x268: {  	s22 =	rddreg [dreg:$0x8];
	[sflag:s6] =	ssyncset.done $0x0  }
0x269: {  	s23 =	simm.s32 $0x15EC8;
	[sflag:s6] =	ssyncadd.s32 $0xFFFFE700;
	s18 =	sadd.s32 s17, s22  }
0x26a: {  	[hbm4b:s18+s0] =	stream.linear.scatter [tilespmem:s23], [sflag:$0xB], $0x1900, $0x38;
	[tilespmem:$0x1F4C8] =	vst v63  }
0x26b: {  	_ =	swait.ge [sflag:s31], $0x1900  }
0x26c: {  	s24 =	rddreg [dreg:$0x7];
	[sflag:s31] =	ssyncset.done $0x0  }
0x26d: {  	s25 =	simm.s32 $0x177C8;
	[sflag:s31] =	ssyncadd.s32 $0xFFFFE700;
	s18 =	sadd.s32 s17, s24  }
0x26e: {  	[hbm4b:s18+s0] =	stream.linear.scatter [tilespmem:s25], [sflag:$0xC], $0x1900, $0x38;
	[tilespmem:$0x1F4C8] =	vst v63  }
0x26f: {  	_ =	swait.ge [sflag:s30], $0x1900  }
0x270: {  	s26 =	rddreg [dreg:$0x6];
	[sflag:s30] =	ssyncset.done $0x0  }
0x271: {  	s28 =	simm.s32 $0x190C8;
	[sflag:s30] =	ssyncadd.s32 $0xFFFFE700;
	s18 =	sadd.s32 s17, s26  }
0x272: {  	[hbm4b:s18+s0] =	stream.linear.scatter [tilespmem:s28], [sflag:$0xD], $0x1900, $0x38;
	[tilespmem:$0x1F4C8] =	vst v63  }
0x273: {  	_ =	swait.ge [sflag:s29], $0x1900  }
0x274: {  	s22 =	rddreg [dreg:$0x5];
	[sflag:s29] =	ssyncset.done $0x0  }
0x275: {  	s23 =	simm.s32 $0x1A9C8;
	[sflag:s29] =	ssyncadd.s32 $0xFFFFE700;
	s18 =	sadd.s32 s17, s22  }
0x276: {  	[hbm4b:s18+s0] =	stream.linear.scatter [tilespmem:s23], [sflag:$0xE], $0x1900, $0x38;
	[tilespmem:$0x1F4C8] =	vst v63  }
0x277: {  	_ =	swait.ge [sflag:s2], $0x1900  }
0x278: {  	s24 =	rddreg [dreg:$0x4];
	[sflag:s2] =	ssyncset.done $0x0  }
0x279: {  	s25 =	simm.s32 $0x1C2C8;
	[sflag:s2] =	ssyncadd.s32 $0xFFFFE700;
	s18 =	sadd.s32 s17, s24  }
0x27a: {  	[hbm4b:s18+s0] =	stream.linear.scatter [tilespmem:s25], [sflag:$0xF], $0x1900, $0x38;
	[tilespmem:$0x1F4C8] =	vst v63  }
0x27b: {  	_ =	swait.ge [sflag:s1], $0x1900  }
0x27c: {  	s26 =	rddreg [dreg:$0x3];
	[sflag:s1] =	ssyncset.done $0x0  }
0x27d: {  	s28 =	sadd.s32 s17, s26;
	[sflag:s1] =	ssyncadd.s32 $0xFFFFE700  }
0x27e: {  	[hbm4b:s28+s0] =	stream.linear.scatter [tilespmem:s19], [sflag:$0x10], $0x1900, $0x38;
	[tilespmem:$0x1F4C8] =	vst v63  }
0x27f: {  	_ =	swait.ge [sflag:s9], $0x1900  }
0x280: {  	[sflag:s9] =	ssyncset.done $0x0  }
0x281: {  	[sflag:s9] =	ssyncadd.s32 $0xFFFFE700  }
0x282: {  	_ =	swait.ge [sflag:s11], $0x1900  }
0x283: {  	[sflag:s11] =	ssyncset.done $0x0  }
0x284: {  	[sflag:s11] =	ssyncadd.s32 $0xFFFFE700  }
0x285: {  	_ =	swait.ge [sflag:s12], $0x1900  }
0x286: {  	[sflag:s12] =	ssyncset.done $0x0  }
0x287: {  	[sflag:s12] =	ssyncadd.s32 $0xFFFFE700  }
0x288: {  	_ =	swait.ge [sflag:s13], $0x1900  }
0x289: {  	[sflag:s13] =	ssyncset.done $0x0  }
0x28a: {  	[sflag:s13] =	ssyncadd.s32 $0xFFFFE700  }
0x28b: {  	_ =	swait.ge [sflag:s14], $0x1900  }
0x28c: {  	[sflag:s14] =	ssyncset.done $0x0  }
0x28d: {  	[sflag:s14] =	ssyncadd.s32 $0xFFFFE700  }
0x28e: {  	_ =	swait.ge [sflag:s15], $0x1900  }
0x28f: {  	[sflag:s15] =	ssyncset.done $0x0  }
0x290: {  	[sflag:s15] =	ssyncadd.s32 $0xFFFFE700  }
0x291: {  	_ =	swait.ge [sflag:s16], $0x1900  }
0x292: {  	[sflag:s16] =	ssyncset.done $0x0  }
0x293: {  	[sflag:s16] =	ssyncadd.s32 $0xFFFFE700  }
0x294: {  	_ =	swait.ge [sflag:s8], $0x1900  }
0x295: {  	[sflag:s8] =	ssyncset.done $0x0  }
0x296: {  	[sflag:s8] =	ssyncadd.s32 $0xFFFFE700  }
0x297: {  	_ =	swait.ge [sflag:s5], $0x1900  }
0x298: {  	[sflag:s5] =	ssyncset.done $0x0  }
0x299: {  	[sflag:s5] =	ssyncadd.s32 $0xFFFFE700  }
0x29a: {  	_ =	swait.ge [sflag:s7], $0x1900  }
0x29b: {  	[sflag:s7] =	ssyncset.done $0x0  }
0x29c: {  	[sflag:s7] =	ssyncadd.s32 $0xFFFFE700  }
0x29d: {  	_ =	swait.ge [sflag:s6], $0x1900  }
0x29e: {  	[sflag:s6] =	ssyncset.done $0x0  }
0x29f: {  	[sflag:s6] =	ssyncadd.s32 $0xFFFFE700  }
0x2a0: {  	_ =	swait.ge [sflag:s31], $0x1900  }
0x2a1: {  	[sflag:s31] =	ssyncset.done $0x0  }
0x2a2: {  	[sflag:s31] =	ssyncadd.s32 $0xFFFFE700  }
0x2a3: {  	_ =	swait.ge [sflag:s30], $0x1900  }
0x2a4: {  	[sflag:s30] =	ssyncset.done $0x0  }
0x2a5: {  	[sflag:s30] =	ssyncadd.s32 $0xFFFFE700  }
0x2a6: {  	_ =	swait.ge [sflag:s29], $0x1900  }
0x2a7: {  	[sflag:s29] =	ssyncset.done $0x0  }
0x2a8: {  	[sflag:s29] =	ssyncadd.s32 $0xFFFFE700  }
0x2a9: {  	_ =	swait.ge [sflag:s2], $0x1900  }
0x2aa: {  	[sflag:s2] =	ssyncset.done $0x0  }
0x2ab: {  	[sflag:s2] =	ssyncadd.s32 $0xFFFFE700  }
0x2ac: {  	_ =	swait.ge [sflag:s1], $0x1900  }
0x2ad: {  	s30 =	rddreg [dreg:$0x18]  }
0x2ae: {  	s31 =	rddreg [dreg:$0x17];
	s0 =	sadd.s32 $0x1, s30  }
0x2af: {  	p0 =	sne.s32 s0, s31  }
.Ltmp1:
0x2b0: {  	_ = 	snop;
	(pc) =	sbr.rel @p0 .LBB2_1-.Ltmp1, $3  }
0x2b1: {  	_ =	sdelay $0x1  }
0x2b2: {  	[sflag:s1] =	ssyncset.done $0x0  }
0x2b3: {  	[sflag:s1] =	ssyncadd.s32 $0xFFFFE700  }
0x2b4: {  	_ =	sfence.sel $0x180000  }
0x2b5: {  	[bflag:$0x0] =	sbarrier.arrive $0xFFFF  }
0x2b6: {  	_ =	strace $0x90000047  }
0x2b7: {  	s0 =	stileid.u32;
	[bflag:$0x2] =	sbarrier.arrive $0xFFFF  }
0x2b8: {  	p0 =	sne.s32 s0, $0x0;
	s0 =	rddreg [dreg:$0x2]  }
0x2b9: {  	s0 =	sadd.s32 @!p0 $0x100000, s0  }
0x2ba: {  	[sflag:s0] =	ssyncadd.tile.s32 @!p0 $0x1;
	_ =	shalt  }
.Lfunc_end2:
_tile_overlayer_lowered:
.L_overlay_start_2:
0x2bb: {  	(tag) =	ssettag $0x2  }
0x2bc: {  	s0 =	rddreg [dreg:$0x0];
	s2 =	stileid.u32  }
0x2bd: {  	s1 =	rddreg [dreg:$0x1];
	p0 =	sne.s32 s2, $0x0  }
0x2be: {  	s3 =	rddreg [dreg:$0x2];
	[bflag:$0x3] =	sbarrier.arrive $0xFFFF;
	s2 =	simm.s32 @!p0 $0x1C11  }
0x2bf: {  	[timem:s3], [sflag:s2] =	dma.local @!p0 [hbm:s0], s1  }
0x2c0: {  	s0 =	simm.s32 @!p0 $0x11  }
0x2c1: {  	_ =	swait.ge @!p0 [sflag:s0], s1  }
0x2c2: {  	s1 =	ssub.s32 @!p0 $0x0, s1;
	[sflag:s0] =	ssyncset.done @!p0 $0x0  }
0x2c3: {  	[sflag:s0] =	ssyncadd.s32 @!p0 s1  }
0x2c4: {  	[bflag:$0x3] =	sbarrier.arrive $0xFFFF  }
0x2c5: {  	_ =	shalt  }

// kernel: sparse-core-data-format-call.cloned.1.call-start
scs
called_computation_lowered:
.L_overlay_start_0:
0x0: {  	s2 =	sld [smem:$0x3FD9]  }
0x1: {  	s3 =	sld [smem:$0x3FFE];
	_ =	sdelay $0x1  }
0x2: {  	s1 =	srdreg.scid  }
0x3: {  	s0 =	sand.u32 $0x1, s1  }
0x4: {  	s18 =	sshll.u32 s0, $0xA;
	s2 =	sadd.s32 s3, s2  }
0x5: {  	s2 =	sadd.s32 s2, s18  }
0x6: {  	[smem:$0x3FC5] =	sst s2  }
0x7: {  	_ = 	snop  }
0x8: {  	s2 =	sld [smem:$0x3FD0];
	(tm) =	ssettm $0x1  }
0x9: {  	s19 =	sld [smem:$0x3FFB];
	_ =	sdelay $0x3  }
0xa: {  	_ =	strace s19  }
0xb: {  	s3 =	sld [smem:$0x3FFC];
	_ =	sdelay $0x3  }
0xc: {  	_ =	strace s3  }
0xd: {  	s3 =	sld [smem:$0x3FFD];
	_ =	sdelay $0x3  }
0xe: {  	_ =	strace s3  }
0xf: {  	_ =	strace $0x8FFFFFFF  }
0x10: {  	s20 =	sld [smem:$0x3FDB];
	_ =	sdelay $0x1  }
0x11: {  	s4 =	simm.s32 $_scs_section_size  }
0x12: {  	s5 =	simm.s32 $_size__tile_overlayer_lowered;
	s6 =	simm.s32 $_tile_overlayer_lowered  }
0x13: {  	s23 =	simm.s32 $0x1BFF;
	s22 =	sshll.u32 s6, $0x1;
	s3 =	sadd.s32 s4, s20  }
0x14: {  	s7 =	simm.s32 $0x0;
	s21 =	sshll.u32 s5, $0x1;
	s5 =	sadd.s32 s22, s3  }
0x15: {  	[timem:s7], [sflag:s23] =	dma.local [hbm:s5], s21  }
0x16: {  	_ =	swait.ge [sflag:s23], s21  }
0x17: {  	s4 =	ssub.s32 $0x0, s21;
	[sflag:s23] =	ssyncset.done $0x0  }
0x18: {  	[sflag:s23] =	ssyncadd.s32 s4;
	_ =	sdelay $0x1  }
0x19: {  	s24 =	simm.s32 $0x1B8B  }
0x1a: {  	_ =	swait.ge [sflag:s24], $0x1  }
0x1b: {  	[sflag:s24] =	ssyncset.done $0x0  }
0x1c: {  	s26 =	simm.s32 $0x1B8E;
	s25 =	sld [smem:$0x3FFE];
	[sflag:s24] =	ssyncadd.s32 $0xFFFFFFFF  }
0x1d: {  	s27 =	simm.s32 $execute0_lowered;
	[smem:$0x3FD2] =	sst s26  }
0x1e: {  	s5 =	sshll.u32 s27, $0x1;
	_ =	strace $0x80000049;
	[dreg:$0x1] =	wrdreg $0xFFFFFFFF  }
0x1f: {  	s28 =	simm.s32 $_size_execute0_lowered;
	s3 =	sadd.s32 s3, s5;
	[dreg:$0x0] =	wrdreg $0x0  }
0x20: {  	s5 =	sshll.u32 s28, $0x1;
	[dreg:$0x2] =	wrdreg s3  }
0x21: {  	[dreg:$0x3] =	wrdreg s5  }
0x22: {  	[dreg:$0x4] =	wrdreg $0xC0  }
0x23: {  	_ =	task [dreg:s7], $0x5FFFF  }
0x24: {  	[dreg:$0x1] =	wrdreg $0xFFFFFFFF  }
0x25: {  	[dreg:$0x0] =	wrdreg $0x60  }
0x26: {  	[dreg:$0x2] =	wrdreg s25  }
0x27: {  	[dreg:$0x3] =	wrdreg s2  }
0x28: {  	[dreg:$0x4] =	wrdreg $0x9  }
0x29: {  	_ =	task.clear_ibuf [dreg:s7], $0x5FFFF;
	_ =	strace $0x90000049  }
0x2a: {  	s29 =	simm.s32 $0x9;
	_ =	strace $0x8000004B  }
0x2b: {  	_ =	swait.ge [sflag:s29], $0x1  }
0x2c: {  	[sflag:s29] =	ssyncadd.s32 $0xFFFFFFFF  }
0x2d: {  	_ =	strace $0x9000004B  }
0x2e: {  	_ =	sfence  }
0x2f: {  	s30 =	sld [smem:$0x0];
	_ =	sdelay $0x2  }
0x30: {  	s31 =	sshll.u32 s1, $0xD;
	s1 =	sshrl.u32 s1, $0x2  }
0x31: {  	s3 =	sand.u32 $0x4000, s31;
	s1 =	sadd.s32 s1, s30  }
0x32: {  	s0 =	sor.u32 s3, s0;
	s1 =	sshll.u32 s1, $0x11  }
0x33: {  	s0 =	sor.u32 s1, s0  }
0x34: {  	s0 =	sadd.s32 $0x8F2B, s0  }
0x35: {  	[sflag:s0] =	ssyncadd.remote.s32 $0x1  }
0x36: {  	_ =	sfence.sel $0xFFFF  }
0x37: {  	[dreg:$0x0] =	wrdreg $0xFFFFFFFF;
	(pc) =	sbr.abs _section_cstart, $3  }
0x38: {  	[dreg:$0x1] =	wrdreg $0xFFFFFFFF  }
0x39: {  	_ =	task.clear_ibuf [dreg:s7], $0x2FFFF;
	_ =	strace $0x9FFFFFFF  }
0x3a: {  	(tm) =	ssettm $0x7FFFFFFF  }
0x3b: {  	_ =	shalt  }
tec
execute0_lowered:
.L_overlay_start_1:
0x0: {  	(tag) =	ssettag $0x1  }
0x1: {  	s0 =	srdreg.scid  }
0x2: {  	s1 =	sshll.u32 s0, $0x4  }
0x3: {  	s0 =	stileid.u32;
	s1 =	sand.u32 $0x10, s1  }
0x4: {  	s1 =	sor.u32 s0, s1  }
0x5: {  	s6 =	rddreg [dreg:$0x0];
	s4 =	simm.s32 $0x1;
	s2 =	sshll.u32 s1, $0x7  }
0x6: {  	s7 =	simm.s32 $0x2;
	s12 =	simm.s32 $0x0;
	s1 =	ssub.s32 $0x1000, s2  }
0x7: {  	s8 =	simm.s32 $0x8000;
	s13 =	simm.s32 $0x0;
	s3 =	sand.u32 $0xF80, s1  }
0x8: {  	s9 =	simm.s32 $0x0;
	s5 =	sshrl.u32 s1, $0xC;
	p0 =	sne.s32 s3, $0x0  }
.Ltmp0:
0x9: {  	s1 =	rddreg [dreg:$0x2];
	s4 =	simm.s32 @!p0 $0x0;
	(pc) =	sbr.rel .LBB1_1-.Ltmp0, $4  }
0xa: {  	s11 =	simm.s32 $0x0;
	s3 =	rddreg [dreg:$0x1];
	s5 =	sadd.s32 s4, s5  }
0xb: {  	_ =	strace $0x8000004A;
	s4 =	simm.s32 $0x1;
	s5 =	smul.u32 $0xC8, s5  }
0xc: {  	s6 =	sadd.s32 $0xC00, s6;
	s10 =	smov.u32 s2;
	[sflag:s4] =	ssyncpa.u1 $0x0  }
0xd: {  	p0 =	por $0x0, $0x0;
	[sflag:s7] =	ssyncpa.u1 $0x0;
	s7 =	sor.u32 $0x1, s5  }
.LBB1_4:
0xe: {  	s16 =	sshll.u32 s13, $0x3;
	s17 =	sand.u32 $0x78, s13  }
0xf: {  	s30 =	sand.u32 $0x3E00, s13;
	s12 =	sshll.u32 s12, $0xE;
	s16 =	sand.u32 $0xC00, s16  }
0x10: {  	s31 =	sand.u32 $0x7, s13;
	s16 =	sor.u32 s17, s16;
	s17 =	sadd.s32 s3, s30  }
0x11: {  	s13 =	sshll.u32 s31, $0x12;
	s16 =	sshrl.u32 s16, $0x3;
	s12 =	sadd.s32 s12, s17  }
0x12: {  	[tilespmem:s15+$0x0 ss:$0x81] =	vst.msk $0xffff, v0;
	s13 =	sor.u32 $0x400, s13;
	s12 =	sadd.s32 s16, s12  }
0x13: {  	[hbm4b:s12+s13] =	stream.strided.scatter [tilespmem:s14], [sflag:$0x2], $0x1000, s8, s13, $0x20;
	[tilespmem:$0x4040] =	vst v63  }
.LBB1_5:
0x14: {  	s14 =	sadd.s32 $0x1, s9  }
0x15: {  	s12 =	sadd.s32 $0x1000, s10;
	s16 =	smov.u32 s10;
	p2 =	sgt.s32 s14, $0xC7  }
0x16: {  	s16 =	smov.u32 @p2 s12  }
0x17: {  	s14 =	simm.s32 @p2 $0x0;
	p2 =	sgt.s32 s16, $0xFFF  }
0x18: {  	s16 =	smov.u32 @p2 s2;
	p2 =	sne.s32 s11, s7  }
.Ltmp1:
0x19: {  	p1 =	slt.u32 s11, $0x2;
	(pc) =	sbr.rel @!p2 .LBB1_6-.Ltmp1, $4  }
0x1a: {  	s15 =	simm.s32 @!p1 $0x2  }
0x1b: {  	s13 =	smov.u32 s10;
	p0 =	por !p0, !p0;
	_ =	swait.ge @!p1 [sflag:s15], $0x1000  }
0x1c: {  	s12 =	smov.u32 s9;
	[sflag:s15] =	ssyncset.done @!p1 $0x0;
	s9 =	smov.u32 s14  }
0x1d: {  	s11 =	sadd.s32 $0x1, s11;
	[sflag:s15] =	ssyncadd.s32 @!p1 $0xFFFFF000;
	s10 =	smov.u32 s16  }
.LBB1_1:
0x1e: {  	p1 =	sge.u32 s11, s5  }
0x1f: {  	s14 =	sand.u32 @!p1 $0x1FFFFFF, s9  }
0x20: {  	s15 =	smulhi.u32 @!p1 $0x147AE15, s14;
	_ =	sdelay $0x1  }
0x21: {  	s15 =	smul.u32 @!p1 $0xC8, s15  }
0x22: {  	s16 =	sxor.u32 @!p1 $0xFFFFFFFF, s11;
	s17 =	smul.u32 @!p1 $0xC80, s10  }
0x23: {  	s31 =	sadd.s32 $0xFFFFFFFF, s11;
	s16 =	sshll.u32 @!p1 s16, $0xC;
	s14 =	ssub.s32 @!p1 s14, s15  }
0x24: {  	s15 =	sand.u32 @!p1 $0x1000, s16;
	s16 =	sadd.s32 @!p1 s6, s17;
	s14 =	sshll.u32 @!p1 s14, $0x4  }
0x25: {  	s17 =	simm.s32 @!p1 $0x6400;
	s14 =	sadd.s32 @!p1 s14, s16;
	s16 =	simm.s32 @!p1 $0x20  }
0x26: {  	[tilespmem:s15], [sflag:$0x1] =	stream.strided.gather @!p1 [hbm4b:s14+s16], $0x1000, s17, s16, $0x38;
	[tilespmem:$0x4040] =	vst v63  }
0x27: {  	p1 =	sge.u32 s31, s5  }
.Ltmp2:
0x28: {  	_ = 	snop;
	(pc) =	sbr.rel @p1 .LBB1_5-.Ltmp2, $1  }
0x29: {  	_ =	sdelay $0x3  }
0x2a: {  	s14 =	simm.s32 $0x1  }
0x2b: {  	_ =	swait.ge [sflag:s4], $0x1000;
	s14 =	simm.s32 @!p0 $0x0  }
0x2c: {  	[sflag:s4] =	ssyncset.done $0x0;
	s15 =	sshll.u32 s14, $0xC  }
0x2d: {  	[sflag:s4] =	ssyncadd.s32 $0xFFFFF000;
	s18 =	sor.u32 $0x10, s15  }
0x2e: {  	s14 =	smul.u32 $0x4080, s14;
	v1 =	vld [tilespmem:s18+$0x0]  }
0x2f: {  	s30 =	sand.u32 $0x1, s11;
	v0 =	vld [tilespmem:s18+$0xFFFFFFF0]  }
0x30: {  	s15 =	smul.u32 $0x4080, s30;
	s14 =	sshrl.u32 s14, $0x2  }
0x31: {  	s16 =	sor.u32 $0x2000, s14  }
0x32: {  	s31 =	sshrl.u32 s15, $0x2;
	s15 =	sadd.s32 $0x0, s16  }
0x33: {  	s17 =	simm.s32 $0x4;
	s18 =	sadd.s32 $0x20, s18;
	s14 =	sor.u32 $0x2000, s31;
	[tilespmem:s15+$0x810 ss:$0x81] =	vst.msk $0xffff, v1  }
.LBB1_3:
0x34: {  	v1 =	vld [tilespmem:s18+$0x0];
	p1 =	sne.s32 s17, $0x1FC;
	[tilespmem:s15+$0x0 ss:$0x81] =	vst.msk $0xffff, v0;
	s15 =	smov.u32 s17;
	s17 =	sadd.s32 $0x4, s17  }
.Ltmp3:
0x35: {  	v0 =	vld [tilespmem:s18+$0xFFFFFFF0];
	(pc) =	sbr.rel @p1 .LBB1_3-.Ltmp3, $4  }
0x36: {  	_ = 	snop  }
0x37: {  	s15 =	sshra.s32 s15, $0x2  }
0x38: {  	s15 =	sadd.s32 s15, s16  }
0x39: {  	s18 =	sadd.s32 $0x20, s18;
	[tilespmem:s15+$0x810 ss:$0x81] =	vst.msk $0xffff, v1  }
.Ltmp4:
0x3a: {  	_ = 	snop;
	(pc) =	sbr.rel .LBB1_4-.Ltmp4, $1  }
0x3b: {  	_ =	sdelay $0x3  }
.LBB1_6:
0x3c: {  	_ =	sfence.sel $0x180000  }
0x3d: {  	s2 =	simm.s32 $0x1;
	[bflag:$0x0] =	sbarrier.arrive $0xFFFF  }
0x3e: {  	s31 =	simm.s32 $0x2;
	[sflag:s2] =	ssyncpa.u1 $0x1  }
0x3f: {  	[sflag:s31] =	ssyncpa.u1 $0x1  }
0x40: {  	p0 =	sne.s32 s0, $0x0;
	_ =	strace $0x9000004A  }
0x41: {  	s0 =	sadd.s32 @!p0 $0x100000, s1;
	[bflag:$0x2] =	sbarrier.arrive $0xFFFF  }
0x42: {  	[sflag:s0] =	ssyncadd.tile.s32 @!p0 $0x1;
	_ =	shalt  }
.Lfunc_end1:
_tile_overlayer_lowered:
.L_overlay_start_2:
0x43: {  	(tag) =	ssettag $0x2  }
0x44: {  	s0 =	rddreg [dreg:$0x0];
	s2 =	stileid.u32  }
0x45: {  	s1 =	rddreg [dreg:$0x1];
	p0 =	sne.s32 s2, $0x0  }
0x46: {  	s3 =	rddreg [dreg:$0x2];
	[bflag:$0x3] =	sbarrier.arrive $0xFFFF;
	s2 =	simm.s32 @!p0 $0x1C01  }
0x47: {  	[timem:s3], [sflag:s2] =	dma.local @!p0 [hbm:s0], s1  }
0x48: {  	s0 =	simm.s32 @!p0 $0x1  }
0x49: {  	_ =	swait.ge @!p0 [sflag:s0], s1  }
0x4a: {  	s1 =	ssub.s32 @!p0 $0x0, s1;
	[sflag:s0] =	ssyncset.done @!p0 $0x0  }
0x4b: {  	[sflag:s0] =	ssyncadd.s32 @!p0 s1  }
0x4c: {  	[bflag:$0x3] =	sbarrier.arrive $0xFFFF  }
0x4d: {  	_ =	shalt  }

</sc_bundles>
